<compile_context>
chip_gen: v7x
topology: tpu7x:2x2x1
jax: 0.10.2.dev20260603
libtpu: 0.0.44.dev20260713+nightly
codegen_flags: <defaults>
</compile_context>

<pallas_src>
import functools

import jax
import jax.numpy as jnp
from jax import lax
from jax.experimental import pallas as pl
from jax.experimental.pallas import tpu as pltpu
from jax.experimental.pallas import tpu_sc as plsc

NODE = 128
FEAT = 16
D = NODE * FEAT
ROW_TILE = 1600
TC_ROWS = 23488
N_WORKERS = 32


def _tc_kernel(x_ref, w_ref, o_ref):
    o_ref[...] = jnp.dot(x_ref[...], w_ref[...],
                         preferred_element_type=jnp.float32)


def _tc_part(x2, w, tc_rows):
    return pl.pallas_call(
        _tc_kernel,
        grid=(pl.cdiv(tc_rows, ROW_TILE),),
        in_specs=[
            pl.BlockSpec((ROW_TILE, D), lambda i: (i, 0)),
            pl.BlockSpec((D, NODE), lambda i: (0, 0)),
        ],
        out_specs=pl.BlockSpec((ROW_TILE, NODE), lambda i: (i, 0)),
        out_shape=jax.ShapeDtypeStruct((tc_rows, NODE), jnp.float32),
    )(x2, w)


PITCH = 2056


def _sc_part(x2, e_flat, tc_rows, sc_rows):
    n_groups = sc_rows // 16
    mesh = plsc.VectorSubcoreMesh(core_axis_name="c", subcore_axis_name="s")

    @functools.partial(
        pl.kernel,
        mesh=mesh,
        compiler_params=pltpu.CompilerParams(needs_layout_passes=False),
        out_type=jax.ShapeDtypeStruct((sc_rows * NODE,), jnp.float32),
        scratch_types=[
            pltpu.VMEM((16, PITCH), jnp.float32),
            pltpu.VMEM((16, PITCH), jnp.float32),
            pltpu.VMEM((16 * NODE,), jnp.float32),
            pltpu.VMEM((D,), jnp.float32),
            pltpu.SemaphoreType.DMA,
            pltpu.SemaphoreType.DMA,
        ],
    )
    def sck(x_hbm, e_hbm, out_hbm, xb0, xb1, obuf, ebuf, sem0, sem1):
        wid = lax.axis_index("s") * 2 + lax.axis_index("c")
        pltpu.sync_copy(e_hbm, ebuf)
        lanes = lax.iota(jnp.int32, 16)
        out_base = lanes * NODE
        xbufs = (xb0, xb1)
        sems = (sem0, sem1)
        my_groups = (n_groups - wid + N_WORKERS - 1) // N_WORKERS

        def in_copy(i, slot):
            g = wid + i * N_WORKERS
            return pltpu.make_async_copy(
                x_hbm.at[pl.ds(tc_rows + g * 16, 16), :],
                xbufs[slot].at[:, pl.ds(0, D)], sems[slot])

        for slot in (0, 1):
            @pl.when(slot < my_groups)
            def _():
                in_copy(slot, slot).start()

        def compute(xbuf):
            def n_body(n4, c2):
                for j in range(4):
                    n = n4 * 4 + j
                    vs = []
                    for f in range(FEAT):
                        colv = jnp.full((16,), n * FEAT + f, jnp.int32)
                        v = plsc.load_gather(xbuf, [lanes, colv])
                        ev = plsc.load_gather(ebuf, [colv])
                        vs.append(v * ev)
                    a0 = (vs[0] + vs[4]) + (vs[8] + vs[12])
                    a1 = (vs[1] + vs[5]) + (vs[9] + vs[13])
                    a2 = (vs[2] + vs[6]) + (vs[10] + vs[14])
                    a3 = (vs[3] + vs[7]) + (vs[11] + vs[15])
                    plsc.store_scatter(
                        obuf, [out_base + jnp.full((16,), n, jnp.int32)],
                        (a0 + a1) + (a2 + a3))
                return c2

            lax.fori_loop(0, NODE // 4, n_body, 0)

        def pair_body(i2, carry):
            for slot in (0, 1):
                i = i2 * 2 + slot

                @pl.when(i < my_groups)
                def _():
                    g = wid + i * N_WORKERS
                    in_copy(i, slot).wait()
                    compute(xbufs[slot])
                    pltpu.sync_copy(
                        obuf, out_hbm.at[pl.ds(g * 16 * NODE, 16 * NODE)])

                    @pl.when(i + 2 < my_groups)
                    def _():
                        in_copy(i + 2, slot).start()
            return carry

        lax.fori_loop(0, (my_groups + 1) // 2, pair_body, 0)

    return sck(x2, e_flat)


def kernel(input_tensor, embedding):
    b, s, h, d = input_tensor.shape
    rows = b * s * h
    x2 = input_tensor.reshape(rows, d)
    e_flat = embedding.reshape(d)
    k = jnp.arange(d)
    w = jnp.zeros((d, NODE), jnp.float32).at[k, k // FEAT].set(e_flat)
    tc_out = _tc_part(x2, w, TC_ROWS)
    sc_out = _sc_part(x2, e_flat, TC_ROWS, rows - TC_ROWS)
    return jnp.concatenate(
        [tc_out, sc_out.reshape(rows - TC_ROWS, NODE)],
        axis=0).reshape(b, s, h, NODE)

# --- scband reference (transcript-rebuilt; emitter-appended) ---
"""Pipeline reference for scband-model-14663018348910 (READ-ONLY COPY).

The authoritative reference and input builder live on the scoring server;
editing this copy changes nothing except your own understanding.
"""

import jax, jax.numpy as jnp
import numpy as np

NODE_FEATURE = 128
FEATURE_DIM = 16

def setup_inputs(seed: int = 0) -> dict:
    key = jax.random.key(seed)
    k1, k2 = jax.random.split(key)
    input_tensor = jax.random.normal(k1, (2, 12, 1000, NODE_FEATURE * FEATURE_DIM), dtype=jnp.float32)
    # xavier normal init for embedding [node_feature, feature_dim]
    std = float(np.sqrt(2.0 / (NODE_FEATURE + FEATURE_DIM)))
    embedding = jax.random.normal(k2, (NODE_FEATURE, FEATURE_DIM), dtype=jnp.float32) * std
    return {"input_tensor": input_tensor, "embedding": embedding}

def reference(input_tensor, embedding):
    b, s, h, _ = input_tensor.shape
    x = jnp.reshape(input_tensor, (b, s, h, NODE_FEATURE, FEATURE_DIM))
    x = jnp.multiply(x, embedding)
    x = jnp.sum(x, axis=4)
    x = jnp.squeeze(x)
    return x

if __name__ == "__main__":
    import jax
    _d = setup_inputs()
    print(jax.jit(kernel)(*tuple(_d.values())))

</pallas_src>

<mosaic_0001>
#map = affine_map<(d0, d1) -> (0, 0)>
#map1 = affine_map<(d0, d1) -> (0)>
module attributes {stable_mosaic.version = 14 : i64} {
  func.func @sck(%arg0: i32, %arg1: i32, %arg2: memref<24000x2048xf32, #tpu.memory_space<hbm>>, %arg3: memref<2048xf32, #tpu.memory_space<hbm>>, %arg4: memref<65536xf32, #tpu.memory_space<hbm>>, %arg5: memref<16x2056xf32, #tpu.memory_space<vmem>>, %arg6: memref<16x2056xf32, #tpu.memory_space<vmem>>, %arg7: memref<2048xf32, #tpu.memory_space<vmem>>, %arg8: memref<2048xf32, #tpu.memory_space<vmem>>, %arg9: memref<!tpu.dma_semaphore, #tpu.memory_space<semaphore_mem>>, %arg10: memref<!tpu.dma_semaphore, #tpu.memory_space<semaphore_mem>>) attributes {dimension_semantics = [#tpu.dimension_semantics<core_parallel>, #tpu.dimension_semantics<subcore_parallel>], iteration_bounds = array<i64: 2, 16>, scalar_prefetch = 0 : i64, scratch_operands = 6 : i64, tpu.core_type = #tpu.core_type<sc_vector_subcore>, window_params = [{transform_indices = #map}, {transform_indices = #map1}, {transform_indices = #map1}]} {
    %mul3A = arith.constant 2 : i32
    %mul3A_0 = arith.muli %arg1, %mul3A : i32
    %add3A = arith.addi %mul3A_0, %arg0 : i32
    "tpu.region"() ({
      %run_scoped3A = tpu.sem_alloc : memref<!tpu.dma_semaphore, #tpu.memory_space<semaphore_mem>>
      tpu.enqueue_dma source(%arg3 : memref<2048xf32, #tpu.memory_space<hbm>>) target(%arg8 : memref<2048xf32, #tpu.memory_space<vmem>>) target_semaphore(%run_scoped3A : memref<!tpu.dma_semaphore, #tpu.memory_space<semaphore_mem>>)
      tpu.wait_dma2 semaphore(%run_scoped3A : memref<!tpu.dma_semaphore, #tpu.memory_space<semaphore_mem>>) src(%arg3 : memref<2048xf32, #tpu.memory_space<hbm>>) dst(%arg8 : memref<2048xf32, #tpu.memory_space<vmem>>)
      tpu.yield
    }) : () -> ()
    %iota3A = tpu.iota {dimensions = array<i32: 0>} : vector<16xi32>
    %mul3A_1 = arith.constant 128 : i32
    %mul3A_2 = vector.broadcast %mul3A_1 : i32 to vector<16xi32>
    %mul3A_3 = arith.muli %iota3A, %mul3A_2 : vector<16xi32>
    %sub3A = arith.constant 32 : i32
    %sub3A_4 = arith.subi %sub3A, %add3A : i32
    %add3A_5 = arith.constant 32 : i32
    %add3A_6 = arith.addi %sub3A_4, %add3A_5 : i32
    %sub3A_7 = arith.constant 1 : i32
    %sub3A_8 = arith.subi %add3A_6, %sub3A_7 : i32
    %jit3A = arith.constant 32 : i32
    %div3A = arith.divsi %sub3A_8, %jit3A : i32
    %sign3A = arith.constant 0 : i32
    %sign3A_9 = arith.cmpi sgt, %sub3A_8, %sign3A : i32
    %sign3A_10 = arith.extui %sign3A_9 : i1 to i32
    %sign3A_11 = arith.constant 0 : i32
    %sign3A_12 = arith.cmpi slt, %sub3A_8, %sign3A_11 : i32
    %sign3A_13 = arith.extui %sign3A_12 : i1 to i32
    %sign3A_14 = arith.subi %sign3A_10, %sign3A_13 : i32
    %sign3A_15 = arith.constant 0 : i32
    %sign3A_16 = arith.cmpi sgt, %jit3A, %sign3A_15 : i32
    %sign3A_17 = arith.extui %sign3A_16 : i1 to i32
    %sign3A_18 = arith.constant 0 : i32
    %sign3A_19 = arith.cmpi slt, %jit3A, %sign3A_18 : i32
    %sign3A_20 = arith.extui %sign3A_19 : i1 to i32
    %sign3A_21 = arith.subi %sign3A_17, %sign3A_20 : i32
    %ne3A = arith.cmpi ne, %sign3A_14, %sign3A_21 : i32
    %rem3A = arith.remsi %sub3A_8, %jit3A : i32
    %ne3A_22 = arith.constant 0 : i32
    %ne3A_23 = arith.cmpi ne, %rem3A, %ne3A_22 : i32
    %and3A = arith.andi %ne3A, %ne3A_23 : i1
    %sub3A_24 = arith.constant 1 : i32
    %sub3A_25 = arith.subi %div3A, %sub3A_24 : i32
    %select_n3A = arith.select %and3A, %sub3A_25, %div3A : i32
    %gt3A = arith.constant 0 : i32
    %gt3A_26 = arith.cmpi sgt, %select_n3A, %gt3A : i32
    %convert_element_type3A = arith.extui %gt3A_26 : i1 to i32
    %cond3A = arith.constant 0 : i32
    %cond3A_27 = arith.cmpi ne, %convert_element_type3A, %cond3A : i32
    scf.if %cond3A_27 {
      %add3A_68 = arith.constant 0 : i32
      %add3A_69 = arith.addi %add3A, %add3A_68 : i32
      %mul3A_70 = arith.constant 16 : i32
      %mul3A_71 = arith.muli %add3A_69, %mul3A_70 : i32
      %add3A_72 = arith.constant 23488 : i32
      %add3A_73 = arith.addi %add3A_72, %mul3A_71 : i32
      %dma_start3A = arith.constant 0 : i32
      %dma_start3A_74 = arith.constant 0 : i32
      %dma_start3A_75 = tpu.memref_slice %arg5[%dma_start3A, %dma_start3A_74] : memref<16x2056xf32, #tpu.memory_space<vmem>> -> memref<16x2048xf32, #tpu.memory_space<vmem>>
      %dma_start3A_76 = arith.constant 0 : i32
      %dma_start3A_77 = tpu.memref_slice %arg2[%add3A_73, %dma_start3A_76] : memref<24000x2048xf32, #tpu.memory_space<hbm>> -> memref<16x2048xf32, #tpu.memory_space<hbm>>
      %dma_start3A_78 = arith.constant 0 : i32
      %dma_start3A_79 = arith.constant 0 : i32
      %dma_start3A_80 = tpu.memref_slice %arg5[%dma_start3A_78, %dma_start3A_79] : memref<16x2056xf32, #tpu.memory_space<vmem>> -> memref<16x2048xf32, #tpu.memory_space<vmem>>
      %dma_start3A_81 = arith.constant 0 : i32
      %dma_start3A_82 = tpu.memref_slice %arg2[%add3A_73, %dma_start3A_81] : memref<24000x2048xf32, #tpu.memory_space<hbm>> -> memref<16x2048xf32, #tpu.memory_space<hbm>>
      tpu.enqueue_dma source(%dma_start3A_82 : memref<16x2048xf32, #tpu.memory_space<hbm>>) target(%dma_start3A_80 : memref<16x2048xf32, #tpu.memory_space<vmem>>) target_semaphore(%arg9 : memref<!tpu.dma_semaphore, #tpu.memory_space<semaphore_mem>>)
    } else {
    }
    %gt3A_28 = arith.constant 1 : i32
    %gt3A_29 = arith.cmpi sgt, %select_n3A, %gt3A_28 : i32
    %convert_element_type3A_30 = arith.extui %gt3A_29 : i1 to i32
    %cond3A_31 = arith.constant 0 : i32
    %cond3A_32 = arith.cmpi ne, %convert_element_type3A_30, %cond3A_31 : i32
    scf.if %cond3A_32 {
      %add3A_68 = arith.constant 32 : i32
      %add3A_69 = arith.addi %add3A, %add3A_68 : i32
      %mul3A_70 = arith.constant 16 : i32
      %mul3A_71 = arith.muli %add3A_69, %mul3A_70 : i32
      %add3A_72 = arith.constant 23488 : i32
      %add3A_73 = arith.addi %add3A_72, %mul3A_71 : i32
      %dma_start3A = arith.constant 0 : i32
      %dma_start3A_74 = arith.constant 0 : i32
      %dma_start3A_75 = tpu.memref_slice %arg6[%dma_start3A, %dma_start3A_74] : memref<16x2056xf32, #tpu.memory_space<vmem>> -> memref<16x2048xf32, #tpu.memory_space<vmem>>
      %dma_start3A_76 = arith.constant 0 : i32
      %dma_start3A_77 = tpu.memref_slice %arg2[%add3A_73, %dma_start3A_76] : memref<24000x2048xf32, #tpu.memory_space<hbm>> -> memref<16x2048xf32, #tpu.memory_space<hbm>>
      %dma_start3A_78 = arith.constant 0 : i32
      %dma_start3A_79 = arith.constant 0 : i32
      %dma_start3A_80 = tpu.memref_slice %arg6[%dma_start3A_78, %dma_start3A_79] : memref<16x2056xf32, #tpu.memory_space<vmem>> -> memref<16x2048xf32, #tpu.memory_space<vmem>>
      %dma_start3A_81 = arith.constant 0 : i32
      %dma_start3A_82 = tpu.memref_slice %arg2[%add3A_73, %dma_start3A_81] : memref<24000x2048xf32, #tpu.memory_space<hbm>> -> memref<16x2048xf32, #tpu.memory_space<hbm>>
      tpu.enqueue_dma source(%dma_start3A_82 : memref<16x2048xf32, #tpu.memory_space<hbm>>) target(%dma_start3A_80 : memref<16x2048xf32, #tpu.memory_space<vmem>>) target_semaphore(%arg10 : memref<!tpu.dma_semaphore, #tpu.memory_space<semaphore_mem>>)
    } else {
    }
    %add3A_33 = arith.constant 1 : i32
    %add3A_34 = arith.addi %select_n3A, %add3A_33 : i32
    %jit3A_35 = arith.constant 2 : i32
    %div3A_36 = arith.divsi %add3A_34, %jit3A_35 : i32
    %sign3A_37 = arith.constant 0 : i32
    %sign3A_38 = arith.cmpi sgt, %add3A_34, %sign3A_37 : i32
    %sign3A_39 = arith.extui %sign3A_38 : i1 to i32
    %sign3A_40 = arith.constant 0 : i32
    %sign3A_41 = arith.cmpi slt, %add3A_34, %sign3A_40 : i32
    %sign3A_42 = arith.extui %sign3A_41 : i1 to i32
    %sign3A_43 = arith.subi %sign3A_39, %sign3A_42 : i32
    %sign3A_44 = arith.constant 0 : i32
    %sign3A_45 = arith.cmpi sgt, %jit3A_35, %sign3A_44 : i32
    %sign3A_46 = arith.extui %sign3A_45 : i1 to i32
    %sign3A_47 = arith.constant 0 : i32
    %sign3A_48 = arith.cmpi slt, %jit3A_35, %sign3A_47 : i32
    %sign3A_49 = arith.extui %sign3A_48 : i1 to i32
    %sign3A_50 = arith.subi %sign3A_46, %sign3A_49 : i32
    %ne3A_51 = arith.cmpi ne, %sign3A_43, %sign3A_50 : i32
    %rem3A_52 = arith.remsi %add3A_34, %jit3A_35 : i32
    %ne3A_53 = arith.constant 0 : i32
    %ne3A_54 = arith.cmpi ne, %rem3A_52, %ne3A_53 : i32
    %and3A_55 = arith.andi %ne3A_51, %ne3A_54 : i1
    %sub3A_56 = arith.constant 1 : i32
    %sub3A_57 = arith.subi %div3A_36, %sub3A_56 : i32
    %select_n3A_58 = arith.select %and3A_55, %sub3A_57, %div3A_36 : i32
    %while3A = arith.constant 0 : i32
    %while3A_59 = arith.constant 0 : i32
    %while3A_60 = arith.subi %select_n3A_58, %while3A_59 : i32
    %while3A_61 = arith.addi %while3A_59, %while3A_60 : i32
    %while3A_62 = arith.constant 1 : i32
    %while3A_63 = arith.divsi %while3A_60, %while3A_62 : i32
    %while3A_64 = arith.muli %while3A_63, %while3A_62 : i32
    %while3A_65 = arith.addi %while3A_59, %while3A_64 : i32
    %while3A_66 = arith.constant 1 : i32
    scf.for %while3A_68 = %while3A_59 to %while3A_65 step %while3A_66  : i32 {
      %mul3A_69 = arith.constant 2 : i32
      %mul3A_70 = arith.muli %while3A_68, %mul3A_69 : i32
      %add3A_71 = arith.constant 0 : i32
      %add3A_72 = arith.addi %mul3A_70, %add3A_71 : i32
      %lt3A = arith.cmpi slt, %add3A_72, %select_n3A : i32
      %convert_element_type3A_73 = arith.extui %lt3A : i1 to i32
      %cond3A_74 = arith.constant 0 : i32
      %cond3A_75 = arith.cmpi ne, %convert_element_type3A_73, %cond3A_74 : i32
      scf.if %cond3A_75 {
        %mul3A_84 = arith.constant 32 : i32
        %mul3A_85 = arith.muli %add3A_72, %mul3A_84 : i32
        %add3A_86 = arith.addi %add3A, %mul3A_85 : i32
        %mul3A_87 = arith.constant 32 : i32
        %mul3A_88 = arith.muli %add3A_72, %mul3A_87 : i32
        %add3A_89 = arith.addi %add3A, %mul3A_88 : i32
        %mul3A_90 = arith.constant 16 : i32
        %mul3A_91 = arith.muli %add3A_89, %mul3A_90 : i32
        %add3A_92 = arith.constant 23488 : i32
        %add3A_93 = arith.addi %add3A_92, %mul3A_91 : i32
        %dma_wait3A = arith.constant 0 : i32
        %dma_wait3A_94 = arith.constant 0 : i32
        %dma_wait3A_95 = tpu.memref_slice %arg5[%dma_wait3A, %dma_wait3A_94] : memref<16x2056xf32, #tpu.memory_space<vmem>> -> memref<16x2048xf32, #tpu.memory_space<vmem>>
        %dma_wait3A_96 = arith.constant 0 : i32
        %dma_wait3A_97 = tpu.memref_slice %arg2[%add3A_93, %dma_wait3A_96] : memref<24000x2048xf32, #tpu.memory_space<hbm>> -> memref<16x2048xf32, #tpu.memory_space<hbm>>
        %dma_wait3A_98 = arith.constant 0 : i32
        %dma_wait3A_99 = arith.constant 0 : i32
        %dma_wait3A_100 = tpu.memref_slice %arg5[%dma_wait3A_98, %dma_wait3A_99] : memref<16x2056xf32, #tpu.memory_space<vmem>> -> memref<16x2048xf32, #tpu.memory_space<vmem>>
        %dma_wait3A_101 = arith.constant 0 : i32
        %dma_wait3A_102 = tpu.memref_slice %arg2[%add3A_93, %dma_wait3A_101] : memref<24000x2048xf32, #tpu.memory_space<hbm>> -> memref<16x2048xf32, #tpu.memory_space<hbm>>
        tpu.wait_dma2 semaphore(%arg9 : memref<!tpu.dma_semaphore, #tpu.memory_space<semaphore_mem>>) src(%dma_wait3A_102 : memref<16x2048xf32, #tpu.memory_space<hbm>>) dst(%dma_wait3A_100 : memref<16x2048xf32, #tpu.memory_space<vmem>>)
        %scan3A = arith.constant 0 : i32
        %scan3A_103 = arith.constant 0 : i32
        %scan3A_104 = arith.constant 32 : i32
        %scan3A_105 = arith.addi %scan3A_103, %scan3A_104 : i32
        %scan3A_106 = arith.constant 1 : i32
        scf.for %scan3A_118 = %scan3A_103 to %scan3A_105 step %scan3A_106  : i32 {
          %mul3A_119 = arith.constant 4 : i32
          %mul3A_120 = arith.muli %scan3A_118, %mul3A_119 : i32
          %add3A_121 = arith.constant 0 : i32
          %add3A_122 = arith.addi %mul3A_120, %add3A_121 : i32
          %mul3A_123 = arith.constant 16 : i32
          %mul3A_124 = arith.muli %add3A_122, %mul3A_123 : i32
          %add3A_125 = arith.constant 0 : i32
          %add3A_126 = arith.addi %mul3A_124, %add3A_125 : i32
          %broadcast_in_dim3A = vector.broadcast %add3A_126 : i32 to vector<16xi32>
          %gather3A = tpu.vector_load_idx %arg5[%iota3A, %broadcast_in_dim3A] : memref<16x2056xf32, #tpu.memory_space<vmem>>[vector<16xi32>, vector<16xi32>], vector<16xf32>,
          %gather3A_127 = tpu.vector_load_idx %arg8[%broadcast_in_dim3A] : memref<2048xf32, #tpu.memory_space<vmem>>[vector<16xi32>], vector<16xf32>,
          %mul3A_128 = arith.mulf %gather3A, %gather3A_127 : vector<16xf32>
          %mul3A_129 = arith.constant 16 : i32
          %mul3A_130 = arith.muli %add3A_122, %mul3A_129 : i32
          %add3A_131 = arith.constant 1 : i32
          %add3A_132 = arith.addi %mul3A_130, %add3A_131 : i32
          %broadcast_in_dim3A_133 = vector.broadcast %add3A_132 : i32 to vector<16xi32>
          %gather3A_134 = tpu.vector_load_idx %arg5[%iota3A, %broadcast_in_dim3A_133] : memref<16x2056xf32, #tpu.memory_space<vmem>>[vector<16xi32>, vector<16xi32>], vector<16xf32>,
          %gather3A_135 = tpu.vector_load_idx %arg8[%broadcast_in_dim3A_133] : memref<2048xf32, #tpu.memory_space<vmem>>[vector<16xi32>], vector<16xf32>,
          %mul3A_136 = arith.mulf %gather3A_134, %gather3A_135 : vector<16xf32>
          %mul3A_137 = arith.constant 16 : i32
          %mul3A_138 = arith.muli %add3A_122, %mul3A_137 : i32
          %add3A_139 = arith.constant 2 : i32
          %add3A_140 = arith.addi %mul3A_138, %add3A_139 : i32
          %broadcast_in_dim3A_141 = vector.broadcast %add3A_140 : i32 to vector<16xi32>
          %gather3A_142 = tpu.vector_load_idx %arg5[%iota3A, %broadcast_in_dim3A_141] : memref<16x2056xf32, #tpu.memory_space<vmem>>[vector<16xi32>, vector<16xi32>], vector<16xf32>,
          %gather3A_143 = tpu.vector_load_idx %arg8[%broadcast_in_dim3A_141] : memref<2048xf32, #tpu.memory_space<vmem>>[vector<16xi32>], vector<16xf32>,
          %mul3A_144 = arith.mulf %gather3A_142, %gather3A_143 : vector<16xf32>
          %mul3A_145 = arith.constant 16 : i32
          %mul3A_146 = arith.muli %add3A_122, %mul3A_145 : i32
          %add3A_147 = arith.constant 3 : i32
          %add3A_148 = arith.addi %mul3A_146, %add3A_147 : i32
          %broadcast_in_dim3A_149 = vector.broadcast %add3A_148 : i32 to vector<16xi32>
          %gather3A_150 = tpu.vector_load_idx %arg5[%iota3A, %broadcast_in_dim3A_149] : memref<16x2056xf32, #tpu.memory_space<vmem>>[vector<16xi32>, vector<16xi32>], vector<16xf32>,
          %gather3A_151 = tpu.vector_load_idx %arg8[%broadcast_in_dim3A_149] : memref<2048xf32, #tpu.memory_space<vmem>>[vector<16xi32>], vector<16xf32>,
          %mul3A_152 = arith.mulf %gather3A_150, %gather3A_151 : vector<16xf32>
          %mul3A_153 = arith.constant 16 : i32
          %mul3A_154 = arith.muli %add3A_122, %mul3A_153 : i32
          %add3A_155 = arith.constant 4 : i32
          %add3A_156 = arith.addi %mul3A_154, %add3A_155 : i32
          %broadcast_in_dim3A_157 = vector.broadcast %add3A_156 : i32 to vector<16xi32>
          %gather3A_158 = tpu.vector_load_idx %arg5[%iota3A, %broadcast_in_dim3A_157] : memref<16x2056xf32, #tpu.memory_space<vmem>>[vector<16xi32>, vector<16xi32>], vector<16xf32>,
          %gather3A_159 = tpu.vector_load_idx %arg8[%broadcast_in_dim3A_157] : memref<2048xf32, #tpu.memory_space<vmem>>[vector<16xi32>], vector<16xf32>,
          %mul3A_160 = arith.mulf %gather3A_158, %gather3A_159 : vector<16xf32>
          %mul3A_161 = arith.constant 16 : i32
          %mul3A_162 = arith.muli %add3A_122, %mul3A_161 : i32
          %add3A_163 = arith.constant 5 : i32
          %add3A_164 = arith.addi %mul3A_162, %add3A_163 : i32
          %broadcast_in_dim3A_165 = vector.broadcast %add3A_164 : i32 to vector<16xi32>
          %gather3A_166 = tpu.vector_load_idx %arg5[%iota3A, %broadcast_in_dim3A_165] : memref<16x2056xf32, #tpu.memory_space<vmem>>[vector<16xi32>, vector<16xi32>], vector<16xf32>,
          %gather3A_167 = tpu.vector_load_idx %arg8[%broadcast_in_dim3A_165] : memref<2048xf32, #tpu.memory_space<vmem>>[vector<16xi32>], vector<16xf32>,
          %mul3A_168 = arith.mulf %gather3A_166, %gather3A_167 : vector<16xf32>
          %mul3A_169 = arith.constant 16 : i32
          %mul3A_170 = arith.muli %add3A_122, %mul3A_169 : i32
          %add3A_171 = arith.constant 6 : i32
          %add3A_172 = arith.addi %mul3A_170, %add3A_171 : i32
          %broadcast_in_dim3A_173 = vector.broadcast %add3A_172 : i32 to vector<16xi32>
          %gather3A_174 = tpu.vector_load_idx %arg5[%iota3A, %broadcast_in_dim3A_173] : memref<16x2056xf32, #tpu.memory_space<vmem>>[vector<16xi32>, vector<16xi32>], vector<16xf32>,
          %gather3A_175 = tpu.vector_load_idx %arg8[%broadcast_in_dim3A_173] : memref<2048xf32, #tpu.memory_space<vmem>>[vector<16xi32>], vector<16xf32>,
          %mul3A_176 = arith.mulf %gather3A_174, %gather3A_175 : vector<16xf32>
          %mul3A_177 = arith.constant 16 : i32
          %mul3A_178 = arith.muli %add3A_122, %mul3A_177 : i32
          %add3A_179 = arith.constant 7 : i32
          %add3A_180 = arith.addi %mul3A_178, %add3A_179 : i32
          %broadcast_in_dim3A_181 = vector.broadcast %add3A_180 : i32 to vector<16xi32>
          %gather3A_182 = tpu.vector_load_idx %arg5[%iota3A, %broadcast_in_dim3A_181] : memref<16x2056xf32, #tpu.memory_space<vmem>>[vector<16xi32>, vector<16xi32>], vector<16xf32>,
          %gather3A_183 = tpu.vector_load_idx %arg8[%broadcast_in_dim3A_181] : memref<2048xf32, #tpu.memory_space<vmem>>[vector<16xi32>], vector<16xf32>,
          %mul3A_184 = arith.mulf %gather3A_182, %gather3A_183 : vector<16xf32>
          %mul3A_185 = arith.constant 16 : i32
          %mul3A_186 = arith.muli %add3A_122, %mul3A_185 : i32
          %add3A_187 = arith.constant 8 : i32
          %add3A_188 = arith.addi %mul3A_186, %add3A_187 : i32
          %broadcast_in_dim3A_189 = vector.broadcast %add3A_188 : i32 to vector<16xi32>
          %gather3A_190 = tpu.vector_load_idx %arg5[%iota3A, %broadcast_in_dim3A_189] : memref<16x2056xf32, #tpu.memory_space<vmem>>[vector<16xi32>, vector<16xi32>], vector<16xf32>,
          %gather3A_191 = tpu.vector_load_idx %arg8[%broadcast_in_dim3A_189] : memref<2048xf32, #tpu.memory_space<vmem>>[vector<16xi32>], vector<16xf32>,
          %mul3A_192 = arith.mulf %gather3A_190, %gather3A_191 : vector<16xf32>
          %mul3A_193 = arith.constant 16 : i32
          %mul3A_194 = arith.muli %add3A_122, %mul3A_193 : i32
          %add3A_195 = arith.constant 9 : i32
          %add3A_196 = arith.addi %mul3A_194, %add3A_195 : i32
          %broadcast_in_dim3A_197 = vector.broadcast %add3A_196 : i32 to vector<16xi32>
          %gather3A_198 = tpu.vector_load_idx %arg5[%iota3A, %broadcast_in_dim3A_197] : memref<16x2056xf32, #tpu.memory_space<vmem>>[vector<16xi32>, vector<16xi32>], vector<16xf32>,
          %gather3A_199 = tpu.vector_load_idx %arg8[%broadcast_in_dim3A_197] : memref<2048xf32, #tpu.memory_space<vmem>>[vector<16xi32>], vector<16xf32>,
          %mul3A_200 = arith.mulf %gather3A_198, %gather3A_199 : vector<16xf32>
          %mul3A_201 = arith.constant 16 : i32
          %mul3A_202 = arith.muli %add3A_122, %mul3A_201 : i32
          %add3A_203 = arith.constant 10 : i32
          %add3A_204 = arith.addi %mul3A_202, %add3A_203 : i32
          %broadcast_in_dim3A_205 = vector.broadcast %add3A_204 : i32 to vector<16xi32>
          %gather3A_206 = tpu.vector_load_idx %arg5[%iota3A, %broadcast_in_dim3A_205] : memref<16x2056xf32, #tpu.memory_space<vmem>>[vector<16xi32>, vector<16xi32>], vector<16xf32>,
          %gather3A_207 = tpu.vector_load_idx %arg8[%broadcast_in_dim3A_205] : memref<2048xf32, #tpu.memory_space<vmem>>[vector<16xi32>], vector<16xf32>,
          %mul3A_208 = arith.mulf %gather3A_206, %gather3A_207 : vector<16xf32>
          %mul3A_209 = arith.constant 16 : i32
          %mul3A_210 = arith.muli %add3A_122, %mul3A_209 : i32
          %add3A_211 = arith.constant 11 : i32
          %add3A_212 = arith.addi %mul3A_210, %add3A_211 : i32
          %broadcast_in_dim3A_213 = vector.broadcast %add3A_212 : i32 to vector<16xi32>
          %gather3A_214 = tpu.vector_load_idx %arg5[%iota3A, %broadcast_in_dim3A_213] : memref<16x2056xf32, #tpu.memory_space<vmem>>[vector<16xi32>, vector<16xi32>], vector<16xf32>,
          %gather3A_215 = tpu.vector_load_idx %arg8[%broadcast_in_dim3A_213] : memref<2048xf32, #tpu.memory_space<vmem>>[vector<16xi32>], vector<16xf32>,
          %mul3A_216 = arith.mulf %gather3A_214, %gather3A_215 : vector<16xf32>
          %mul3A_217 = arith.constant 16 : i32
          %mul3A_218 = arith.muli %add3A_122, %mul3A_217 : i32
          %add3A_219 = arith.constant 12 : i32
          %add3A_220 = arith.addi %mul3A_218, %add3A_219 : i32
          %broadcast_in_dim3A_221 = vector.broadcast %add3A_220 : i32 to vector<16xi32>
          %gather3A_222 = tpu.vector_load_idx %arg5[%iota3A, %broadcast_in_dim3A_221] : memref<16x2056xf32, #tpu.memory_space<vmem>>[vector<16xi32>, vector<16xi32>], vector<16xf32>,
          %gather3A_223 = tpu.vector_load_idx %arg8[%broadcast_in_dim3A_221] : memref<2048xf32, #tpu.memory_space<vmem>>[vector<16xi32>], vector<16xf32>,
          %mul3A_224 = arith.mulf %gather3A_222, %gather3A_223 : vector<16xf32>
          %mul3A_225 = arith.constant 16 : i32
          %mul3A_226 = arith.muli %add3A_122, %mul3A_225 : i32
          %add3A_227 = arith.constant 13 : i32
          %add3A_228 = arith.addi %mul3A_226, %add3A_227 : i32
          %broadcast_in_dim3A_229 = vector.broadcast %add3A_228 : i32 to vector<16xi32>
          %gather3A_230 = tpu.vector_load_idx %arg5[%iota3A, %broadcast_in_dim3A_229] : memref<16x2056xf32, #tpu.memory_space<vmem>>[vector<16xi32>, vector<16xi32>], vector<16xf32>,
          %gather3A_231 = tpu.vector_load_idx %arg8[%broadcast_in_dim3A_229] : memref<2048xf32, #tpu.memory_space<vmem>>[vector<16xi32>], vector<16xf32>,
          %mul3A_232 = arith.mulf %gather3A_230, %gather3A_231 : vector<16xf32>
          %mul3A_233 = arith.constant 16 : i32
          %mul3A_234 = arith.muli %add3A_122, %mul3A_233 : i32
          %add3A_235 = arith.constant 14 : i32
          %add3A_236 = arith.addi %mul3A_234, %add3A_235 : i32
          %broadcast_in_dim3A_237 = vector.broadcast %add3A_236 : i32 to vector<16xi32>
          %gather3A_238 = tpu.vector_load_idx %arg5[%iota3A, %broadcast_in_dim3A_237] : memref<16x2056xf32, #tpu.memory_space<vmem>>[vector<16xi32>, vector<16xi32>], vector<16xf32>,
          %gather3A_239 = tpu.vector_load_idx %arg8[%broadcast_in_dim3A_237] : memref<2048xf32, #tpu.memory_space<vmem>>[vector<16xi32>], vector<16xf32>,
          %mul3A_240 = arith.mulf %gather3A_238, %gather3A_239 : vector<16xf32>
          %mul3A_241 = arith.constant 16 : i32
          %mul3A_242 = arith.muli %add3A_122, %mul3A_241 : i32
          %add3A_243 = arith.constant 15 : i32
          %add3A_244 = arith.addi %mul3A_242, %add3A_243 : i32
          %broadcast_in_dim3A_245 = vector.broadcast %add3A_244 : i32 to vector<16xi32>
          %gather3A_246 = tpu.vector_load_idx %arg5[%iota3A, %broadcast_in_dim3A_245] : memref<16x2056xf32, #tpu.memory_space<vmem>>[vector<16xi32>, vector<16xi32>], vector<16xf32>,
          %gather3A_247 = tpu.vector_load_idx %arg8[%broadcast_in_dim3A_245] : memref<2048xf32, #tpu.memory_space<vmem>>[vector<16xi32>], vector<16xf32>,
          %mul3A_248 = arith.mulf %gather3A_246, %gather3A_247 : vector<16xf32>
          %add3A_249 = arith.addf %mul3A_128, %mul3A_160 : vector<16xf32>
          %add3A_250 = arith.addf %mul3A_192, %mul3A_224 : vector<16xf32>
          %add3A_251 = arith.addf %add3A_249, %add3A_250 : vector<16xf32>
          %add3A_252 = arith.addf %mul3A_136, %mul3A_168 : vector<16xf32>
          %add3A_253 = arith.addf %mul3A_200, %mul3A_232 : vector<16xf32>
          %add3A_254 = arith.addf %add3A_252, %add3A_253 : vector<16xf32>
          %add3A_255 = arith.addf %mul3A_144, %mul3A_176 : vector<16xf32>
          %add3A_256 = arith.addf %mul3A_208, %mul3A_240 : vector<16xf32>
          %add3A_257 = arith.addf %add3A_255, %add3A_256 : vector<16xf32>
          %add3A_258 = arith.addf %mul3A_152, %mul3A_184 : vector<16xf32>
          %add3A_259 = arith.addf %mul3A_216, %mul3A_248 : vector<16xf32>
          %add3A_260 = arith.addf %add3A_258, %add3A_259 : vector<16xf32>
          %broadcast_in_dim3A_261 = vector.broadcast %add3A_122 : i32 to vector<16xi32>
          %add3A_262 = arith.addi %mul3A_3, %broadcast_in_dim3A_261 : vector<16xi32>
          %add3A_263 = arith.addf %add3A_251, %add3A_254 : vector<16xf32>
          %add3A_264 = arith.addf %add3A_257, %add3A_260 : vector<16xf32>
          %add3A_265 = arith.addf %add3A_263, %add3A_264 : vector<16xf32>
          tpu.vector_store_idx %arg7[%add3A_262], %add3A_265 : memref<2048xf32, #tpu.memory_space<vmem>>[vector<16xi32>], vector<16xf32>,
          %mul3A_266 = arith.constant 4 : i32
          %mul3A_267 = arith.muli %scan3A_118, %mul3A_266 : i32
          %add3A_268 = arith.constant 1 : i32
          %add3A_269 = arith.addi %mul3A_267, %add3A_268 : i32
          %mul3A_270 = arith.constant 16 : i32
          %mul3A_271 = arith.muli %add3A_269, %mul3A_270 : i32
          %add3A_272 = arith.constant 0 : i32
          %add3A_273 = arith.addi %mul3A_271, %add3A_272 : i32
          %broadcast_in_dim3A_274 = vector.broadcast %add3A_273 : i32 to vector<16xi32>
          %gather3A_275 = tpu.vector_load_idx %arg5[%iota3A, %broadcast_in_dim3A_274] : memref<16x2056xf32, #tpu.memory_space<vmem>>[vector<16xi32>, vector<16xi32>], vector<16xf32>,
          %gather3A_276 = tpu.vector_load_idx %arg8[%broadcast_in_dim3A_274] : memref<2048xf32, #tpu.memory_space<vmem>>[vector<16xi32>], vector<16xf32>,
          %mul3A_277 = arith.mulf %gather3A_275, %gather3A_276 : vector<16xf32>
          %mul3A_278 = arith.constant 16 : i32
          %mul3A_279 = arith.muli %add3A_269, %mul3A_278 : i32
          %add3A_280 = arith.constant 1 : i32
          %add3A_281 = arith.addi %mul3A_279, %add3A_280 : i32
          %broadcast_in_dim3A_282 = vector.broadcast %add3A_281 : i32 to vector<16xi32>
          %gather3A_283 = tpu.vector_load_idx %arg5[%iota3A, %broadcast_in_dim3A_282] : memref<16x2056xf32, #tpu.memory_space<vmem>>[vector<16xi32>, vector<16xi32>], vector<16xf32>,
          %gather3A_284 = tpu.vector_load_idx %arg8[%broadcast_in_dim3A_282] : memref<2048xf32, #tpu.memory_space<vmem>>[vector<16xi32>], vector<16xf32>,
          %mul3A_285 = arith.mulf %gather3A_283, %gather3A_284 : vector<16xf32>
          %mul3A_286 = arith.constant 16 : i32
          %mul3A_287 = arith.muli %add3A_269, %mul3A_286 : i32
          %add3A_288 = arith.constant 2 : i32
          %add3A_289 = arith.addi %mul3A_287, %add3A_288 : i32
          %broadcast_in_dim3A_290 = vector.broadcast %add3A_289 : i32 to vector<16xi32>
          %gather3A_291 = tpu.vector_load_idx %arg5[%iota3A, %broadcast_in_dim3A_290] : memref<16x2056xf32, #tpu.memory_space<vmem>>[vector<16xi32>, vector<16xi32>], vector<16xf32>,
          %gather3A_292 = tpu.vector_load_idx %arg8[%broadcast_in_dim3A_290] : memref<2048xf32, #tpu.memory_space<vmem>>[vector<16xi32>], vector<16xf32>,
          %mul3A_293 = arith.mulf %gather3A_291, %gather3A_292 : vector<16xf32>
          %mul3A_294 = arith.constant 16 : i32
          %mul3A_295 = arith.muli %add3A_269, %mul3A_294 : i32
          %add3A_296 = arith.constant 3 : i32
          %add3A_297 = arith.addi %mul3A_295, %add3A_296 : i32
          %broadcast_in_dim3A_298 = vector.broadcast %add3A_297 : i32 to vector<16xi32>
          %gather3A_299 = tpu.vector_load_idx %arg5[%iota3A, %broadcast_in_dim3A_298] : memref<16x2056xf32, #tpu.memory_space<vmem>>[vector<16xi32>, vector<16xi32>], vector<16xf32>,
          %gather3A_300 = tpu.vector_load_idx %arg8[%broadcast_in_dim3A_298] : memref<2048xf32, #tpu.memory_space<vmem>>[vector<16xi32>], vector<16xf32>,
          %mul3A_301 = arith.mulf %gather3A_299, %gather3A_300 : vector<16xf32>
          %mul3A_302 = arith.constant 16 : i32
          %mul3A_303 = arith.muli %add3A_269, %mul3A_302 : i32
          %add3A_304 = arith.constant 4 : i32
          %add3A_305 = arith.addi %mul3A_303, %add3A_304 : i32
          %broadcast_in_dim3A_306 = vector.broadcast %add3A_305 : i32 to vector<16xi32>
          %gather3A_307 = tpu.vector_load_idx %arg5[%iota3A, %broadcast_in_dim3A_306] : memref<16x2056xf32, #tpu.memory_space<vmem>>[vector<16xi32>, vector<16xi32>], vector<16xf32>,
          %gather3A_308 = tpu.vector_load_idx %arg8[%broadcast_in_dim3A_306] : memref<2048xf32, #tpu.memory_space<vmem>>[vector<16xi32>], vector<16xf32>,
          %mul3A_309 = arith.mulf %gather3A_307, %gather3A_308 : vector<16xf32>
          %mul3A_310 = arith.constant 16 : i32
          %mul3A_311 = arith.muli %add3A_269, %mul3A_310 : i32
          %add3A_312 = arith.constant 5 : i32
          %add3A_313 = arith.addi %mul3A_311, %add3A_312 : i32
          %broadcast_in_dim3A_314 = vector.broadcast %add3A_313 : i32 to vector<16xi32>
          %gather3A_315 = tpu.vector_load_idx %arg5[%iota3A, %broadcast_in_dim3A_314] : memref<16x2056xf32, #tpu.memory_space<vmem>>[vector<16xi32>, vector<16xi32>], vector<16xf32>,
          %gather3A_316 = tpu.vector_load_idx %arg8[%broadcast_in_dim3A_314] : memref<2048xf32, #tpu.memory_space<vmem>>[vector<16xi32>], vector<16xf32>,
          %mul3A_317 = arith.mulf %gather3A_315, %gather3A_316 : vector<16xf32>
          %mul3A_318 = arith.constant 16 : i32
          %mul3A_319 = arith.muli %add3A_269, %mul3A_318 : i32
          %add3A_320 = arith.constant 6 : i32
          %add3A_321 = arith.addi %mul3A_319, %add3A_320 : i32
          %broadcast_in_dim3A_322 = vector.broadcast %add3A_321 : i32 to vector<16xi32>
          %gather3A_323 = tpu.vector_load_idx %arg5[%iota3A, %broadcast_in_dim3A_322] : memref<16x2056xf32, #tpu.memory_space<vmem>>[vector<16xi32>, vector<16xi32>], vector<16xf32>,
          %gather3A_324 = tpu.vector_load_idx %arg8[%broadcast_in_dim3A_322] : memref<2048xf32, #tpu.memory_space<vmem>>[vector<16xi32>], vector<16xf32>,
          %mul3A_325 = arith.mulf %gather3A_323, %gather3A_324 : vector<16xf32>
          %mul3A_326 = arith.constant 16 : i32
          %mul3A_327 = arith.muli %add3A_269, %mul3A_326 : i32
          %add3A_328 = arith.constant 7 : i32
          %add3A_329 = arith.addi %mul3A_327, %add3A_328 : i32
          %broadcast_in_dim3A_330 = vector.broadcast %add3A_329 : i32 to vector<16xi32>
          %gather3A_331 = tpu.vector_load_idx %arg5[%iota3A, %broadcast_in_dim3A_330] : memref<16x2056xf32, #tpu.memory_space<vmem>>[vector<16xi32>, vector<16xi32>], vector<16xf32>,
          %gather3A_332 = tpu.vector_load_idx %arg8[%broadcast_in_dim3A_330] : memref<2048xf32, #tpu.memory_space<vmem>>[vector<16xi32>], vector<16xf32>,
          %mul3A_333 = arith.mulf %gather3A_331, %gather3A_332 : vector<16xf32>
          %mul3A_334 = arith.constant 16 : i32
          %mul3A_335 = arith.muli %add3A_269, %mul3A_334 : i32
          %add3A_336 = arith.constant 8 : i32
          %add3A_337 = arith.addi %mul3A_335, %add3A_336 : i32
          %broadcast_in_dim3A_338 = vector.broadcast %add3A_337 : i32 to vector<16xi32>
          %gather3A_339 = tpu.vector_load_idx %arg5[%iota3A, %broadcast_in_dim3A_338] : memref<16x2056xf32, #tpu.memory_space<vmem>>[vector<16xi32>, vector<16xi32>], vector<16xf32>,
          %gather3A_340 = tpu.vector_load_idx %arg8[%broadcast_in_dim3A_338] : memref<2048xf32, #tpu.memory_space<vmem>>[vector<16xi32>], vector<16xf32>,
          %mul3A_341 = arith.mulf %gather3A_339, %gather3A_340 : vector<16xf32>
          %mul3A_342 = arith.constant 16 : i32
          %mul3A_343 = arith.muli %add3A_269, %mul3A_342 : i32
          %add3A_344 = arith.constant 9 : i32
          %add3A_345 = arith.addi %mul3A_343, %add3A_344 : i32
          %broadcast_in_dim3A_346 = vector.broadcast %add3A_345 : i32 to vector<16xi32>
          %gather3A_347 = tpu.vector_load_idx %arg5[%iota3A, %broadcast_in_dim3A_346] : memref<16x2056xf32, #tpu.memory_space<vmem>>[vector<16xi32>, vector<16xi32>], vector<16xf32>,
          %gather3A_348 = tpu.vector_load_idx %arg8[%broadcast_in_dim3A_346] : memref<2048xf32, #tpu.memory_space<vmem>>[vector<16xi32>], vector<16xf32>,
          %mul3A_349 = arith.mulf %gather3A_347, %gather3A_348 : vector<16xf32>
          %mul3A_350 = arith.constant 16 : i32
          %mul3A_351 = arith.muli %add3A_269, %mul3A_350 : i32
          %add3A_352 = arith.constant 10 : i32
          %add3A_353 = arith.addi %mul3A_351, %add3A_352 : i32
          %broadcast_in_dim3A_354 = vector.broadcast %add3A_353 : i32 to vector<16xi32>
          %gather3A_355 = tpu.vector_load_idx %arg5[%iota3A, %broadcast_in_dim3A_354] : memref<16x2056xf32, #tpu.memory_space<vmem>>[vector<16xi32>, vector<16xi32>], vector<16xf32>,
          %gather3A_356 = tpu.vector_load_idx %arg8[%broadcast_in_dim3A_354] : memref<2048xf32, #tpu.memory_space<vmem>>[vector<16xi32>], vector<16xf32>,
          %mul3A_357 = arith.mulf %gather3A_355, %gather3A_356 : vector<16xf32>
          %mul3A_358 = arith.constant 16 : i32
          %mul3A_359 = arith.muli %add3A_269, %mul3A_358 : i32
          %add3A_360 = arith.constant 11 : i32
          %add3A_361 = arith.addi %mul3A_359, %add3A_360 : i32
          %broadcast_in_dim3A_362 = vector.broadcast %add3A_361 : i32 to vector<16xi32>
          %gather3A_363 = tpu.vector_load_idx %arg5[%iota3A, %broadcast_in_dim3A_362] : memref<16x2056xf32, #tpu.memory_space<vmem>>[vector<16xi32>, vector<16xi32>], vector<16xf32>,
          %gather3A_364 = tpu.vector_load_idx %arg8[%broadcast_in_dim3A_362] : memref<2048xf32, #tpu.memory_space<vmem>>[vector<16xi32>], vector<16xf32>,
          %mul3A_365 = arith.mulf %gather3A_363, %gather3A_364 : vector<16xf32>
          %mul3A_366 = arith.constant 16 : i32
          %mul3A_367 = arith.muli %add3A_269, %mul3A_366 : i32
          %add3A_368 = arith.constant 12 : i32
          %add3A_369 = arith.addi %mul3A_367, %add3A_368 : i32
          %broadcast_in_dim3A_370 = vector.broadcast %add3A_369 : i32 to vector<16xi32>
          %gather3A_371 = tpu.vector_load_idx %arg5[%iota3A, %broadcast_in_dim3A_370] : memref<16x2056xf32, #tpu.memory_space<vmem>>[vector<16xi32>, vector<16xi32>], vector<16xf32>,
          %gather3A_372 = tpu.vector_load_idx %arg8[%broadcast_in_dim3A_370] : memref<2048xf32, #tpu.memory_space<vmem>>[vector<16xi32>], vector<16xf32>,
          %mul3A_373 = arith.mulf %gather3A_371, %gather3A_372 : vector<16xf32>
          %mul3A_374 = arith.constant 16 : i32
          %mul3A_375 = arith.muli %add3A_269, %mul3A_374 : i32
          %add3A_376 = arith.constant 13 : i32
          %add3A_377 = arith.addi %mul3A_375, %add3A_376 : i32
          %broadcast_in_dim3A_378 = vector.broadcast %add3A_377 : i32 to vector<16xi32>
          %gather3A_379 = tpu.vector_load_idx %arg5[%iota3A, %broadcast_in_dim3A_378] : memref<16x2056xf32, #tpu.memory_space<vmem>>[vector<16xi32>, vector<16xi32>], vector<16xf32>,
          %gather3A_380 = tpu.vector_load_idx %arg8[%broadcast_in_dim3A_378] : memref<2048xf32, #tpu.memory_space<vmem>>[vector<16xi32>], vector<16xf32>,
          %mul3A_381 = arith.mulf %gather3A_379, %gather3A_380 : vector<16xf32>
          %mul3A_382 = arith.constant 16 : i32
          %mul3A_383 = arith.muli %add3A_269, %mul3A_382 : i32
          %add3A_384 = arith.constant 14 : i32
          %add3A_385 = arith.addi %mul3A_383, %add3A_384 : i32
          %broadcast_in_dim3A_386 = vector.broadcast %add3A_385 : i32 to vector<16xi32>
          %gather3A_387 = tpu.vector_load_idx %arg5[%iota3A, %broadcast_in_dim3A_386] : memref<16x2056xf32, #tpu.memory_space<vmem>>[vector<16xi32>, vector<16xi32>], vector<16xf32>,
          %gather3A_388 = tpu.vector_load_idx %arg8[%broadcast_in_dim3A_386] : memref<2048xf32, #tpu.memory_space<vmem>>[vector<16xi32>], vector<16xf32>,
          %mul3A_389 = arith.mulf %gather3A_387, %gather3A_388 : vector<16xf32>
          %mul3A_390 = arith.constant 16 : i32
          %mul3A_391 = arith.muli %add3A_269, %mul3A_390 : i32
          %add3A_392 = arith.constant 15 : i32
          %add3A_393 = arith.addi %mul3A_391, %add3A_392 : i32
          %broadcast_in_dim3A_394 = vector.broadcast %add3A_393 : i32 to vector<16xi32>
          %gather3A_395 = tpu.vector_load_idx %arg5[%iota3A, %broadcast_in_dim3A_394] : memref<16x2056xf32, #tpu.memory_space<vmem>>[vector<16xi32>, vector<16xi32>], vector<16xf32>,
          %gather3A_396 = tpu.vector_load_idx %arg8[%broadcast_in_dim3A_394] : memref<2048xf32, #tpu.memory_space<vmem>>[vector<16xi32>], vector<16xf32>,
          %mul3A_397 = arith.mulf %gather3A_395, %gather3A_396 : vector<16xf32>
          %add3A_398 = arith.addf %mul3A_277, %mul3A_309 : vector<16xf32>
          %add3A_399 = arith.addf %mul3A_341, %mul3A_373 : vector<16xf32>
          %add3A_400 = arith.addf %add3A_398, %add3A_399 : vector<16xf32>
          %add3A_401 = arith.addf %mul3A_285, %mul3A_317 : vector<16xf32>
          %add3A_402 = arith.addf %mul3A_349, %mul3A_381 : vector<16xf32>
          %add3A_403 = arith.addf %add3A_401, %add3A_402 : vector<16xf32>
          %add3A_404 = arith.addf %mul3A_293, %mul3A_325 : vector<16xf32>
          %add3A_405 = arith.addf %mul3A_357, %mul3A_389 : vector<16xf32>
          %add3A_406 = arith.addf %add3A_404, %add3A_405 : vector<16xf32>
          %add3A_407 = arith.addf %mul3A_301, %mul3A_333 : vector<16xf32>
          %add3A_408 = arith.addf %mul3A_365, %mul3A_397 : vector<16xf32>
          %add3A_409 = arith.addf %add3A_407, %add3A_408 : vector<16xf32>
          %broadcast_in_dim3A_410 = vector.broadcast %add3A_269 : i32 to vector<16xi32>
          %add3A_411 = arith.addi %mul3A_3, %broadcast_in_dim3A_410 : vector<16xi32>
          %add3A_412 = arith.addf %add3A_400, %add3A_403 : vector<16xf32>
          %add3A_413 = arith.addf %add3A_406, %add3A_409 : vector<16xf32>
          %add3A_414 = arith.addf %add3A_412, %add3A_413 : vector<16xf32>
          tpu.vector_store_idx %arg7[%add3A_411], %add3A_414 : memref<2048xf32, #tpu.memory_space<vmem>>[vector<16xi32>], vector<16xf32>,
          %mul3A_415 = arith.constant 4 : i32
          %mul3A_416 = arith.muli %scan3A_118, %mul3A_415 : i32
          %add3A_417 = arith.constant 2 : i32
          %add3A_418 = arith.addi %mul3A_416, %add3A_417 : i32
          %mul3A_419 = arith.constant 16 : i32
          %mul3A_420 = arith.muli %add3A_418, %mul3A_419 : i32
          %add3A_421 = arith.constant 0 : i32
          %add3A_422 = arith.addi %mul3A_420, %add3A_421 : i32
          %broadcast_in_dim3A_423 = vector.broadcast %add3A_422 : i32 to vector<16xi32>
          %gather3A_424 = tpu.vector_load_idx %arg5[%iota3A, %broadcast_in_dim3A_423] : memref<16x2056xf32, #tpu.memory_space<vmem>>[vector<16xi32>, vector<16xi32>], vector<16xf32>,
          %gather3A_425 = tpu.vector_load_idx %arg8[%broadcast_in_dim3A_423] : memref<2048xf32, #tpu.memory_space<vmem>>[vector<16xi32>], vector<16xf32>,
          %mul3A_426 = arith.mulf %gather3A_424, %gather3A_425 : vector<16xf32>
          %mul3A_427 = arith.constant 16 : i32
          %mul3A_428 = arith.muli %add3A_418, %mul3A_427 : i32
          %add3A_429 = arith.constant 1 : i32
          %add3A_430 = arith.addi %mul3A_428, %add3A_429 : i32
          %broadcast_in_dim3A_431 = vector.broadcast %add3A_430 : i32 to vector<16xi32>
          %gather3A_432 = tpu.vector_load_idx %arg5[%iota3A, %broadcast_in_dim3A_431] : memref<16x2056xf32, #tpu.memory_space<vmem>>[vector<16xi32>, vector<16xi32>], vector<16xf32>,
          %gather3A_433 = tpu.vector_load_idx %arg8[%broadcast_in_dim3A_431] : memref<2048xf32, #tpu.memory_space<vmem>>[vector<16xi32>], vector<16xf32>,
          %mul3A_434 = arith.mulf %gather3A_432, %gather3A_433 : vector<16xf32>
          %mul3A_435 = arith.constant 16 : i32
          %mul3A_436 = arith.muli %add3A_418, %mul3A_435 : i32
          %add3A_437 = arith.constant 2 : i32
          %add3A_438 = arith.addi %mul3A_436, %add3A_437 : i32
          %broadcast_in_dim3A_439 = vector.broadcast %add3A_438 : i32 to vector<16xi32>
          %gather3A_440 = tpu.vector_load_idx %arg5[%iota3A, %broadcast_in_dim3A_439] : memref<16x2056xf32, #tpu.memory_space<vmem>>[vector<16xi32>, vector<16xi32>], vector<16xf32>,
          %gather3A_441 = tpu.vector_load_idx %arg8[%broadcast_in_dim3A_439] : memref<2048xf32, #tpu.memory_space<vmem>>[vector<16xi32>], vector<16xf32>,
          %mul3A_442 = arith.mulf %gather3A_440, %gather3A_441 : vector<16xf32>
          %mul3A_443 = arith.constant 16 : i32
          %mul3A_444 = arith.muli %add3A_418, %mul3A_443 : i32
          %add3A_445 = arith.constant 3 : i32
          %add3A_446 = arith.addi %mul3A_444, %add3A_445 : i32
          %broadcast_in_dim3A_447 = vector.broadcast %add3A_446 : i32 to vector<16xi32>
          %gather3A_448 = tpu.vector_load_idx %arg5[%iota3A, %broadcast_in_dim3A_447] : memref<16x2056xf32, #tpu.memory_space<vmem>>[vector<16xi32>, vector<16xi32>], vector<16xf32>,
          %gather3A_449 = tpu.vector_load_idx %arg8[%broadcast_in_dim3A_447] : memref<2048xf32, #tpu.memory_space<vmem>>[vector<16xi32>], vector<16xf32>,
          %mul3A_450 = arith.mulf %gather3A_448, %gather3A_449 : vector<16xf32>
          %mul3A_451 = arith.constant 16 : i32
          %mul3A_452 = arith.muli %add3A_418, %mul3A_451 : i32
          %add3A_453 = arith.constant 4 : i32
          %add3A_454 = arith.addi %mul3A_452, %add3A_453 : i32
          %broadcast_in_dim3A_455 = vector.broadcast %add3A_454 : i32 to vector<16xi32>
          %gather3A_456 = tpu.vector_load_idx %arg5[%iota3A, %broadcast_in_dim3A_455] : memref<16x2056xf32, #tpu.memory_space<vmem>>[vector<16xi32>, vector<16xi32>], vector<16xf32>,
          %gather3A_457 = tpu.vector_load_idx %arg8[%broadcast_in_dim3A_455] : memref<2048xf32, #tpu.memory_space<vmem>>[vector<16xi32>], vector<16xf32>,
          %mul3A_458 = arith.mulf %gather3A_456, %gather3A_457 : vector<16xf32>
          %mul3A_459 = arith.constant 16 : i32
          %mul3A_460 = arith.muli %add3A_418, %mul3A_459 : i32
          %add3A_461 = arith.constant 5 : i32
          %add3A_462 = arith.addi %mul3A_460, %add3A_461 : i32
          %broadcast_in_dim3A_463 = vector.broadcast %add3A_462 : i32 to vector<16xi32>
          %gather3A_464 = tpu.vector_load_idx %arg5[%iota3A, %broadcast_in_dim3A_463] : memref<16x2056xf32, #tpu.memory_space<vmem>>[vector<16xi32>, vector<16xi32>], vector<16xf32>,
          %gather3A_465 = tpu.vector_load_idx %arg8[%broadcast_in_dim3A_463] : memref<2048xf32, #tpu.memory_space<vmem>>[vector<16xi32>], vector<16xf32>,
          %mul3A_466 = arith.mulf %gather3A_464, %gather3A_465 : vector<16xf32>
          %mul3A_467 = arith.constant 16 : i32
          %mul3A_468 = arith.muli %add3A_418, %mul3A_467 : i32
          %add3A_469 = arith.constant 6 : i32
          %add3A_470 = arith.addi %mul3A_468, %add3A_469 : i32
          %broadcast_in_dim3A_471 = vector.broadcast %add3A_470 : i32 to vector<16xi32>
          %gather3A_472 = tpu.vector_load_idx %arg5[%iota3A, %broadcast_in_dim3A_471] : memref<16x2056xf32, #tpu.memory_space<vmem>>[vector<16xi32>, vector<16xi32>], vector<16xf32>,
          %gather3A_473 = tpu.vector_load_idx %arg8[%broadcast_in_dim3A_471] : memref<2048xf32, #tpu.memory_space<vmem>>[vector<16xi32>], vector<16xf32>,
          %mul3A_474 = arith.mulf %gather3A_472, %gather3A_473 : vector<16xf32>
          %mul3A_475 = arith.constant 16 : i32
          %mul3A_476 = arith.muli %add3A_418, %mul3A_475 : i32
          %add3A_477 = arith.constant 7 : i32
          %add3A_478 = arith.addi %mul3A_476, %add3A_477 : i32
          %broadcast_in_dim3A_479 = vector.broadcast %add3A_478 : i32 to vector<16xi32>
          %gather3A_480 = tpu.vector_load_idx %arg5[%iota3A, %broadcast_in_dim3A_479] : memref<16x2056xf32, #tpu.memory_space<vmem>>[vector<16xi32>, vector<16xi32>], vector<16xf32>,
          %gather3A_481 = tpu.vector_load_idx %arg8[%broadcast_in_dim3A_479] : memref<2048xf32, #tpu.memory_space<vmem>>[vector<16xi32>], vector<16xf32>,
          %mul3A_482 = arith.mulf %gather3A_480, %gather3A_481 : vector<16xf32>
          %mul3A_483 = arith.constant 16 : i32
          %mul3A_484 = arith.muli %add3A_418, %mul3A_483 : i32
          %add3A_485 = arith.constant 8 : i32
          %add3A_486 = arith.addi %mul3A_484, %add3A_485 : i32
          %broadcast_in_dim3A_487 = vector.broadcast %add3A_486 : i32 to vector<16xi32>
          %gather3A_488 = tpu.vector_load_idx %arg5[%iota3A, %broadcast_in_dim3A_487] : memref<16x2056xf32, #tpu.memory_space<vmem>>[vector<16xi32>, vector<16xi32>], vector<16xf32>,
          %gather3A_489 = tpu.vector_load_idx %arg8[%broadcast_in_dim3A_487] : memref<2048xf32, #tpu.memory_space<vmem>>[vector<16xi32>], vector<16xf32>,
          %mul3A_490 = arith.mulf %gather3A_488, %gather3A_489 : vector<16xf32>
          %mul3A_491 = arith.constant 16 : i32
          %mul3A_492 = arith.muli %add3A_418, %mul3A_491 : i32
          %add3A_493 = arith.constant 9 : i32
          %add3A_494 = arith.addi %mul3A_492, %add3A_493 : i32
          %broadcast_in_dim3A_495 = vector.broadcast %add3A_494 : i32 to vector<16xi32>
          %gather3A_496 = tpu.vector_load_idx %arg5[%iota3A, %broadcast_in_dim3A_495] : memref<16x2056xf32, #tpu.memory_space<vmem>>[vector<16xi32>, vector<16xi32>], vector<16xf32>,
          %gather3A_497 = tpu.vector_load_idx %arg8[%broadcast_in_dim3A_495] : memref<2048xf32, #tpu.memory_space<vmem>>[vector<16xi32>], vector<16xf32>,
          %mul3A_498 = arith.mulf %gather3A_496, %gather3A_497 : vector<16xf32>
          %mul3A_499 = arith.constant 16 : i32
          %mul3A_500 = arith.muli %add3A_418, %mul3A_499 : i32
          %add3A_501 = arith.constant 10 : i32
          %add3A_502 = arith.addi %mul3A_500, %add3A_501 : i32
          %broadcast_in_dim3A_503 = vector.broadcast %add3A_502 : i32 to vector<16xi32>
          %gather3A_504 = tpu.vector_load_idx %arg5[%iota3A, %broadcast_in_dim3A_503] : memref<16x2056xf32, #tpu.memory_space<vmem>>[vector<16xi32>, vector<16xi32>], vector<16xf32>,
          %gather3A_505 = tpu.vector_load_idx %arg8[%broadcast_in_dim3A_503] : memref<2048xf32, #tpu.memory_space<vmem>>[vector<16xi32>], vector<16xf32>,
          %mul3A_506 = arith.mulf %gather3A_504, %gather3A_505 : vector<16xf32>
          %mul3A_507 = arith.constant 16 : i32
          %mul3A_508 = arith.muli %add3A_418, %mul3A_507 : i32
          %add3A_509 = arith.constant 11 : i32
          %add3A_510 = arith.addi %mul3A_508, %add3A_509 : i32
          %broadcast_in_dim3A_511 = vector.broadcast %add3A_510 : i32 to vector<16xi32>
          %gather3A_512 = tpu.vector_load_idx %arg5[%iota3A, %broadcast_in_dim3A_511] : memref<16x2056xf32, #tpu.memory_space<vmem>>[vector<16xi32>, vector<16xi32>], vector<16xf32>,
          %gather3A_513 = tpu.vector_load_idx %arg8[%broadcast_in_dim3A_511] : memref<2048xf32, #tpu.memory_space<vmem>>[vector<16xi32>], vector<16xf32>,
          %mul3A_514 = arith.mulf %gather3A_512, %gather3A_513 : vector<16xf32>
          %mul3A_515 = arith.constant 16 : i32
          %mul3A_516 = arith.muli %add3A_418, %mul3A_515 : i32
          %add3A_517 = arith.constant 12 : i32
          %add3A_518 = arith.addi %mul3A_516, %add3A_517 : i32
          %broadcast_in_dim3A_519 = vector.broadcast %add3A_518 : i32 to vector<16xi32>
          %gather3A_520 = tpu.vector_load_idx %arg5[%iota3A, %broadcast_in_dim3A_519] : memref<16x2056xf32, #tpu.memory_space<vmem>>[vector<16xi32>, vector<16xi32>], vector<16xf32>,
          %gather3A_521 = tpu.vector_load_idx %arg8[%broadcast_in_dim3A_519] : memref<2048xf32, #tpu.memory_space<vmem>>[vector<16xi32>], vector<16xf32>,
          %mul3A_522 = arith.mulf %gather3A_520, %gather3A_521 : vector<16xf32>
          %mul3A_523 = arith.constant 16 : i32
          %mul3A_524 = arith.muli %add3A_418, %mul3A_523 : i32
          %add3A_525 = arith.constant 13 : i32
          %add3A_526 = arith.addi %mul3A_524, %add3A_525 : i32
          %broadcast_in_dim3A_527 = vector.broadcast %add3A_526 : i32 to vector<16xi32>
          %gather3A_528 = tpu.vector_load_idx %arg5[%iota3A, %broadcast_in_dim3A_527] : memref<16x2056xf32, #tpu.memory_space<vmem>>[vector<16xi32>, vector<16xi32>], vector<16xf32>,
          %gather3A_529 = tpu.vector_load_idx %arg8[%broadcast_in_dim3A_527] : memref<2048xf32, #tpu.memory_space<vmem>>[vector<16xi32>], vector<16xf32>,
          %mul3A_530 = arith.mulf %gather3A_528, %gather3A_529 : vector<16xf32>
          %mul3A_531 = arith.constant 16 : i32
          %mul3A_532 = arith.muli %add3A_418, %mul3A_531 : i32
          %add3A_533 = arith.constant 14 : i32
          %add3A_534 = arith.addi %mul3A_532, %add3A_533 : i32
          %broadcast_in_dim3A_535 = vector.broadcast %add3A_534 : i32 to vector<16xi32>
          %gather3A_536 = tpu.vector_load_idx %arg5[%iota3A, %broadcast_in_dim3A_535] : memref<16x2056xf32, #tpu.memory_space<vmem>>[vector<16xi32>, vector<16xi32>], vector<16xf32>,
          %gather3A_537 = tpu.vector_load_idx %arg8[%broadcast_in_dim3A_535] : memref<2048xf32, #tpu.memory_space<vmem>>[vector<16xi32>], vector<16xf32>,
          %mul3A_538 = arith.mulf %gather3A_536, %gather3A_537 : vector<16xf32>
          %mul3A_539 = arith.constant 16 : i32
          %mul3A_540 = arith.muli %add3A_418, %mul3A_539 : i32
          %add3A_541 = arith.constant 15 : i32
          %add3A_542 = arith.addi %mul3A_540, %add3A_541 : i32
          %broadcast_in_dim3A_543 = vector.broadcast %add3A_542 : i32 to vector<16xi32>
          %gather3A_544 = tpu.vector_load_idx %arg5[%iota3A, %broadcast_in_dim3A_543] : memref<16x2056xf32, #tpu.memory_space<vmem>>[vector<16xi32>, vector<16xi32>], vector<16xf32>,
          %gather3A_545 = tpu.vector_load_idx %arg8[%broadcast_in_dim3A_543] : memref<2048xf32, #tpu.memory_space<vmem>>[vector<16xi32>], vector<16xf32>,
          %mul3A_546 = arith.mulf %gather3A_544, %gather3A_545 : vector<16xf32>
          %add3A_547 = arith.addf %mul3A_426, %mul3A_458 : vector<16xf32>
          %add3A_548 = arith.addf %mul3A_490, %mul3A_522 : vector<16xf32>
          %add3A_549 = arith.addf %add3A_547, %add3A_548 : vector<16xf32>
          %add3A_550 = arith.addf %mul3A_434, %mul3A_466 : vector<16xf32>
          %add3A_551 = arith.addf %mul3A_498, %mul3A_530 : vector<16xf32>
          %add3A_552 = arith.addf %add3A_550, %add3A_551 : vector<16xf32>
          %add3A_553 = arith.addf %mul3A_442, %mul3A_474 : vector<16xf32>
          %add3A_554 = arith.addf %mul3A_506, %mul3A_538 : vector<16xf32>
          %add3A_555 = arith.addf %add3A_553, %add3A_554 : vector<16xf32>
          %add3A_556 = arith.addf %mul3A_450, %mul3A_482 : vector<16xf32>
          %add3A_557 = arith.addf %mul3A_514, %mul3A_546 : vector<16xf32>
          %add3A_558 = arith.addf %add3A_556, %add3A_557 : vector<16xf32>
          %broadcast_in_dim3A_559 = vector.broadcast %add3A_418 : i32 to vector<16xi32>
          %add3A_560 = arith.addi %mul3A_3, %broadcast_in_dim3A_559 : vector<16xi32>
          %add3A_561 = arith.addf %add3A_549, %add3A_552 : vector<16xf32>
          %add3A_562 = arith.addf %add3A_555, %add3A_558 : vector<16xf32>
          %add3A_563 = arith.addf %add3A_561, %add3A_562 : vector<16xf32>
          tpu.vector_store_idx %arg7[%add3A_560], %add3A_563 : memref<2048xf32, #tpu.memory_space<vmem>>[vector<16xi32>], vector<16xf32>,
          %mul3A_564 = arith.constant 4 : i32
          %mul3A_565 = arith.muli %scan3A_118, %mul3A_564 : i32
          %add3A_566 = arith.constant 3 : i32
          %add3A_567 = arith.addi %mul3A_565, %add3A_566 : i32
          %mul3A_568 = arith.constant 16 : i32
          %mul3A_569 = arith.muli %add3A_567, %mul3A_568 : i32
          %add3A_570 = arith.constant 0 : i32
          %add3A_571 = arith.addi %mul3A_569, %add3A_570 : i32
          %broadcast_in_dim3A_572 = vector.broadcast %add3A_571 : i32 to vector<16xi32>
          %gather3A_573 = tpu.vector_load_idx %arg5[%iota3A, %broadcast_in_dim3A_572] : memref<16x2056xf32, #tpu.memory_space<vmem>>[vector<16xi32>, vector<16xi32>], vector<16xf32>,
          %gather3A_574 = tpu.vector_load_idx %arg8[%broadcast_in_dim3A_572] : memref<2048xf32, #tpu.memory_space<vmem>>[vector<16xi32>], vector<16xf32>,
          %mul3A_575 = arith.mulf %gather3A_573, %gather3A_574 : vector<16xf32>
          %mul3A_576 = arith.constant 16 : i32
          %mul3A_577 = arith.muli %add3A_567, %mul3A_576 : i32
          %add3A_578 = arith.constant 1 : i32
          %add3A_579 = arith.addi %mul3A_577, %add3A_578 : i32
          %broadcast_in_dim3A_580 = vector.broadcast %add3A_579 : i32 to vector<16xi32>
          %gather3A_581 = tpu.vector_load_idx %arg5[%iota3A, %broadcast_in_dim3A_580] : memref<16x2056xf32, #tpu.memory_space<vmem>>[vector<16xi32>, vector<16xi32>], vector<16xf32>,
          %gather3A_582 = tpu.vector_load_idx %arg8[%broadcast_in_dim3A_580] : memref<2048xf32, #tpu.memory_space<vmem>>[vector<16xi32>], vector<16xf32>,
          %mul3A_583 = arith.mulf %gather3A_581, %gather3A_582 : vector<16xf32>
          %mul3A_584 = arith.constant 16 : i32
          %mul3A_585 = arith.muli %add3A_567, %mul3A_584 : i32
          %add3A_586 = arith.constant 2 : i32
          %add3A_587 = arith.addi %mul3A_585, %add3A_586 : i32
          %broadcast_in_dim3A_588 = vector.broadcast %add3A_587 : i32 to vector<16xi32>
          %gather3A_589 = tpu.vector_load_idx %arg5[%iota3A, %broadcast_in_dim3A_588] : memref<16x2056xf32, #tpu.memory_space<vmem>>[vector<16xi32>, vector<16xi32>], vector<16xf32>,
          %gather3A_590 = tpu.vector_load_idx %arg8[%broadcast_in_dim3A_588] : memref<2048xf32, #tpu.memory_space<vmem>>[vector<16xi32>], vector<16xf32>,
          %mul3A_591 = arith.mulf %gather3A_589, %gather3A_590 : vector<16xf32>
          %mul3A_592 = arith.constant 16 : i32
          %mul3A_593 = arith.muli %add3A_567, %mul3A_592 : i32
          %add3A_594 = arith.constant 3 : i32
          %add3A_595 = arith.addi %mul3A_593, %add3A_594 : i32
          %broadcast_in_dim3A_596 = vector.broadcast %add3A_595 : i32 to vector<16xi32>
          %gather3A_597 = tpu.vector_load_idx %arg5[%iota3A, %broadcast_in_dim3A_596] : memref<16x2056xf32, #tpu.memory_space<vmem>>[vector<16xi32>, vector<16xi32>], vector<16xf32>,
          %gather3A_598 = tpu.vector_load_idx %arg8[%broadcast_in_dim3A_596] : memref<2048xf32, #tpu.memory_space<vmem>>[vector<16xi32>], vector<16xf32>,
          %mul3A_599 = arith.mulf %gather3A_597, %gather3A_598 : vector<16xf32>
          %mul3A_600 = arith.constant 16 : i32
          %mul3A_601 = arith.muli %add3A_567, %mul3A_600 : i32
          %add3A_602 = arith.constant 4 : i32
          %add3A_603 = arith.addi %mul3A_601, %add3A_602 : i32
          %broadcast_in_dim3A_604 = vector.broadcast %add3A_603 : i32 to vector<16xi32>
          %gather3A_605 = tpu.vector_load_idx %arg5[%iota3A, %broadcast_in_dim3A_604] : memref<16x2056xf32, #tpu.memory_space<vmem>>[vector<16xi32>, vector<16xi32>], vector<16xf32>,
          %gather3A_606 = tpu.vector_load_idx %arg8[%broadcast_in_dim3A_604] : memref<2048xf32, #tpu.memory_space<vmem>>[vector<16xi32>], vector<16xf32>,
          %mul3A_607 = arith.mulf %gather3A_605, %gather3A_606 : vector<16xf32>
          %mul3A_608 = arith.constant 16 : i32
          %mul3A_609 = arith.muli %add3A_567, %mul3A_608 : i32
          %add3A_610 = arith.constant 5 : i32
          %add3A_611 = arith.addi %mul3A_609, %add3A_610 : i32
          %broadcast_in_dim3A_612 = vector.broadcast %add3A_611 : i32 to vector<16xi32>
          %gather3A_613 = tpu.vector_load_idx %arg5[%iota3A, %broadcast_in_dim3A_612] : memref<16x2056xf32, #tpu.memory_space<vmem>>[vector<16xi32>, vector<16xi32>], vector<16xf32>,
          %gather3A_614 = tpu.vector_load_idx %arg8[%broadcast_in_dim3A_612] : memref<2048xf32, #tpu.memory_space<vmem>>[vector<16xi32>], vector<16xf32>,
          %mul3A_615 = arith.mulf %gather3A_613, %gather3A_614 : vector<16xf32>
          %mul3A_616 = arith.constant 16 : i32
          %mul3A_617 = arith.muli %add3A_567, %mul3A_616 : i32
          %add3A_618 = arith.constant 6 : i32
          %add3A_619 = arith.addi %mul3A_617, %add3A_618 : i32
          %broadcast_in_dim3A_620 = vector.broadcast %add3A_619 : i32 to vector<16xi32>
          %gather3A_621 = tpu.vector_load_idx %arg5[%iota3A, %broadcast_in_dim3A_620] : memref<16x2056xf32, #tpu.memory_space<vmem>>[vector<16xi32>, vector<16xi32>], vector<16xf32>,
          %gather3A_622 = tpu.vector_load_idx %arg8[%broadcast_in_dim3A_620] : memref<2048xf32, #tpu.memory_space<vmem>>[vector<16xi32>], vector<16xf32>,
          %mul3A_623 = arith.mulf %gather3A_621, %gather3A_622 : vector<16xf32>
          %mul3A_624 = arith.constant 16 : i32
          %mul3A_625 = arith.muli %add3A_567, %mul3A_624 : i32
          %add3A_626 = arith.constant 7 : i32
          %add3A_627 = arith.addi %mul3A_625, %add3A_626 : i32
          %broadcast_in_dim3A_628 = vector.broadcast %add3A_627 : i32 to vector<16xi32>
          %gather3A_629 = tpu.vector_load_idx %arg5[%iota3A, %broadcast_in_dim3A_628] : memref<16x2056xf32, #tpu.memory_space<vmem>>[vector<16xi32>, vector<16xi32>], vector<16xf32>,
          %gather3A_630 = tpu.vector_load_idx %arg8[%broadcast_in_dim3A_628] : memref<2048xf32, #tpu.memory_space<vmem>>[vector<16xi32>], vector<16xf32>,
          %mul3A_631 = arith.mulf %gather3A_629, %gather3A_630 : vector<16xf32>
          %mul3A_632 = arith.constant 16 : i32
          %mul3A_633 = arith.muli %add3A_567, %mul3A_632 : i32
          %add3A_634 = arith.constant 8 : i32
          %add3A_635 = arith.addi %mul3A_633, %add3A_634 : i32
          %broadcast_in_dim3A_636 = vector.broadcast %add3A_635 : i32 to vector<16xi32>
          %gather3A_637 = tpu.vector_load_idx %arg5[%iota3A, %broadcast_in_dim3A_636] : memref<16x2056xf32, #tpu.memory_space<vmem>>[vector<16xi32>, vector<16xi32>], vector<16xf32>,
          %gather3A_638 = tpu.vector_load_idx %arg8[%broadcast_in_dim3A_636] : memref<2048xf32, #tpu.memory_space<vmem>>[vector<16xi32>], vector<16xf32>,
          %mul3A_639 = arith.mulf %gather3A_637, %gather3A_638 : vector<16xf32>
          %mul3A_640 = arith.constant 16 : i32
          %mul3A_641 = arith.muli %add3A_567, %mul3A_640 : i32
          %add3A_642 = arith.constant 9 : i32
          %add3A_643 = arith.addi %mul3A_641, %add3A_642 : i32
          %broadcast_in_dim3A_644 = vector.broadcast %add3A_643 : i32 to vector<16xi32>
          %gather3A_645 = tpu.vector_load_idx %arg5[%iota3A, %broadcast_in_dim3A_644] : memref<16x2056xf32, #tpu.memory_space<vmem>>[vector<16xi32>, vector<16xi32>], vector<16xf32>,
          %gather3A_646 = tpu.vector_load_idx %arg8[%broadcast_in_dim3A_644] : memref<2048xf32, #tpu.memory_space<vmem>>[vector<16xi32>], vector<16xf32>,
          %mul3A_647 = arith.mulf %gather3A_645, %gather3A_646 : vector<16xf32>
          %mul3A_648 = arith.constant 16 : i32
          %mul3A_649 = arith.muli %add3A_567, %mul3A_648 : i32
          %add3A_650 = arith.constant 10 : i32
          %add3A_651 = arith.addi %mul3A_649, %add3A_650 : i32
          %broadcast_in_dim3A_652 = vector.broadcast %add3A_651 : i32 to vector<16xi32>
          %gather3A_653 = tpu.vector_load_idx %arg5[%iota3A, %broadcast_in_dim3A_652] : memref<16x2056xf32, #tpu.memory_space<vmem>>[vector<16xi32>, vector<16xi32>], vector<16xf32>,
          %gather3A_654 = tpu.vector_load_idx %arg8[%broadcast_in_dim3A_652] : memref<2048xf32, #tpu.memory_space<vmem>>[vector<16xi32>], vector<16xf32>,
          %mul3A_655 = arith.mulf %gather3A_653, %gather3A_654 : vector<16xf32>
          %mul3A_656 = arith.constant 16 : i32
          %mul3A_657 = arith.muli %add3A_567, %mul3A_656 : i32
          %add3A_658 = arith.constant 11 : i32
          %add3A_659 = arith.addi %mul3A_657, %add3A_658 : i32
          %broadcast_in_dim3A_660 = vector.broadcast %add3A_659 : i32 to vector<16xi32>
          %gather3A_661 = tpu.vector_load_idx %arg5[%iota3A, %broadcast_in_dim3A_660] : memref<16x2056xf32, #tpu.memory_space<vmem>>[vector<16xi32>, vector<16xi32>], vector<16xf32>,
          %gather3A_662 = tpu.vector_load_idx %arg8[%broadcast_in_dim3A_660] : memref<2048xf32, #tpu.memory_space<vmem>>[vector<16xi32>], vector<16xf32>,
          %mul3A_663 = arith.mulf %gather3A_661, %gather3A_662 : vector<16xf32>
          %mul3A_664 = arith.constant 16 : i32
          %mul3A_665 = arith.muli %add3A_567, %mul3A_664 : i32
          %add3A_666 = arith.constant 12 : i32
          %add3A_667 = arith.addi %mul3A_665, %add3A_666 : i32
          %broadcast_in_dim3A_668 = vector.broadcast %add3A_667 : i32 to vector<16xi32>
          %gather3A_669 = tpu.vector_load_idx %arg5[%iota3A, %broadcast_in_dim3A_668] : memref<16x2056xf32, #tpu.memory_space<vmem>>[vector<16xi32>, vector<16xi32>], vector<16xf32>,
          %gather3A_670 = tpu.vector_load_idx %arg8[%broadcast_in_dim3A_668] : memref<2048xf32, #tpu.memory_space<vmem>>[vector<16xi32>], vector<16xf32>,
          %mul3A_671 = arith.mulf %gather3A_669, %gather3A_670 : vector<16xf32>
          %mul3A_672 = arith.constant 16 : i32
          %mul3A_673 = arith.muli %add3A_567, %mul3A_672 : i32
          %add3A_674 = arith.constant 13 : i32
          %add3A_675 = arith.addi %mul3A_673, %add3A_674 : i32
          %broadcast_in_dim3A_676 = vector.broadcast %add3A_675 : i32 to vector<16xi32>
          %gather3A_677 = tpu.vector_load_idx %arg5[%iota3A, %broadcast_in_dim3A_676] : memref<16x2056xf32, #tpu.memory_space<vmem>>[vector<16xi32>, vector<16xi32>], vector<16xf32>,
          %gather3A_678 = tpu.vector_load_idx %arg8[%broadcast_in_dim3A_676] : memref<2048xf32, #tpu.memory_space<vmem>>[vector<16xi32>], vector<16xf32>,
          %mul3A_679 = arith.mulf %gather3A_677, %gather3A_678 : vector<16xf32>
          %mul3A_680 = arith.constant 16 : i32
          %mul3A_681 = arith.muli %add3A_567, %mul3A_680 : i32
          %add3A_682 = arith.constant 14 : i32
          %add3A_683 = arith.addi %mul3A_681, %add3A_682 : i32
          %broadcast_in_dim3A_684 = vector.broadcast %add3A_683 : i32 to vector<16xi32>
          %gather3A_685 = tpu.vector_load_idx %arg5[%iota3A, %broadcast_in_dim3A_684] : memref<16x2056xf32, #tpu.memory_space<vmem>>[vector<16xi32>, vector<16xi32>], vector<16xf32>,
          %gather3A_686 = tpu.vector_load_idx %arg8[%broadcast_in_dim3A_684] : memref<2048xf32, #tpu.memory_space<vmem>>[vector<16xi32>], vector<16xf32>,
          %mul3A_687 = arith.mulf %gather3A_685, %gather3A_686 : vector<16xf32>
          %mul3A_688 = arith.constant 16 : i32
          %mul3A_689 = arith.muli %add3A_567, %mul3A_688 : i32
          %add3A_690 = arith.constant 15 : i32
          %add3A_691 = arith.addi %mul3A_689, %add3A_690 : i32
          %broadcast_in_dim3A_692 = vector.broadcast %add3A_691 : i32 to vector<16xi32>
          %gather3A_693 = tpu.vector_load_idx %arg5[%iota3A, %broadcast_in_dim3A_692] : memref<16x2056xf32, #tpu.memory_space<vmem>>[vector<16xi32>, vector<16xi32>], vector<16xf32>,
          %gather3A_694 = tpu.vector_load_idx %arg8[%broadcast_in_dim3A_692] : memref<2048xf32, #tpu.memory_space<vmem>>[vector<16xi32>], vector<16xf32>,
          %mul3A_695 = arith.mulf %gather3A_693, %gather3A_694 : vector<16xf32>
          %add3A_696 = arith.addf %mul3A_575, %mul3A_607 : vector<16xf32>
          %add3A_697 = arith.addf %mul3A_639, %mul3A_671 : vector<16xf32>
          %add3A_698 = arith.addf %add3A_696, %add3A_697 : vector<16xf32>
          %add3A_699 = arith.addf %mul3A_583, %mul3A_615 : vector<16xf32>
          %add3A_700 = arith.addf %mul3A_647, %mul3A_679 : vector<16xf32>
          %add3A_701 = arith.addf %add3A_699, %add3A_700 : vector<16xf32>
          %add3A_702 = arith.addf %mul3A_591, %mul3A_623 : vector<16xf32>
          %add3A_703 = arith.addf %mul3A_655, %mul3A_687 : vector<16xf32>
          %add3A_704 = arith.addf %add3A_702, %add3A_703 : vector<16xf32>
          %add3A_705 = arith.addf %mul3A_599, %mul3A_631 : vector<16xf32>
          %add3A_706 = arith.addf %mul3A_663, %mul3A_695 : vector<16xf32>
          %add3A_707 = arith.addf %add3A_705, %add3A_706 : vector<16xf32>
          %broadcast_in_dim3A_708 = vector.broadcast %add3A_567 : i32 to vector<16xi32>
          %add3A_709 = arith.addi %mul3A_3, %broadcast_in_dim3A_708 : vector<16xi32>
          %add3A_710 = arith.addf %add3A_698, %add3A_701 : vector<16xf32>
          %add3A_711 = arith.addf %add3A_704, %add3A_707 : vector<16xf32>
          %add3A_712 = arith.addf %add3A_710, %add3A_711 : vector<16xf32>
          tpu.vector_store_idx %arg7[%add3A_709], %add3A_712 : memref<2048xf32, #tpu.memory_space<vmem>>[vector<16xi32>], vector<16xf32>,
        }
        %scan3A_107 = arith.constant 32 : i32
        %mul3A_108 = arith.constant 16 : i32
        %mul3A_109 = arith.muli %add3A_86, %mul3A_108 : i32
        %mul3A_110 = arith.constant 128 : i32
        %mul3A_111 = arith.muli %mul3A_109, %mul3A_110 : i32
        "tpu.region"() ({
          %run_scoped3A = tpu.sem_alloc : memref<!tpu.dma_semaphore, #tpu.memory_space<semaphore_mem>>
          %dma_start3A = tpu.memref_slice %arg4[%mul3A_111] : memref<65536xf32, #tpu.memory_space<hbm>> -> memref<2048xf32, #tpu.memory_space<hbm>>
          %dma_start3A_118 = tpu.memref_slice %arg4[%mul3A_111] : memref<65536xf32, #tpu.memory_space<hbm>> -> memref<2048xf32, #tpu.memory_space<hbm>>
          tpu.enqueue_dma source(%arg7 : memref<2048xf32, #tpu.memory_space<vmem>>) target(%dma_start3A_118 : memref<2048xf32, #tpu.memory_space<hbm>>) target_semaphore(%run_scoped3A : memref<!tpu.dma_semaphore, #tpu.memory_space<semaphore_mem>>)
          %dma_wait3A_119 = tpu.memref_slice %arg4[%mul3A_111] : memref<65536xf32, #tpu.memory_space<hbm>> -> memref<2048xf32, #tpu.memory_space<hbm>>
          %dma_wait3A_120 = tpu.memref_slice %arg4[%mul3A_111] : memref<65536xf32, #tpu.memory_space<hbm>> -> memref<2048xf32, #tpu.memory_space<hbm>>
          tpu.wait_dma2 semaphore(%run_scoped3A : memref<!tpu.dma_semaphore, #tpu.memory_space<semaphore_mem>>) src(%arg7 : memref<2048xf32, #tpu.memory_space<vmem>>) dst(%dma_wait3A_120 : memref<2048xf32, #tpu.memory_space<hbm>>)
          tpu.yield
        }) : () -> ()
        %add3A_112 = arith.constant 2 : i32
        %add3A_113 = arith.addi %add3A_72, %add3A_112 : i32
        %lt3A_114 = arith.cmpi slt, %add3A_113, %select_n3A : i32
        %convert_element_type3A_115 = arith.extui %lt3A_114 : i1 to i32
        %cond3A_116 = arith.constant 0 : i32
        %cond3A_117 = arith.cmpi ne, %convert_element_type3A_115, %cond3A_116 : i32
        scf.if %cond3A_117 {
          %add3A_118 = arith.constant 2 : i32
          %add3A_119 = arith.addi %add3A_72, %add3A_118 : i32
          %mul3A_120 = arith.constant 32 : i32
          %mul3A_121 = arith.muli %add3A_119, %mul3A_120 : i32
          %add3A_122 = arith.addi %add3A, %mul3A_121 : i32
          %mul3A_123 = arith.constant 16 : i32
          %mul3A_124 = arith.muli %add3A_122, %mul3A_123 : i32
          %add3A_125 = arith.constant 23488 : i32
          %add3A_126 = arith.addi %add3A_125, %mul3A_124 : i32
          %dma_start3A = arith.constant 0 : i32
          %dma_start3A_127 = arith.constant 0 : i32
          %dma_start3A_128 = tpu.memref_slice %arg5[%dma_start3A, %dma_start3A_127] : memref<16x2056xf32, #tpu.memory_space<vmem>> -> memref<16x2048xf32, #tpu.memory_space<vmem>>
          %dma_start3A_129 = arith.constant 0 : i32
          %dma_start3A_130 = tpu.memref_slice %arg2[%add3A_126, %dma_start3A_129] : memref<24000x2048xf32, #tpu.memory_space<hbm>> -> memref<16x2048xf32, #tpu.memory_space<hbm>>
          %dma_start3A_131 = arith.constant 0 : i32
          %dma_start3A_132 = arith.constant 0 : i32
          %dma_start3A_133 = tpu.memref_slice %arg5[%dma_start3A_131, %dma_start3A_132] : memref<16x2056xf32, #tpu.memory_space<vmem>> -> memref<16x2048xf32, #tpu.memory_space<vmem>>
          %dma_start3A_134 = arith.constant 0 : i32
          %dma_start3A_135 = tpu.memref_slice %arg2[%add3A_126, %dma_start3A_134] : memref<24000x2048xf32, #tpu.memory_space<hbm>> -> memref<16x2048xf32, #tpu.memory_space<hbm>>
          tpu.enqueue_dma source(%dma_start3A_135 : memref<16x2048xf32, #tpu.memory_space<hbm>>) target(%dma_start3A_133 : memref<16x2048xf32, #tpu.memory_space<vmem>>) target_semaphore(%arg9 : memref<!tpu.dma_semaphore, #tpu.memory_space<semaphore_mem>>)
        } else {
        }
      } else {
      }
      %mul3A_76 = arith.constant 2 : i32
      %mul3A_77 = arith.muli %while3A_68, %mul3A_76 : i32
      %add3A_78 = arith.constant 1 : i32
      %add3A_79 = arith.addi %mul3A_77, %add3A_78 : i32
      %lt3A_80 = arith.cmpi slt, %add3A_79, %select_n3A : i32
      %convert_element_type3A_81 = arith.extui %lt3A_80 : i1 to i32
      %cond3A_82 = arith.constant 0 : i32
      %cond3A_83 = arith.cmpi ne, %convert_element_type3A_81, %cond3A_82 : i32
      scf.if %cond3A_83 {
        %mul3A_84 = arith.constant 32 : i32
        %mul3A_85 = arith.muli %add3A_79, %mul3A_84 : i32
        %add3A_86 = arith.addi %add3A, %mul3A_85 : i32
        %mul3A_87 = arith.constant 32 : i32
        %mul3A_88 = arith.muli %add3A_79, %mul3A_87 : i32
        %add3A_89 = arith.addi %add3A, %mul3A_88 : i32
        %mul3A_90 = arith.constant 16 : i32
        %mul3A_91 = arith.muli %add3A_89, %mul3A_90 : i32
        %add3A_92 = arith.constant 23488 : i32
        %add3A_93 = arith.addi %add3A_92, %mul3A_91 : i32
        %dma_wait3A = arith.constant 0 : i32
        %dma_wait3A_94 = arith.constant 0 : i32
        %dma_wait3A_95 = tpu.memref_slice %arg6[%dma_wait3A, %dma_wait3A_94] : memref<16x2056xf32, #tpu.memory_space<vmem>> -> memref<16x2048xf32, #tpu.memory_space<vmem>>
        %dma_wait3A_96 = arith.constant 0 : i32
        %dma_wait3A_97 = tpu.memref_slice %arg2[%add3A_93, %dma_wait3A_96] : memref<24000x2048xf32, #tpu.memory_space<hbm>> -> memref<16x2048xf32, #tpu.memory_space<hbm>>
        %dma_wait3A_98 = arith.constant 0 : i32
        %dma_wait3A_99 = arith.constant 0 : i32
        %dma_wait3A_100 = tpu.memref_slice %arg6[%dma_wait3A_98, %dma_wait3A_99] : memref<16x2056xf32, #tpu.memory_space<vmem>> -> memref<16x2048xf32, #tpu.memory_space<vmem>>
        %dma_wait3A_101 = arith.constant 0 : i32
        %dma_wait3A_102 = tpu.memref_slice %arg2[%add3A_93, %dma_wait3A_101] : memref<24000x2048xf32, #tpu.memory_space<hbm>> -> memref<16x2048xf32, #tpu.memory_space<hbm>>
        tpu.wait_dma2 semaphore(%arg10 : memref<!tpu.dma_semaphore, #tpu.memory_space<semaphore_mem>>) src(%dma_wait3A_102 : memref<16x2048xf32, #tpu.memory_space<hbm>>) dst(%dma_wait3A_100 : memref<16x2048xf32, #tpu.memory_space<vmem>>)
        %scan3A = arith.constant 0 : i32
        %scan3A_103 = arith.constant 0 : i32
        %scan3A_104 = arith.constant 32 : i32
        %scan3A_105 = arith.addi %scan3A_103, %scan3A_104 : i32
        %scan3A_106 = arith.constant 1 : i32
        scf.for %scan3A_118 = %scan3A_103 to %scan3A_105 step %scan3A_106  : i32 {
          %mul3A_119 = arith.constant 4 : i32
          %mul3A_120 = arith.muli %scan3A_118, %mul3A_119 : i32
          %add3A_121 = arith.constant 0 : i32
          %add3A_122 = arith.addi %mul3A_120, %add3A_121 : i32
          %mul3A_123 = arith.constant 16 : i32
          %mul3A_124 = arith.muli %add3A_122, %mul3A_123 : i32
          %add3A_125 = arith.constant 0 : i32
          %add3A_126 = arith.addi %mul3A_124, %add3A_125 : i32
          %broadcast_in_dim3A = vector.broadcast %add3A_126 : i32 to vector<16xi32>
          %gather3A = tpu.vector_load_idx %arg6[%iota3A, %broadcast_in_dim3A] : memref<16x2056xf32, #tpu.memory_space<vmem>>[vector<16xi32>, vector<16xi32>], vector<16xf32>,
          %gather3A_127 = tpu.vector_load_idx %arg8[%broadcast_in_dim3A] : memref<2048xf32, #tpu.memory_space<vmem>>[vector<16xi32>], vector<16xf32>,
          %mul3A_128 = arith.mulf %gather3A, %gather3A_127 : vector<16xf32>
          %mul3A_129 = arith.constant 16 : i32
          %mul3A_130 = arith.muli %add3A_122, %mul3A_129 : i32
          %add3A_131 = arith.constant 1 : i32
          %add3A_132 = arith.addi %mul3A_130, %add3A_131 : i32
          %broadcast_in_dim3A_133 = vector.broadcast %add3A_132 : i32 to vector<16xi32>
          %gather3A_134 = tpu.vector_load_idx %arg6[%iota3A, %broadcast_in_dim3A_133] : memref<16x2056xf32, #tpu.memory_space<vmem>>[vector<16xi32>, vector<16xi32>], vector<16xf32>,
          %gather3A_135 = tpu.vector_load_idx %arg8[%broadcast_in_dim3A_133] : memref<2048xf32, #tpu.memory_space<vmem>>[vector<16xi32>], vector<16xf32>,
          %mul3A_136 = arith.mulf %gather3A_134, %gather3A_135 : vector<16xf32>
          %mul3A_137 = arith.constant 16 : i32
          %mul3A_138 = arith.muli %add3A_122, %mul3A_137 : i32
          %add3A_139 = arith.constant 2 : i32
          %add3A_140 = arith.addi %mul3A_138, %add3A_139 : i32
          %broadcast_in_dim3A_141 = vector.broadcast %add3A_140 : i32 to vector<16xi32>
          %gather3A_142 = tpu.vector_load_idx %arg6[%iota3A, %broadcast_in_dim3A_141] : memref<16x2056xf32, #tpu.memory_space<vmem>>[vector<16xi32>, vector<16xi32>], vector<16xf32>,
          %gather3A_143 = tpu.vector_load_idx %arg8[%broadcast_in_dim3A_141] : memref<2048xf32, #tpu.memory_space<vmem>>[vector<16xi32>], vector<16xf32>,
          %mul3A_144 = arith.mulf %gather3A_142, %gather3A_143 : vector<16xf32>
          %mul3A_145 = arith.constant 16 : i32
          %mul3A_146 = arith.muli %add3A_122, %mul3A_145 : i32
          %add3A_147 = arith.constant 3 : i32
          %add3A_148 = arith.addi %mul3A_146, %add3A_147 : i32
          %broadcast_in_dim3A_149 = vector.broadcast %add3A_148 : i32 to vector<16xi32>
          %gather3A_150 = tpu.vector_load_idx %arg6[%iota3A, %broadcast_in_dim3A_149] : memref<16x2056xf32, #tpu.memory_space<vmem>>[vector<16xi32>, vector<16xi32>], vector<16xf32>,
          %gather3A_151 = tpu.vector_load_idx %arg8[%broadcast_in_dim3A_149] : memref<2048xf32, #tpu.memory_space<vmem>>[vector<16xi32>], vector<16xf32>,
          %mul3A_152 = arith.mulf %gather3A_150, %gather3A_151 : vector<16xf32>
          %mul3A_153 = arith.constant 16 : i32
          %mul3A_154 = arith.muli %add3A_122, %mul3A_153 : i32
          %add3A_155 = arith.constant 4 : i32
          %add3A_156 = arith.addi %mul3A_154, %add3A_155 : i32
          %broadcast_in_dim3A_157 = vector.broadcast %add3A_156 : i32 to vector<16xi32>
          %gather3A_158 = tpu.vector_load_idx %arg6[%iota3A, %broadcast_in_dim3A_157] : memref<16x2056xf32, #tpu.memory_space<vmem>>[vector<16xi32>, vector<16xi32>], vector<16xf32>,
          %gather3A_159 = tpu.vector_load_idx %arg8[%broadcast_in_dim3A_157] : memref<2048xf32, #tpu.memory_space<vmem>>[vector<16xi32>], vector<16xf32>,
          %mul3A_160 = arith.mulf %gather3A_158, %gather3A_159 : vector<16xf32>
          %mul3A_161 = arith.constant 16 : i32
          %mul3A_162 = arith.muli %add3A_122, %mul3A_161 : i32
          %add3A_163 = arith.constant 5 : i32
          %add3A_164 = arith.addi %mul3A_162, %add3A_163 : i32
          %broadcast_in_dim3A_165 = vector.broadcast %add3A_164 : i32 to vector<16xi32>
          %gather3A_166 = tpu.vector_load_idx %arg6[%iota3A, %broadcast_in_dim3A_165] : memref<16x2056xf32, #tpu.memory_space<vmem>>[vector<16xi32>, vector<16xi32>], vector<16xf32>,
          %gather3A_167 = tpu.vector_load_idx %arg8[%broadcast_in_dim3A_165] : memref<2048xf32, #tpu.memory_space<vmem>>[vector<16xi32>], vector<16xf32>,
          %mul3A_168 = arith.mulf %gather3A_166, %gather3A_167 : vector<16xf32>
          %mul3A_169 = arith.constant 16 : i32
          %mul3A_170 = arith.muli %add3A_122, %mul3A_169 : i32
          %add3A_171 = arith.constant 6 : i32
          %add3A_172 = arith.addi %mul3A_170, %add3A_171 : i32
          %broadcast_in_dim3A_173 = vector.broadcast %add3A_172 : i32 to vector<16xi32>
          %gather3A_174 = tpu.vector_load_idx %arg6[%iota3A, %broadcast_in_dim3A_173] : memref<16x2056xf32, #tpu.memory_space<vmem>>[vector<16xi32>, vector<16xi32>], vector<16xf32>,
          %gather3A_175 = tpu.vector_load_idx %arg8[%broadcast_in_dim3A_173] : memref<2048xf32, #tpu.memory_space<vmem>>[vector<16xi32>], vector<16xf32>,
          %mul3A_176 = arith.mulf %gather3A_174, %gather3A_175 : vector<16xf32>
          %mul3A_177 = arith.constant 16 : i32
          %mul3A_178 = arith.muli %add3A_122, %mul3A_177 : i32
          %add3A_179 = arith.constant 7 : i32
          %add3A_180 = arith.addi %mul3A_178, %add3A_179 : i32
          %broadcast_in_dim3A_181 = vector.broadcast %add3A_180 : i32 to vector<16xi32>
          %gather3A_182 = tpu.vector_load_idx %arg6[%iota3A, %broadcast_in_dim3A_181] : memref<16x2056xf32, #tpu.memory_space<vmem>>[vector<16xi32>, vector<16xi32>], vector<16xf32>,
          %gather3A_183 = tpu.vector_load_idx %arg8[%broadcast_in_dim3A_181] : memref<2048xf32, #tpu.memory_space<vmem>>[vector<16xi32>], vector<16xf32>,
          %mul3A_184 = arith.mulf %gather3A_182, %gather3A_183 : vector<16xf32>
          %mul3A_185 = arith.constant 16 : i32
          %mul3A_186 = arith.muli %add3A_122, %mul3A_185 : i32
          %add3A_187 = arith.constant 8 : i32
          %add3A_188 = arith.addi %mul3A_186, %add3A_187 : i32
          %broadcast_in_dim3A_189 = vector.broadcast %add3A_188 : i32 to vector<16xi32>
          %gather3A_190 = tpu.vector_load_idx %arg6[%iota3A, %broadcast_in_dim3A_189] : memref<16x2056xf32, #tpu.memory_space<vmem>>[vector<16xi32>, vector<16xi32>], vector<16xf32>,
          %gather3A_191 = tpu.vector_load_idx %arg8[%broadcast_in_dim3A_189] : memref<2048xf32, #tpu.memory_space<vmem>>[vector<16xi32>], vector<16xf32>,
          %mul3A_192 = arith.mulf %gather3A_190, %gather3A_191 : vector<16xf32>
          %mul3A_193 = arith.constant 16 : i32
          %mul3A_194 = arith.muli %add3A_122, %mul3A_193 : i32
          %add3A_195 = arith.constant 9 : i32
          %add3A_196 = arith.addi %mul3A_194, %add3A_195 : i32
          %broadcast_in_dim3A_197 = vector.broadcast %add3A_196 : i32 to vector<16xi32>
          %gather3A_198 = tpu.vector_load_idx %arg6[%iota3A, %broadcast_in_dim3A_197] : memref<16x2056xf32, #tpu.memory_space<vmem>>[vector<16xi32>, vector<16xi32>], vector<16xf32>,
          %gather3A_199 = tpu.vector_load_idx %arg8[%broadcast_in_dim3A_197] : memref<2048xf32, #tpu.memory_space<vmem>>[vector<16xi32>], vector<16xf32>,
          %mul3A_200 = arith.mulf %gather3A_198, %gather3A_199 : vector<16xf32>
          %mul3A_201 = arith.constant 16 : i32
          %mul3A_202 = arith.muli %add3A_122, %mul3A_201 : i32
          %add3A_203 = arith.constant 10 : i32
          %add3A_204 = arith.addi %mul3A_202, %add3A_203 : i32
          %broadcast_in_dim3A_205 = vector.broadcast %add3A_204 : i32 to vector<16xi32>
          %gather3A_206 = tpu.vector_load_idx %arg6[%iota3A, %broadcast_in_dim3A_205] : memref<16x2056xf32, #tpu.memory_space<vmem>>[vector<16xi32>, vector<16xi32>], vector<16xf32>,
          %gather3A_207 = tpu.vector_load_idx %arg8[%broadcast_in_dim3A_205] : memref<2048xf32, #tpu.memory_space<vmem>>[vector<16xi32>], vector<16xf32>,
          %mul3A_208 = arith.mulf %gather3A_206, %gather3A_207 : vector<16xf32>
          %mul3A_209 = arith.constant 16 : i32
          %mul3A_210 = arith.muli %add3A_122, %mul3A_209 : i32
          %add3A_211 = arith.constant 11 : i32
          %add3A_212 = arith.addi %mul3A_210, %add3A_211 : i32
          %broadcast_in_dim3A_213 = vector.broadcast %add3A_212 : i32 to vector<16xi32>
          %gather3A_214 = tpu.vector_load_idx %arg6[%iota3A, %broadcast_in_dim3A_213] : memref<16x2056xf32, #tpu.memory_space<vmem>>[vector<16xi32>, vector<16xi32>], vector<16xf32>,
          %gather3A_215 = tpu.vector_load_idx %arg8[%broadcast_in_dim3A_213] : memref<2048xf32, #tpu.memory_space<vmem>>[vector<16xi32>], vector<16xf32>,
          %mul3A_216 = arith.mulf %gather3A_214, %gather3A_215 : vector<16xf32>
          %mul3A_217 = arith.constant 16 : i32
          %mul3A_218 = arith.muli %add3A_122, %mul3A_217 : i32
          %add3A_219 = arith.constant 12 : i32
          %add3A_220 = arith.addi %mul3A_218, %add3A_219 : i32
          %broadcast_in_dim3A_221 = vector.broadcast %add3A_220 : i32 to vector<16xi32>
          %gather3A_222 = tpu.vector_load_idx %arg6[%iota3A, %broadcast_in_dim3A_221] : memref<16x2056xf32, #tpu.memory_space<vmem>>[vector<16xi32>, vector<16xi32>], vector<16xf32>,
          %gather3A_223 = tpu.vector_load_idx %arg8[%broadcast_in_dim3A_221] : memref<2048xf32, #tpu.memory_space<vmem>>[vector<16xi32>], vector<16xf32>,
          %mul3A_224 = arith.mulf %gather3A_222, %gather3A_223 : vector<16xf32>
          %mul3A_225 = arith.constant 16 : i32
          %mul3A_226 = arith.muli %add3A_122, %mul3A_225 : i32
          %add3A_227 = arith.constant 13 : i32
          %add3A_228 = arith.addi %mul3A_226, %add3A_227 : i32
          %broadcast_in_dim3A_229 = vector.broadcast %add3A_228 : i32 to vector<16xi32>
          %gather3A_230 = tpu.vector_load_idx %arg6[%iota3A, %broadcast_in_dim3A_229] : memref<16x2056xf32, #tpu.memory_space<vmem>>[vector<16xi32>, vector<16xi32>], vector<16xf32>,
          %gather3A_231 = tpu.vector_load_idx %arg8[%broadcast_in_dim3A_229] : memref<2048xf32, #tpu.memory_space<vmem>>[vector<16xi32>], vector<16xf32>,
          %mul3A_232 = arith.mulf %gather3A_230, %gather3A_231 : vector<16xf32>
          %mul3A_233 = arith.constant 16 : i32
          %mul3A_234 = arith.muli %add3A_122, %mul3A_233 : i32
          %add3A_235 = arith.constant 14 : i32
          %add3A_236 = arith.addi %mul3A_234, %add3A_235 : i32
          %broadcast_in_dim3A_237 = vector.broadcast %add3A_236 : i32 to vector<16xi32>
          %gather3A_238 = tpu.vector_load_idx %arg6[%iota3A, %broadcast_in_dim3A_237] : memref<16x2056xf32, #tpu.memory_space<vmem>>[vector<16xi32>, vector<16xi32>], vector<16xf32>,
          %gather3A_239 = tpu.vector_load_idx %arg8[%broadcast_in_dim3A_237] : memref<2048xf32, #tpu.memory_space<vmem>>[vector<16xi32>], vector<16xf32>,
          %mul3A_240 = arith.mulf %gather3A_238, %gather3A_239 : vector<16xf32>
          %mul3A_241 = arith.constant 16 : i32
          %mul3A_242 = arith.muli %add3A_122, %mul3A_241 : i32
          %add3A_243 = arith.constant 15 : i32
          %add3A_244 = arith.addi %mul3A_242, %add3A_243 : i32
          %broadcast_in_dim3A_245 = vector.broadcast %add3A_244 : i32 to vector<16xi32>
          %gather3A_246 = tpu.vector_load_idx %arg6[%iota3A, %broadcast_in_dim3A_245] : memref<16x2056xf32, #tpu.memory_space<vmem>>[vector<16xi32>, vector<16xi32>], vector<16xf32>,
          %gather3A_247 = tpu.vector_load_idx %arg8[%broadcast_in_dim3A_245] : memref<2048xf32, #tpu.memory_space<vmem>>[vector<16xi32>], vector<16xf32>,
          %mul3A_248 = arith.mulf %gather3A_246, %gather3A_247 : vector<16xf32>
          %add3A_249 = arith.addf %mul3A_128, %mul3A_160 : vector<16xf32>
          %add3A_250 = arith.addf %mul3A_192, %mul3A_224 : vector<16xf32>
          %add3A_251 = arith.addf %add3A_249, %add3A_250 : vector<16xf32>
          %add3A_252 = arith.addf %mul3A_136, %mul3A_168 : vector<16xf32>
          %add3A_253 = arith.addf %mul3A_200, %mul3A_232 : vector<16xf32>
          %add3A_254 = arith.addf %add3A_252, %add3A_253 : vector<16xf32>
          %add3A_255 = arith.addf %mul3A_144, %mul3A_176 : vector<16xf32>
          %add3A_256 = arith.addf %mul3A_208, %mul3A_240 : vector<16xf32>
          %add3A_257 = arith.addf %add3A_255, %add3A_256 : vector<16xf32>
          %add3A_258 = arith.addf %mul3A_152, %mul3A_184 : vector<16xf32>
          %add3A_259 = arith.addf %mul3A_216, %mul3A_248 : vector<16xf32>
          %add3A_260 = arith.addf %add3A_258, %add3A_259 : vector<16xf32>
          %broadcast_in_dim3A_261 = vector.broadcast %add3A_122 : i32 to vector<16xi32>
          %add3A_262 = arith.addi %mul3A_3, %broadcast_in_dim3A_261 : vector<16xi32>
          %add3A_263 = arith.addf %add3A_251, %add3A_254 : vector<16xf32>
          %add3A_264 = arith.addf %add3A_257, %add3A_260 : vector<16xf32>
          %add3A_265 = arith.addf %add3A_263, %add3A_264 : vector<16xf32>
          tpu.vector_store_idx %arg7[%add3A_262], %add3A_265 : memref<2048xf32, #tpu.memory_space<vmem>>[vector<16xi32>], vector<16xf32>,
          %mul3A_266 = arith.constant 4 : i32
          %mul3A_267 = arith.muli %scan3A_118, %mul3A_266 : i32
          %add3A_268 = arith.constant 1 : i32
          %add3A_269 = arith.addi %mul3A_267, %add3A_268 : i32
          %mul3A_270 = arith.constant 16 : i32
          %mul3A_271 = arith.muli %add3A_269, %mul3A_270 : i32
          %add3A_272 = arith.constant 0 : i32
          %add3A_273 = arith.addi %mul3A_271, %add3A_272 : i32
          %broadcast_in_dim3A_274 = vector.broadcast %add3A_273 : i32 to vector<16xi32>
          %gather3A_275 = tpu.vector_load_idx %arg6[%iota3A, %broadcast_in_dim3A_274] : memref<16x2056xf32, #tpu.memory_space<vmem>>[vector<16xi32>, vector<16xi32>], vector<16xf32>,
          %gather3A_276 = tpu.vector_load_idx %arg8[%broadcast_in_dim3A_274] : memref<2048xf32, #tpu.memory_space<vmem>>[vector<16xi32>], vector<16xf32>,
          %mul3A_277 = arith.mulf %gather3A_275, %gather3A_276 : vector<16xf32>
          %mul3A_278 = arith.constant 16 : i32
          %mul3A_279 = arith.muli %add3A_269, %mul3A_278 : i32
          %add3A_280 = arith.constant 1 : i32
          %add3A_281 = arith.addi %mul3A_279, %add3A_280 : i32
          %broadcast_in_dim3A_282 = vector.broadcast %add3A_281 : i32 to vector<16xi32>
          %gather3A_283 = tpu.vector_load_idx %arg6[%iota3A, %broadcast_in_dim3A_282] : memref<16x2056xf32, #tpu.memory_space<vmem>>[vector<16xi32>, vector<16xi32>], vector<16xf32>,
          %gather3A_284 = tpu.vector_load_idx %arg8[%broadcast_in_dim3A_282] : memref<2048xf32, #tpu.memory_space<vmem>>[vector<16xi32>], vector<16xf32>,
          %mul3A_285 = arith.mulf %gather3A_283, %gather3A_284 : vector<16xf32>
          %mul3A_286 = arith.constant 16 : i32
          %mul3A_287 = arith.muli %add3A_269, %mul3A_286 : i32
          %add3A_288 = arith.constant 2 : i32
          %add3A_289 = arith.addi %mul3A_287, %add3A_288 : i32
          %broadcast_in_dim3A_290 = vector.broadcast %add3A_289 : i32 to vector<16xi32>
          %gather3A_291 = tpu.vector_load_idx %arg6[%iota3A, %broadcast_in_dim3A_290] : memref<16x2056xf32, #tpu.memory_space<vmem>>[vector<16xi32>, vector<16xi32>], vector<16xf32>,
          %gather3A_292 = tpu.vector_load_idx %arg8[%broadcast_in_dim3A_290] : memref<2048xf32, #tpu.memory_space<vmem>>[vector<16xi32>], vector<16xf32>,
          %mul3A_293 = arith.mulf %gather3A_291, %gather3A_292 : vector<16xf32>
          %mul3A_294 = arith.constant 16 : i32
          %mul3A_295 = arith.muli %add3A_269, %mul3A_294 : i32
          %add3A_296 = arith.constant 3 : i32
          %add3A_297 = arith.addi %mul3A_295, %add3A_296 : i32
          %broadcast_in_dim3A_298 = vector.broadcast %add3A_297 : i32 to vector<16xi32>
          %gather3A_299 = tpu.vector_load_idx %arg6[%iota3A, %broadcast_in_dim3A_298] : memref<16x2056xf32, #tpu.memory_space<vmem>>[vector<16xi32>, vector<16xi32>], vector<16xf32>,
          %gather3A_300 = tpu.vector_load_idx %arg8[%broadcast_in_dim3A_298] : memref<2048xf32, #tpu.memory_space<vmem>>[vector<16xi32>], vector<16xf32>,
          %mul3A_301 = arith.mulf %gather3A_299, %gather3A_300 : vector<16xf32>
          %mul3A_302 = arith.constant 16 : i32
          %mul3A_303 = arith.muli %add3A_269, %mul3A_302 : i32
          %add3A_304 = arith.constant 4 : i32
          %add3A_305 = arith.addi %mul3A_303, %add3A_304 : i32
          %broadcast_in_dim3A_306 = vector.broadcast %add3A_305 : i32 to vector<16xi32>
          %gather3A_307 = tpu.vector_load_idx %arg6[%iota3A, %broadcast_in_dim3A_306] : memref<16x2056xf32, #tpu.memory_space<vmem>>[vector<16xi32>, vector<16xi32>], vector<16xf32>,
          %gather3A_308 = tpu.vector_load_idx %arg8[%broadcast_in_dim3A_306] : memref<2048xf32, #tpu.memory_space<vmem>>[vector<16xi32>], vector<16xf32>,
          %mul3A_309 = arith.mulf %gather3A_307, %gather3A_308 : vector<16xf32>
          %mul3A_310 = arith.constant 16 : i32
          %mul3A_311 = arith.muli %add3A_269, %mul3A_310 : i32
          %add3A_312 = arith.constant 5 : i32
          %add3A_313 = arith.addi %mul3A_311, %add3A_312 : i32
          %broadcast_in_dim3A_314 = vector.broadcast %add3A_313 : i32 to vector<16xi32>
          %gather3A_315 = tpu.vector_load_idx %arg6[%iota3A, %broadcast_in_dim3A_314] : memref<16x2056xf32, #tpu.memory_space<vmem>>[vector<16xi32>, vector<16xi32>], vector<16xf32>,
          %gather3A_316 = tpu.vector_load_idx %arg8[%broadcast_in_dim3A_314] : memref<2048xf32, #tpu.memory_space<vmem>>[vector<16xi32>], vector<16xf32>,
          %mul3A_317 = arith.mulf %gather3A_315, %gather3A_316 : vector<16xf32>
          %mul3A_318 = arith.constant 16 : i32
          %mul3A_319 = arith.muli %add3A_269, %mul3A_318 : i32
          %add3A_320 = arith.constant 6 : i32
          %add3A_321 = arith.addi %mul3A_319, %add3A_320 : i32
          %broadcast_in_dim3A_322 = vector.broadcast %add3A_321 : i32 to vector<16xi32>
          %gather3A_323 = tpu.vector_load_idx %arg6[%iota3A, %broadcast_in_dim3A_322] : memref<16x2056xf32, #tpu.memory_space<vmem>>[vector<16xi32>, vector<16xi32>], vector<16xf32>,
          %gather3A_324 = tpu.vector_load_idx %arg8[%broadcast_in_dim3A_322] : memref<2048xf32, #tpu.memory_space<vmem>>[vector<16xi32>], vector<16xf32>,
          %mul3A_325 = arith.mulf %gather3A_323, %gather3A_324 : vector<16xf32>
          %mul3A_326 = arith.constant 16 : i32
          %mul3A_327 = arith.muli %add3A_269, %mul3A_326 : i32
          %add3A_328 = arith.constant 7 : i32
          %add3A_329 = arith.addi %mul3A_327, %add3A_328 : i32
          %broadcast_in_dim3A_330 = vector.broadcast %add3A_329 : i32 to vector<16xi32>
          %gather3A_331 = tpu.vector_load_idx %arg6[%iota3A, %broadcast_in_dim3A_330] : memref<16x2056xf32, #tpu.memory_space<vmem>>[vector<16xi32>, vector<16xi32>], vector<16xf32>,
          %gather3A_332 = tpu.vector_load_idx %arg8[%broadcast_in_dim3A_330] : memref<2048xf32, #tpu.memory_space<vmem>>[vector<16xi32>], vector<16xf32>,
          %mul3A_333 = arith.mulf %gather3A_331, %gather3A_332 : vector<16xf32>
          %mul3A_334 = arith.constant 16 : i32
          %mul3A_335 = arith.muli %add3A_269, %mul3A_334 : i32
          %add3A_336 = arith.constant 8 : i32
          %add3A_337 = arith.addi %mul3A_335, %add3A_336 : i32
          %broadcast_in_dim3A_338 = vector.broadcast %add3A_337 : i32 to vector<16xi32>
          %gather3A_339 = tpu.vector_load_idx %arg6[%iota3A, %broadcast_in_dim3A_338] : memref<16x2056xf32, #tpu.memory_space<vmem>>[vector<16xi32>, vector<16xi32>], vector<16xf32>,
          %gather3A_340 = tpu.vector_load_idx %arg8[%broadcast_in_dim3A_338] : memref<2048xf32, #tpu.memory_space<vmem>>[vector<16xi32>], vector<16xf32>,
          %mul3A_341 = arith.mulf %gather3A_339, %gather3A_340 : vector<16xf32>
          %mul3A_342 = arith.constant 16 : i32
          %mul3A_343 = arith.muli %add3A_269, %mul3A_342 : i32
          %add3A_344 = arith.constant 9 : i32
          %add3A_345 = arith.addi %mul3A_343, %add3A_344 : i32
          %broadcast_in_dim3A_346 = vector.broadcast %add3A_345 : i32 to vector<16xi32>
          %gather3A_347 = tpu.vector_load_idx %arg6[%iota3A, %broadcast_in_dim3A_346] : memref<16x2056xf32, #tpu.memory_space<vmem>>[vector<16xi32>, vector<16xi32>], vector<16xf32>,
          %gather3A_348 = tpu.vector_load_idx %arg8[%broadcast_in_dim3A_346] : memref<2048xf32, #tpu.memory_space<vmem>>[vector<16xi32>], vector<16xf32>,
          %mul3A_349 = arith.mulf %gather3A_347, %gather3A_348 : vector<16xf32>
          %mul3A_350 = arith.constant 16 : i32
          %mul3A_351 = arith.muli %add3A_269, %mul3A_350 : i32
          %add3A_352 = arith.constant 10 : i32
          %add3A_353 = arith.addi %mul3A_351, %add3A_352 : i32
          %broadcast_in_dim3A_354 = vector.broadcast %add3A_353 : i32 to vector<16xi32>
          %gather3A_355 = tpu.vector_load_idx %arg6[%iota3A, %broadcast_in_dim3A_354] : memref<16x2056xf32, #tpu.memory_space<vmem>>[vector<16xi32>, vector<16xi32>], vector<16xf32>,
          %gather3A_356 = tpu.vector_load_idx %arg8[%broadcast_in_dim3A_354] : memref<2048xf32, #tpu.memory_space<vmem>>[vector<16xi32>], vector<16xf32>,
          %mul3A_357 = arith.mulf %gather3A_355, %gather3A_356 : vector<16xf32>
          %mul3A_358 = arith.constant 16 : i32
          %mul3A_359 = arith.muli %add3A_269, %mul3A_358 : i32
          %add3A_360 = arith.constant 11 : i32
          %add3A_361 = arith.addi %mul3A_359, %add3A_360 : i32
          %broadcast_in_dim3A_362 = vector.broadcast %add3A_361 : i32 to vector<16xi32>
          %gather3A_363 = tpu.vector_load_idx %arg6[%iota3A, %broadcast_in_dim3A_362] : memref<16x2056xf32, #tpu.memory_space<vmem>>[vector<16xi32>, vector<16xi32>], vector<16xf32>,
          %gather3A_364 = tpu.vector_load_idx %arg8[%broadcast_in_dim3A_362] : memref<2048xf32, #tpu.memory_space<vmem>>[vector<16xi32>], vector<16xf32>,
          %mul3A_365 = arith.mulf %gather3A_363, %gather3A_364 : vector<16xf32>
          %mul3A_366 = arith.constant 16 : i32
          %mul3A_367 = arith.muli %add3A_269, %mul3A_366 : i32
          %add3A_368 = arith.constant 12 : i32
          %add3A_369 = arith.addi %mul3A_367, %add3A_368 : i32
          %broadcast_in_dim3A_370 = vector.broadcast %add3A_369 : i32 to vector<16xi32>
          %gather3A_371 = tpu.vector_load_idx %arg6[%iota3A, %broadcast_in_dim3A_370] : memref<16x2056xf32, #tpu.memory_space<vmem>>[vector<16xi32>, vector<16xi32>], vector<16xf32>,
          %gather3A_372 = tpu.vector_load_idx %arg8[%broadcast_in_dim3A_370] : memref<2048xf32, #tpu.memory_space<vmem>>[vector<16xi32>], vector<16xf32>,
          %mul3A_373 = arith.mulf %gather3A_371, %gather3A_372 : vector<16xf32>
          %mul3A_374 = arith.constant 16 : i32
          %mul3A_375 = arith.muli %add3A_269, %mul3A_374 : i32
          %add3A_376 = arith.constant 13 : i32
          %add3A_377 = arith.addi %mul3A_375, %add3A_376 : i32
          %broadcast_in_dim3A_378 = vector.broadcast %add3A_377 : i32 to vector<16xi32>
          %gather3A_379 = tpu.vector_load_idx %arg6[%iota3A, %broadcast_in_dim3A_378] : memref<16x2056xf32, #tpu.memory_space<vmem>>[vector<16xi32>, vector<16xi32>], vector<16xf32>,
          %gather3A_380 = tpu.vector_load_idx %arg8[%broadcast_in_dim3A_378] : memref<2048xf32, #tpu.memory_space<vmem>>[vector<16xi32>], vector<16xf32>,
          %mul3A_381 = arith.mulf %gather3A_379, %gather3A_380 : vector<16xf32>
          %mul3A_382 = arith.constant 16 : i32
          %mul3A_383 = arith.muli %add3A_269, %mul3A_382 : i32
          %add3A_384 = arith.constant 14 : i32
          %add3A_385 = arith.addi %mul3A_383, %add3A_384 : i32
          %broadcast_in_dim3A_386 = vector.broadcast %add3A_385 : i32 to vector<16xi32>
          %gather3A_387 = tpu.vector_load_idx %arg6[%iota3A, %broadcast_in_dim3A_386] : memref<16x2056xf32, #tpu.memory_space<vmem>>[vector<16xi32>, vector<16xi32>], vector<16xf32>,
          %gather3A_388 = tpu.vector_load_idx %arg8[%broadcast_in_dim3A_386] : memref<2048xf32, #tpu.memory_space<vmem>>[vector<16xi32>], vector<16xf32>,
          %mul3A_389 = arith.mulf %gather3A_387, %gather3A_388 : vector<16xf32>
          %mul3A_390 = arith.constant 16 : i32
          %mul3A_391 = arith.muli %add3A_269, %mul3A_390 : i32
          %add3A_392 = arith.constant 15 : i32
          %add3A_393 = arith.addi %mul3A_391, %add3A_392 : i32
          %broadcast_in_dim3A_394 = vector.broadcast %add3A_393 : i32 to vector<16xi32>
          %gather3A_395 = tpu.vector_load_idx %arg6[%iota3A, %broadcast_in_dim3A_394] : memref<16x2056xf32, #tpu.memory_space<vmem>>[vector<16xi32>, vector<16xi32>], vector<16xf32>,
          %gather3A_396 = tpu.vector_load_idx %arg8[%broadcast_in_dim3A_394] : memref<2048xf32, #tpu.memory_space<vmem>>[vector<16xi32>], vector<16xf32>,
          %mul3A_397 = arith.mulf %gather3A_395, %gather3A_396 : vector<16xf32>
          %add3A_398 = arith.addf %mul3A_277, %mul3A_309 : vector<16xf32>
          %add3A_399 = arith.addf %mul3A_341, %mul3A_373 : vector<16xf32>
          %add3A_400 = arith.addf %add3A_398, %add3A_399 : vector<16xf32>
          %add3A_401 = arith.addf %mul3A_285, %mul3A_317 : vector<16xf32>
          %add3A_402 = arith.addf %mul3A_349, %mul3A_381 : vector<16xf32>
          %add3A_403 = arith.addf %add3A_401, %add3A_402 : vector<16xf32>
          %add3A_404 = arith.addf %mul3A_293, %mul3A_325 : vector<16xf32>
          %add3A_405 = arith.addf %mul3A_357, %mul3A_389 : vector<16xf32>
          %add3A_406 = arith.addf %add3A_404, %add3A_405 : vector<16xf32>
          %add3A_407 = arith.addf %mul3A_301, %mul3A_333 : vector<16xf32>
          %add3A_408 = arith.addf %mul3A_365, %mul3A_397 : vector<16xf32>
          %add3A_409 = arith.addf %add3A_407, %add3A_408 : vector<16xf32>
          %broadcast_in_dim3A_410 = vector.broadcast %add3A_269 : i32 to vector<16xi32>
          %add3A_411 = arith.addi %mul3A_3, %broadcast_in_dim3A_410 : vector<16xi32>
          %add3A_412 = arith.addf %add3A_400, %add3A_403 : vector<16xf32>
          %add3A_413 = arith.addf %add3A_406, %add3A_409 : vector<16xf32>
          %add3A_414 = arith.addf %add3A_412, %add3A_413 : vector<16xf32>
          tpu.vector_store_idx %arg7[%add3A_411], %add3A_414 : memref<2048xf32, #tpu.memory_space<vmem>>[vector<16xi32>], vector<16xf32>,
          %mul3A_415 = arith.constant 4 : i32
          %mul3A_416 = arith.muli %scan3A_118, %mul3A_415 : i32
          %add3A_417 = arith.constant 2 : i32
          %add3A_418 = arith.addi %mul3A_416, %add3A_417 : i32
          %mul3A_419 = arith.constant 16 : i32
          %mul3A_420 = arith.muli %add3A_418, %mul3A_419 : i32
          %add3A_421 = arith.constant 0 : i32
          %add3A_422 = arith.addi %mul3A_420, %add3A_421 : i32
          %broadcast_in_dim3A_423 = vector.broadcast %add3A_422 : i32 to vector<16xi32>
          %gather3A_424 = tpu.vector_load_idx %arg6[%iota3A, %broadcast_in_dim3A_423] : memref<16x2056xf32, #tpu.memory_space<vmem>>[vector<16xi32>, vector<16xi32>], vector<16xf32>,
          %gather3A_425 = tpu.vector_load_idx %arg8[%broadcast_in_dim3A_423] : memref<2048xf32, #tpu.memory_space<vmem>>[vector<16xi32>], vector<16xf32>,
          %mul3A_426 = arith.mulf %gather3A_424, %gather3A_425 : vector<16xf32>
          %mul3A_427 = arith.constant 16 : i32
          %mul3A_428 = arith.muli %add3A_418, %mul3A_427 : i32
          %add3A_429 = arith.constant 1 : i32
          %add3A_430 = arith.addi %mul3A_428, %add3A_429 : i32
          %broadcast_in_dim3A_431 = vector.broadcast %add3A_430 : i32 to vector<16xi32>
          %gather3A_432 = tpu.vector_load_idx %arg6[%iota3A, %broadcast_in_dim3A_431] : memref<16x2056xf32, #tpu.memory_space<vmem>>[vector<16xi32>, vector<16xi32>], vector<16xf32>,
          %gather3A_433 = tpu.vector_load_idx %arg8[%broadcast_in_dim3A_431] : memref<2048xf32, #tpu.memory_space<vmem>>[vector<16xi32>], vector<16xf32>,
          %mul3A_434 = arith.mulf %gather3A_432, %gather3A_433 : vector<16xf32>
          %mul3A_435 = arith.constant 16 : i32
          %mul3A_436 = arith.muli %add3A_418, %mul3A_435 : i32
          %add3A_437 = arith.constant 2 : i32
          %add3A_438 = arith.addi %mul3A_436, %add3A_437 : i32
          %broadcast_in_dim3A_439 = vector.broadcast %add3A_438 : i32 to vector<16xi32>
          %gather3A_440 = tpu.vector_load_idx %arg6[%iota3A, %broadcast_in_dim3A_439] : memref<16x2056xf32, #tpu.memory_space<vmem>>[vector<16xi32>, vector<16xi32>], vector<16xf32>,
          %gather3A_441 = tpu.vector_load_idx %arg8[%broadcast_in_dim3A_439] : memref<2048xf32, #tpu.memory_space<vmem>>[vector<16xi32>], vector<16xf32>,
          %mul3A_442 = arith.mulf %gather3A_440, %gather3A_441 : vector<16xf32>
          %mul3A_443 = arith.constant 16 : i32
          %mul3A_444 = arith.muli %add3A_418, %mul3A_443 : i32
          %add3A_445 = arith.constant 3 : i32
          %add3A_446 = arith.addi %mul3A_444, %add3A_445 : i32
          %broadcast_in_dim3A_447 = vector.broadcast %add3A_446 : i32 to vector<16xi32>
          %gather3A_448 = tpu.vector_load_idx %arg6[%iota3A, %broadcast_in_dim3A_447] : memref<16x2056xf32, #tpu.memory_space<vmem>>[vector<16xi32>, vector<16xi32>], vector<16xf32>,
          %gather3A_449 = tpu.vector_load_idx %arg8[%broadcast_in_dim3A_447] : memref<2048xf32, #tpu.memory_space<vmem>>[vector<16xi32>], vector<16xf32>,
          %mul3A_450 = arith.mulf %gather3A_448, %gather3A_449 : vector<16xf32>
          %mul3A_451 = arith.constant 16 : i32
          %mul3A_452 = arith.muli %add3A_418, %mul3A_451 : i32
          %add3A_453 = arith.constant 4 : i32
          %add3A_454 = arith.addi %mul3A_452, %add3A_453 : i32
          %broadcast_in_dim3A_455 = vector.broadcast %add3A_454 : i32 to vector<16xi32>
          %gather3A_456 = tpu.vector_load_idx %arg6[%iota3A, %broadcast_in_dim3A_455] : memref<16x2056xf32, #tpu.memory_space<vmem>>[vector<16xi32>, vector<16xi32>], vector<16xf32>,
          %gather3A_457 = tpu.vector_load_idx %arg8[%broadcast_in_dim3A_455] : memref<2048xf32, #tpu.memory_space<vmem>>[vector<16xi32>], vector<16xf32>,
          %mul3A_458 = arith.mulf %gather3A_456, %gather3A_457 : vector<16xf32>
          %mul3A_459 = arith.constant 16 : i32
          %mul3A_460 = arith.muli %add3A_418, %mul3A_459 : i32
          %add3A_461 = arith.constant 5 : i32
          %add3A_462 = arith.addi %mul3A_460, %add3A_461 : i32
          %broadcast_in_dim3A_463 = vector.broadcast %add3A_462 : i32 to vector<16xi32>
          %gather3A_464 = tpu.vector_load_idx %arg6[%iota3A, %broadcast_in_dim3A_463] : memref<16x2056xf32, #tpu.memory_space<vmem>>[vector<16xi32>, vector<16xi32>], vector<16xf32>,
          %gather3A_465 = tpu.vector_load_idx %arg8[%broadcast_in_dim3A_463] : memref<2048xf32, #tpu.memory_space<vmem>>[vector<16xi32>], vector<16xf32>,
          %mul3A_466 = arith.mulf %gather3A_464, %gather3A_465 : vector<16xf32>
          %mul3A_467 = arith.constant 16 : i32
          %mul3A_468 = arith.muli %add3A_418, %mul3A_467 : i32
          %add3A_469 = arith.constant 6 : i32
          %add3A_470 = arith.addi %mul3A_468, %add3A_469 : i32
          %broadcast_in_dim3A_471 = vector.broadcast %add3A_470 : i32 to vector<16xi32>
          %gather3A_472 = tpu.vector_load_idx %arg6[%iota3A, %broadcast_in_dim3A_471] : memref<16x2056xf32, #tpu.memory_space<vmem>>[vector<16xi32>, vector<16xi32>], vector<16xf32>,
          %gather3A_473 = tpu.vector_load_idx %arg8[%broadcast_in_dim3A_471] : memref<2048xf32, #tpu.memory_space<vmem>>[vector<16xi32>], vector<16xf32>,
          %mul3A_474 = arith.mulf %gather3A_472, %gather3A_473 : vector<16xf32>
          %mul3A_475 = arith.constant 16 : i32
          %mul3A_476 = arith.muli %add3A_418, %mul3A_475 : i32
          %add3A_477 = arith.constant 7 : i32
          %add3A_478 = arith.addi %mul3A_476, %add3A_477 : i32
          %broadcast_in_dim3A_479 = vector.broadcast %add3A_478 : i32 to vector<16xi32>
          %gather3A_480 = tpu.vector_load_idx %arg6[%iota3A, %broadcast_in_dim3A_479] : memref<16x2056xf32, #tpu.memory_space<vmem>>[vector<16xi32>, vector<16xi32>], vector<16xf32>,
          %gather3A_481 = tpu.vector_load_idx %arg8[%broadcast_in_dim3A_479] : memref<2048xf32, #tpu.memory_space<vmem>>[vector<16xi32>], vector<16xf32>,
          %mul3A_482 = arith.mulf %gather3A_480, %gather3A_481 : vector<16xf32>
          %mul3A_483 = arith.constant 16 : i32
          %mul3A_484 = arith.muli %add3A_418, %mul3A_483 : i32
          %add3A_485 = arith.constant 8 : i32
          %add3A_486 = arith.addi %mul3A_484, %add3A_485 : i32
          %broadcast_in_dim3A_487 = vector.broadcast %add3A_486 : i32 to vector<16xi32>
          %gather3A_488 = tpu.vector_load_idx %arg6[%iota3A, %broadcast_in_dim3A_487] : memref<16x2056xf32, #tpu.memory_space<vmem>>[vector<16xi32>, vector<16xi32>], vector<16xf32>,
          %gather3A_489 = tpu.vector_load_idx %arg8[%broadcast_in_dim3A_487] : memref<2048xf32, #tpu.memory_space<vmem>>[vector<16xi32>], vector<16xf32>,
          %mul3A_490 = arith.mulf %gather3A_488, %gather3A_489 : vector<16xf32>
          %mul3A_491 = arith.constant 16 : i32
          %mul3A_492 = arith.muli %add3A_418, %mul3A_491 : i32
          %add3A_493 = arith.constant 9 : i32
          %add3A_494 = arith.addi %mul3A_492, %add3A_493 : i32
          %broadcast_in_dim3A_495 = vector.broadcast %add3A_494 : i32 to vector<16xi32>
          %gather3A_496 = tpu.vector_load_idx %arg6[%iota3A, %broadcast_in_dim3A_495] : memref<16x2056xf32, #tpu.memory_space<vmem>>[vector<16xi32>, vector<16xi32>], vector<16xf32>,
          %gather3A_497 = tpu.vector_load_idx %arg8[%broadcast_in_dim3A_495] : memref<2048xf32, #tpu.memory_space<vmem>>[vector<16xi32>], vector<16xf32>,
          %mul3A_498 = arith.mulf %gather3A_496, %gather3A_497 : vector<16xf32>
          %mul3A_499 = arith.constant 16 : i32
          %mul3A_500 = arith.muli %add3A_418, %mul3A_499 : i32
          %add3A_501 = arith.constant 10 : i32
          %add3A_502 = arith.addi %mul3A_500, %add3A_501 : i32
          %broadcast_in_dim3A_503 = vector.broadcast %add3A_502 : i32 to vector<16xi32>
          %gather3A_504 = tpu.vector_load_idx %arg6[%iota3A, %broadcast_in_dim3A_503] : memref<16x2056xf32, #tpu.memory_space<vmem>>[vector<16xi32>, vector<16xi32>], vector<16xf32>,
          %gather3A_505 = tpu.vector_load_idx %arg8[%broadcast_in_dim3A_503] : memref<2048xf32, #tpu.memory_space<vmem>>[vector<16xi32>], vector<16xf32>,
          %mul3A_506 = arith.mulf %gather3A_504, %gather3A_505 : vector<16xf32>
          %mul3A_507 = arith.constant 16 : i32
          %mul3A_508 = arith.muli %add3A_418, %mul3A_507 : i32
          %add3A_509 = arith.constant 11 : i32
          %add3A_510 = arith.addi %mul3A_508, %add3A_509 : i32
          %broadcast_in_dim3A_511 = vector.broadcast %add3A_510 : i32 to vector<16xi32>
          %gather3A_512 = tpu.vector_load_idx %arg6[%iota3A, %broadcast_in_dim3A_511] : memref<16x2056xf32, #tpu.memory_space<vmem>>[vector<16xi32>, vector<16xi32>], vector<16xf32>,
          %gather3A_513 = tpu.vector_load_idx %arg8[%broadcast_in_dim3A_511] : memref<2048xf32, #tpu.memory_space<vmem>>[vector<16xi32>], vector<16xf32>,
          %mul3A_514 = arith.mulf %gather3A_512, %gather3A_513 : vector<16xf32>
          %mul3A_515 = arith.constant 16 : i32
          %mul3A_516 = arith.muli %add3A_418, %mul3A_515 : i32
          %add3A_517 = arith.constant 12 : i32
          %add3A_518 = arith.addi %mul3A_516, %add3A_517 : i32
          %broadcast_in_dim3A_519 = vector.broadcast %add3A_518 : i32 to vector<16xi32>
          %gather3A_520 = tpu.vector_load_idx %arg6[%iota3A, %broadcast_in_dim3A_519] : memref<16x2056xf32, #tpu.memory_space<vmem>>[vector<16xi32>, vector<16xi32>], vector<16xf32>,
          %gather3A_521 = tpu.vector_load_idx %arg8[%broadcast_in_dim3A_519] : memref<2048xf32, #tpu.memory_space<vmem>>[vector<16xi32>], vector<16xf32>,
          %mul3A_522 = arith.mulf %gather3A_520, %gather3A_521 : vector<16xf32>
          %mul3A_523 = arith.constant 16 : i32
          %mul3A_524 = arith.muli %add3A_418, %mul3A_523 : i32
          %add3A_525 = arith.constant 13 : i32
          %add3A_526 = arith.addi %mul3A_524, %add3A_525 : i32
          %broadcast_in_dim3A_527 = vector.broadcast %add3A_526 : i32 to vector<16xi32>
          %gather3A_528 = tpu.vector_load_idx %arg6[%iota3A, %broadcast_in_dim3A_527] : memref<16x2056xf32, #tpu.memory_space<vmem>>[vector<16xi32>, vector<16xi32>], vector<16xf32>,
          %gather3A_529 = tpu.vector_load_idx %arg8[%broadcast_in_dim3A_527] : memref<2048xf32, #tpu.memory_space<vmem>>[vector<16xi32>], vector<16xf32>,
          %mul3A_530 = arith.mulf %gather3A_528, %gather3A_529 : vector<16xf32>
          %mul3A_531 = arith.constant 16 : i32
          %mul3A_532 = arith.muli %add3A_418, %mul3A_531 : i32
          %add3A_533 = arith.constant 14 : i32
          %add3A_534 = arith.addi %mul3A_532, %add3A_533 : i32
          %broadcast_in_dim3A_535 = vector.broadcast %add3A_534 : i32 to vector<16xi32>
          %gather3A_536 = tpu.vector_load_idx %arg6[%iota3A, %broadcast_in_dim3A_535] : memref<16x2056xf32, #tpu.memory_space<vmem>>[vector<16xi32>, vector<16xi32>], vector<16xf32>,
          %gather3A_537 = tpu.vector_load_idx %arg8[%broadcast_in_dim3A_535] : memref<2048xf32, #tpu.memory_space<vmem>>[vector<16xi32>], vector<16xf32>,
          %mul3A_538 = arith.mulf %gather3A_536, %gather3A_537 : vector<16xf32>
          %mul3A_539 = arith.constant 16 : i32
          %mul3A_540 = arith.muli %add3A_418, %mul3A_539 : i32
          %add3A_541 = arith.constant 15 : i32
          %add3A_542 = arith.addi %mul3A_540, %add3A_541 : i32
          %broadcast_in_dim3A_543 = vector.broadcast %add3A_542 : i32 to vector<16xi32>
          %gather3A_544 = tpu.vector_load_idx %arg6[%iota3A, %broadcast_in_dim3A_543] : memref<16x2056xf32, #tpu.memory_space<vmem>>[vector<16xi32>, vector<16xi32>], vector<16xf32>,
          %gather3A_545 = tpu.vector_load_idx %arg8[%broadcast_in_dim3A_543] : memref<2048xf32, #tpu.memory_space<vmem>>[vector<16xi32>], vector<16xf32>,
          %mul3A_546 = arith.mulf %gather3A_544, %gather3A_545 : vector<16xf32>
          %add3A_547 = arith.addf %mul3A_426, %mul3A_458 : vector<16xf32>
          %add3A_548 = arith.addf %mul3A_490, %mul3A_522 : vector<16xf32>
          %add3A_549 = arith.addf %add3A_547, %add3A_548 : vector<16xf32>
          %add3A_550 = arith.addf %mul3A_434, %mul3A_466 : vector<16xf32>
          %add3A_551 = arith.addf %mul3A_498, %mul3A_530 : vector<16xf32>
          %add3A_552 = arith.addf %add3A_550, %add3A_551 : vector<16xf32>
          %add3A_553 = arith.addf %mul3A_442, %mul3A_474 : vector<16xf32>
          %add3A_554 = arith.addf %mul3A_506, %mul3A_538 : vector<16xf32>
          %add3A_555 = arith.addf %add3A_553, %add3A_554 : vector<16xf32>
          %add3A_556 = arith.addf %mul3A_450, %mul3A_482 : vector<16xf32>
          %add3A_557 = arith.addf %mul3A_514, %mul3A_546 : vector<16xf32>
          %add3A_558 = arith.addf %add3A_556, %add3A_557 : vector<16xf32>
          %broadcast_in_dim3A_559 = vector.broadcast %add3A_418 : i32 to vector<16xi32>
          %add3A_560 = arith.addi %mul3A_3, %broadcast_in_dim3A_559 : vector<16xi32>
          %add3A_561 = arith.addf %add3A_549, %add3A_552 : vector<16xf32>
          %add3A_562 = arith.addf %add3A_555, %add3A_558 : vector<16xf32>
          %add3A_563 = arith.addf %add3A_561, %add3A_562 : vector<16xf32>
          tpu.vector_store_idx %arg7[%add3A_560], %add3A_563 : memref<2048xf32, #tpu.memory_space<vmem>>[vector<16xi32>], vector<16xf32>,
          %mul3A_564 = arith.constant 4 : i32
          %mul3A_565 = arith.muli %scan3A_118, %mul3A_564 : i32
          %add3A_566 = arith.constant 3 : i32
          %add3A_567 = arith.addi %mul3A_565, %add3A_566 : i32
          %mul3A_568 = arith.constant 16 : i32
          %mul3A_569 = arith.muli %add3A_567, %mul3A_568 : i32
          %add3A_570 = arith.constant 0 : i32
          %add3A_571 = arith.addi %mul3A_569, %add3A_570 : i32
          %broadcast_in_dim3A_572 = vector.broadcast %add3A_571 : i32 to vector<16xi32>
          %gather3A_573 = tpu.vector_load_idx %arg6[%iota3A, %broadcast_in_dim3A_572] : memref<16x2056xf32, #tpu.memory_space<vmem>>[vector<16xi32>, vector<16xi32>], vector<16xf32>,
          %gather3A_574 = tpu.vector_load_idx %arg8[%broadcast_in_dim3A_572] : memref<2048xf32, #tpu.memory_space<vmem>>[vector<16xi32>], vector<16xf32>,
          %mul3A_575 = arith.mulf %gather3A_573, %gather3A_574 : vector<16xf32>
          %mul3A_576 = arith.constant 16 : i32
          %mul3A_577 = arith.muli %add3A_567, %mul3A_576 : i32
          %add3A_578 = arith.constant 1 : i32
          %add3A_579 = arith.addi %mul3A_577, %add3A_578 : i32
          %broadcast_in_dim3A_580 = vector.broadcast %add3A_579 : i32 to vector<16xi32>
          %gather3A_581 = tpu.vector_load_idx %arg6[%iota3A, %broadcast_in_dim3A_580] : memref<16x2056xf32, #tpu.memory_space<vmem>>[vector<16xi32>, vector<16xi32>], vector<16xf32>,
          %gather3A_582 = tpu.vector_load_idx %arg8[%broadcast_in_dim3A_580] : memref<2048xf32, #tpu.memory_space<vmem>>[vector<16xi32>], vector<16xf32>,
          %mul3A_583 = arith.mulf %gather3A_581, %gather3A_582 : vector<16xf32>
          %mul3A_584 = arith.constant 16 : i32
          %mul3A_585 = arith.muli %add3A_567, %mul3A_584 : i32
          %add3A_586 = arith.constant 2 : i32
          %add3A_587 = arith.addi %mul3A_585, %add3A_586 : i32
          %broadcast_in_dim3A_588 = vector.broadcast %add3A_587 : i32 to vector<16xi32>
          %gather3A_589 = tpu.vector_load_idx %arg6[%iota3A, %broadcast_in_dim3A_588] : memref<16x2056xf32, #tpu.memory_space<vmem>>[vector<16xi32>, vector<16xi32>], vector<16xf32>,
          %gather3A_590 = tpu.vector_load_idx %arg8[%broadcast_in_dim3A_588] : memref<2048xf32, #tpu.memory_space<vmem>>[vector<16xi32>], vector<16xf32>,
          %mul3A_591 = arith.mulf %gather3A_589, %gather3A_590 : vector<16xf32>
          %mul3A_592 = arith.constant 16 : i32
          %mul3A_593 = arith.muli %add3A_567, %mul3A_592 : i32
          %add3A_594 = arith.constant 3 : i32
          %add3A_595 = arith.addi %mul3A_593, %add3A_594 : i32
          %broadcast_in_dim3A_596 = vector.broadcast %add3A_595 : i32 to vector<16xi32>
          %gather3A_597 = tpu.vector_load_idx %arg6[%iota3A, %broadcast_in_dim3A_596] : memref<16x2056xf32, #tpu.memory_space<vmem>>[vector<16xi32>, vector<16xi32>], vector<16xf32>,
          %gather3A_598 = tpu.vector_load_idx %arg8[%broadcast_in_dim3A_596] : memref<2048xf32, #tpu.memory_space<vmem>>[vector<16xi32>], vector<16xf32>,
          %mul3A_599 = arith.mulf %gather3A_597, %gather3A_598 : vector<16xf32>
          %mul3A_600 = arith.constant 16 : i32
          %mul3A_601 = arith.muli %add3A_567, %mul3A_600 : i32
          %add3A_602 = arith.constant 4 : i32
          %add3A_603 = arith.addi %mul3A_601, %add3A_602 : i32
          %broadcast_in_dim3A_604 = vector.broadcast %add3A_603 : i32 to vector<16xi32>
          %gather3A_605 = tpu.vector_load_idx %arg6[%iota3A, %broadcast_in_dim3A_604] : memref<16x2056xf32, #tpu.memory_space<vmem>>[vector<16xi32>, vector<16xi32>], vector<16xf32>,
          %gather3A_606 = tpu.vector_load_idx %arg8[%broadcast_in_dim3A_604] : memref<2048xf32, #tpu.memory_space<vmem>>[vector<16xi32>], vector<16xf32>,
          %mul3A_607 = arith.mulf %gather3A_605, %gather3A_606 : vector<16xf32>
          %mul3A_608 = arith.constant 16 : i32
          %mul3A_609 = arith.muli %add3A_567, %mul3A_608 : i32
          %add3A_610 = arith.constant 5 : i32
          %add3A_611 = arith.addi %mul3A_609, %add3A_610 : i32
          %broadcast_in_dim3A_612 = vector.broadcast %add3A_611 : i32 to vector<16xi32>
          %gather3A_613 = tpu.vector_load_idx %arg6[%iota3A, %broadcast_in_dim3A_612] : memref<16x2056xf32, #tpu.memory_space<vmem>>[vector<16xi32>, vector<16xi32>], vector<16xf32>,
          %gather3A_614 = tpu.vector_load_idx %arg8[%broadcast_in_dim3A_612] : memref<2048xf32, #tpu.memory_space<vmem>>[vector<16xi32>], vector<16xf32>,
          %mul3A_615 = arith.mulf %gather3A_613, %gather3A_614 : vector<16xf32>
          %mul3A_616 = arith.constant 16 : i32
          %mul3A_617 = arith.muli %add3A_567, %mul3A_616 : i32
          %add3A_618 = arith.constant 6 : i32
          %add3A_619 = arith.addi %mul3A_617, %add3A_618 : i32
          %broadcast_in_dim3A_620 = vector.broadcast %add3A_619 : i32 to vector<16xi32>
          %gather3A_621 = tpu.vector_load_idx %arg6[%iota3A, %broadcast_in_dim3A_620] : memref<16x2056xf32, #tpu.memory_space<vmem>>[vector<16xi32>, vector<16xi32>], vector<16xf32>,
          %gather3A_622 = tpu.vector_load_idx %arg8[%broadcast_in_dim3A_620] : memref<2048xf32, #tpu.memory_space<vmem>>[vector<16xi32>], vector<16xf32>,
          %mul3A_623 = arith.mulf %gather3A_621, %gather3A_622 : vector<16xf32>
          %mul3A_624 = arith.constant 16 : i32
          %mul3A_625 = arith.muli %add3A_567, %mul3A_624 : i32
          %add3A_626 = arith.constant 7 : i32
          %add3A_627 = arith.addi %mul3A_625, %add3A_626 : i32
          %broadcast_in_dim3A_628 = vector.broadcast %add3A_627 : i32 to vector<16xi32>
          %gather3A_629 = tpu.vector_load_idx %arg6[%iota3A, %broadcast_in_dim3A_628] : memref<16x2056xf32, #tpu.memory_space<vmem>>[vector<16xi32>, vector<16xi32>], vector<16xf32>,
          %gather3A_630 = tpu.vector_load_idx %arg8[%broadcast_in_dim3A_628] : memref<2048xf32, #tpu.memory_space<vmem>>[vector<16xi32>], vector<16xf32>,
          %mul3A_631 = arith.mulf %gather3A_629, %gather3A_630 : vector<16xf32>
          %mul3A_632 = arith.constant 16 : i32
          %mul3A_633 = arith.muli %add3A_567, %mul3A_632 : i32
          %add3A_634 = arith.constant 8 : i32
          %add3A_635 = arith.addi %mul3A_633, %add3A_634 : i32
          %broadcast_in_dim3A_636 = vector.broadcast %add3A_635 : i32 to vector<16xi32>
          %gather3A_637 = tpu.vector_load_idx %arg6[%iota3A, %broadcast_in_dim3A_636] : memref<16x2056xf32, #tpu.memory_space<vmem>>[vector<16xi32>, vector<16xi32>], vector<16xf32>,
          %gather3A_638 = tpu.vector_load_idx %arg8[%broadcast_in_dim3A_636] : memref<2048xf32, #tpu.memory_space<vmem>>[vector<16xi32>], vector<16xf32>,
          %mul3A_639 = arith.mulf %gather3A_637, %gather3A_638 : vector<16xf32>
          %mul3A_640 = arith.constant 16 : i32
          %mul3A_641 = arith.muli %add3A_567, %mul3A_640 : i32
          %add3A_642 = arith.constant 9 : i32
          %add3A_643 = arith.addi %mul3A_641, %add3A_642 : i32
          %broadcast_in_dim3A_644 = vector.broadcast %add3A_643 : i32 to vector<16xi32>
          %gather3A_645 = tpu.vector_load_idx %arg6[%iota3A, %broadcast_in_dim3A_644] : memref<16x2056xf32, #tpu.memory_space<vmem>>[vector<16xi32>, vector<16xi32>], vector<16xf32>,
          %gather3A_646 = tpu.vector_load_idx %arg8[%broadcast_in_dim3A_644] : memref<2048xf32, #tpu.memory_space<vmem>>[vector<16xi32>], vector<16xf32>,
          %mul3A_647 = arith.mulf %gather3A_645, %gather3A_646 : vector<16xf32>
          %mul3A_648 = arith.constant 16 : i32
          %mul3A_649 = arith.muli %add3A_567, %mul3A_648 : i32
          %add3A_650 = arith.constant 10 : i32
          %add3A_651 = arith.addi %mul3A_649, %add3A_650 : i32
          %broadcast_in_dim3A_652 = vector.broadcast %add3A_651 : i32 to vector<16xi32>
          %gather3A_653 = tpu.vector_load_idx %arg6[%iota3A, %broadcast_in_dim3A_652] : memref<16x2056xf32, #tpu.memory_space<vmem>>[vector<16xi32>, vector<16xi32>], vector<16xf32>,
          %gather3A_654 = tpu.vector_load_idx %arg8[%broadcast_in_dim3A_652] : memref<2048xf32, #tpu.memory_space<vmem>>[vector<16xi32>], vector<16xf32>,
          %mul3A_655 = arith.mulf %gather3A_653, %gather3A_654 : vector<16xf32>
          %mul3A_656 = arith.constant 16 : i32
          %mul3A_657 = arith.muli %add3A_567, %mul3A_656 : i32
          %add3A_658 = arith.constant 11 : i32
          %add3A_659 = arith.addi %mul3A_657, %add3A_658 : i32
          %broadcast_in_dim3A_660 = vector.broadcast %add3A_659 : i32 to vector<16xi32>
          %gather3A_661 = tpu.vector_load_idx %arg6[%iota3A, %broadcast_in_dim3A_660] : memref<16x2056xf32, #tpu.memory_space<vmem>>[vector<16xi32>, vector<16xi32>], vector<16xf32>,
          %gather3A_662 = tpu.vector_load_idx %arg8[%broadcast_in_dim3A_660] : memref<2048xf32, #tpu.memory_space<vmem>>[vector<16xi32>], vector<16xf32>,
          %mul3A_663 = arith.mulf %gather3A_661, %gather3A_662 : vector<16xf32>
          %mul3A_664 = arith.constant 16 : i32
          %mul3A_665 = arith.muli %add3A_567, %mul3A_664 : i32
          %add3A_666 = arith.constant 12 : i32
          %add3A_667 = arith.addi %mul3A_665, %add3A_666 : i32
          %broadcast_in_dim3A_668 = vector.broadcast %add3A_667 : i32 to vector<16xi32>
          %gather3A_669 = tpu.vector_load_idx %arg6[%iota3A, %broadcast_in_dim3A_668] : memref<16x2056xf32, #tpu.memory_space<vmem>>[vector<16xi32>, vector<16xi32>], vector<16xf32>,
          %gather3A_670 = tpu.vector_load_idx %arg8[%broadcast_in_dim3A_668] : memref<2048xf32, #tpu.memory_space<vmem>>[vector<16xi32>], vector<16xf32>,
          %mul3A_671 = arith.mulf %gather3A_669, %gather3A_670 : vector<16xf32>
          %mul3A_672 = arith.constant 16 : i32
          %mul3A_673 = arith.muli %add3A_567, %mul3A_672 : i32
          %add3A_674 = arith.constant 13 : i32
          %add3A_675 = arith.addi %mul3A_673, %add3A_674 : i32
          %broadcast_in_dim3A_676 = vector.broadcast %add3A_675 : i32 to vector<16xi32>
          %gather3A_677 = tpu.vector_load_idx %arg6[%iota3A, %broadcast_in_dim3A_676] : memref<16x2056xf32, #tpu.memory_space<vmem>>[vector<16xi32>, vector<16xi32>], vector<16xf32>,
          %gather3A_678 = tpu.vector_load_idx %arg8[%broadcast_in_dim3A_676] : memref<2048xf32, #tpu.memory_space<vmem>>[vector<16xi32>], vector<16xf32>,
          %mul3A_679 = arith.mulf %gather3A_677, %gather3A_678 : vector<16xf32>
          %mul3A_680 = arith.constant 16 : i32
          %mul3A_681 = arith.muli %add3A_567, %mul3A_680 : i32
          %add3A_682 = arith.constant 14 : i32
          %add3A_683 = arith.addi %mul3A_681, %add3A_682 : i32
          %broadcast_in_dim3A_684 = vector.broadcast %add3A_683 : i32 to vector<16xi32>
          %gather3A_685 = tpu.vector_load_idx %arg6[%iota3A, %broadcast_in_dim3A_684] : memref<16x2056xf32, #tpu.memory_space<vmem>>[vector<16xi32>, vector<16xi32>], vector<16xf32>,
          %gather3A_686 = tpu.vector_load_idx %arg8[%broadcast_in_dim3A_684] : memref<2048xf32, #tpu.memory_space<vmem>>[vector<16xi32>], vector<16xf32>,
          %mul3A_687 = arith.mulf %gather3A_685, %gather3A_686 : vector<16xf32>
          %mul3A_688 = arith.constant 16 : i32
          %mul3A_689 = arith.muli %add3A_567, %mul3A_688 : i32
          %add3A_690 = arith.constant 15 : i32
          %add3A_691 = arith.addi %mul3A_689, %add3A_690 : i32
          %broadcast_in_dim3A_692 = vector.broadcast %add3A_691 : i32 to vector<16xi32>
          %gather3A_693 = tpu.vector_load_idx %arg6[%iota3A, %broadcast_in_dim3A_692] : memref<16x2056xf32, #tpu.memory_space<vmem>>[vector<16xi32>, vector<16xi32>], vector<16xf32>,
          %gather3A_694 = tpu.vector_load_idx %arg8[%broadcast_in_dim3A_692] : memref<2048xf32, #tpu.memory_space<vmem>>[vector<16xi32>], vector<16xf32>,
          %mul3A_695 = arith.mulf %gather3A_693, %gather3A_694 : vector<16xf32>
          %add3A_696 = arith.addf %mul3A_575, %mul3A_607 : vector<16xf32>
          %add3A_697 = arith.addf %mul3A_639, %mul3A_671 : vector<16xf32>
          %add3A_698 = arith.addf %add3A_696, %add3A_697 : vector<16xf32>
          %add3A_699 = arith.addf %mul3A_583, %mul3A_615 : vector<16xf32>
          %add3A_700 = arith.addf %mul3A_647, %mul3A_679 : vector<16xf32>
          %add3A_701 = arith.addf %add3A_699, %add3A_700 : vector<16xf32>
          %add3A_702 = arith.addf %mul3A_591, %mul3A_623 : vector<16xf32>
          %add3A_703 = arith.addf %mul3A_655, %mul3A_687 : vector<16xf32>
          %add3A_704 = arith.addf %add3A_702, %add3A_703 : vector<16xf32>
          %add3A_705 = arith.addf %mul3A_599, %mul3A_631 : vector<16xf32>
          %add3A_706 = arith.addf %mul3A_663, %mul3A_695 : vector<16xf32>
          %add3A_707 = arith.addf %add3A_705, %add3A_706 : vector<16xf32>
          %broadcast_in_dim3A_708 = vector.broadcast %add3A_567 : i32 to vector<16xi32>
          %add3A_709 = arith.addi %mul3A_3, %broadcast_in_dim3A_708 : vector<16xi32>
          %add3A_710 = arith.addf %add3A_698, %add3A_701 : vector<16xf32>
          %add3A_711 = arith.addf %add3A_704, %add3A_707 : vector<16xf32>
          %add3A_712 = arith.addf %add3A_710, %add3A_711 : vector<16xf32>
          tpu.vector_store_idx %arg7[%add3A_709], %add3A_712 : memref<2048xf32, #tpu.memory_space<vmem>>[vector<16xi32>], vector<16xf32>,
        }
        %scan3A_107 = arith.constant 32 : i32
        %mul3A_108 = arith.constant 16 : i32
        %mul3A_109 = arith.muli %add3A_86, %mul3A_108 : i32
        %mul3A_110 = arith.constant 128 : i32
        %mul3A_111 = arith.muli %mul3A_109, %mul3A_110 : i32
        "tpu.region"() ({
          %run_scoped3A = tpu.sem_alloc : memref<!tpu.dma_semaphore, #tpu.memory_space<semaphore_mem>>
          %dma_start3A = tpu.memref_slice %arg4[%mul3A_111] : memref<65536xf32, #tpu.memory_space<hbm>> -> memref<2048xf32, #tpu.memory_space<hbm>>
          %dma_start3A_118 = tpu.memref_slice %arg4[%mul3A_111] : memref<65536xf32, #tpu.memory_space<hbm>> -> memref<2048xf32, #tpu.memory_space<hbm>>
          tpu.enqueue_dma source(%arg7 : memref<2048xf32, #tpu.memory_space<vmem>>) target(%dma_start3A_118 : memref<2048xf32, #tpu.memory_space<hbm>>) target_semaphore(%run_scoped3A : memref<!tpu.dma_semaphore, #tpu.memory_space<semaphore_mem>>)
          %dma_wait3A_119 = tpu.memref_slice %arg4[%mul3A_111] : memref<65536xf32, #tpu.memory_space<hbm>> -> memref<2048xf32, #tpu.memory_space<hbm>>
          %dma_wait3A_120 = tpu.memref_slice %arg4[%mul3A_111] : memref<65536xf32, #tpu.memory_space<hbm>> -> memref<2048xf32, #tpu.memory_space<hbm>>
          tpu.wait_dma2 semaphore(%run_scoped3A : memref<!tpu.dma_semaphore, #tpu.memory_space<semaphore_mem>>) src(%arg7 : memref<2048xf32, #tpu.memory_space<vmem>>) dst(%dma_wait3A_120 : memref<2048xf32, #tpu.memory_space<hbm>>)
          tpu.yield
        }) : () -> ()
        %add3A_112 = arith.constant 2 : i32
        %add3A_113 = arith.addi %add3A_79, %add3A_112 : i32
        %lt3A_114 = arith.cmpi slt, %add3A_113, %select_n3A : i32
        %convert_element_type3A_115 = arith.extui %lt3A_114 : i1 to i32
        %cond3A_116 = arith.constant 0 : i32
        %cond3A_117 = arith.cmpi ne, %convert_element_type3A_115, %cond3A_116 : i32
        scf.if %cond3A_117 {
          %add3A_118 = arith.constant 2 : i32
          %add3A_119 = arith.addi %add3A_79, %add3A_118 : i32
          %mul3A_120 = arith.constant 32 : i32
          %mul3A_121 = arith.muli %add3A_119, %mul3A_120 : i32
          %add3A_122 = arith.addi %add3A, %mul3A_121 : i32
          %mul3A_123 = arith.constant 16 : i32
          %mul3A_124 = arith.muli %add3A_122, %mul3A_123 : i32
          %add3A_125 = arith.constant 23488 : i32
          %add3A_126 = arith.addi %add3A_125, %mul3A_124 : i32
          %dma_start3A = arith.constant 0 : i32
          %dma_start3A_127 = arith.constant 0 : i32
          %dma_start3A_128 = tpu.memref_slice %arg6[%dma_start3A, %dma_start3A_127] : memref<16x2056xf32, #tpu.memory_space<vmem>> -> memref<16x2048xf32, #tpu.memory_space<vmem>>
          %dma_start3A_129 = arith.constant 0 : i32
          %dma_start3A_130 = tpu.memref_slice %arg2[%add3A_126, %dma_start3A_129] : memref<24000x2048xf32, #tpu.memory_space<hbm>> -> memref<16x2048xf32, #tpu.memory_space<hbm>>
          %dma_start3A_131 = arith.constant 0 : i32
          %dma_start3A_132 = arith.constant 0 : i32
          %dma_start3A_133 = tpu.memref_slice %arg6[%dma_start3A_131, %dma_start3A_132] : memref<16x2056xf32, #tpu.memory_space<vmem>> -> memref<16x2048xf32, #tpu.memory_space<vmem>>
          %dma_start3A_134 = arith.constant 0 : i32
          %dma_start3A_135 = tpu.memref_slice %arg2[%add3A_126, %dma_start3A_134] : memref<24000x2048xf32, #tpu.memory_space<hbm>> -> memref<16x2048xf32, #tpu.memory_space<hbm>>
          tpu.enqueue_dma source(%dma_start3A_135 : memref<16x2048xf32, #tpu.memory_space<hbm>>) target(%dma_start3A_133 : memref<16x2048xf32, #tpu.memory_space<vmem>>) target_semaphore(%arg10 : memref<!tpu.dma_semaphore, #tpu.memory_space<semaphore_mem>>)
        } else {
        }
      } else {
      }
    }
    %while3A_67 = arith.constant 1 : i32
    scf.for %while3A_68 = %while3A_65 to %while3A_61 step %while3A_67  : i32 {
      %mul3A_69 = arith.constant 2 : i32
      %mul3A_70 = arith.muli %while3A_68, %mul3A_69 : i32
      %add3A_71 = arith.constant 0 : i32
      %add3A_72 = arith.addi %mul3A_70, %add3A_71 : i32
      %lt3A = arith.cmpi slt, %add3A_72, %select_n3A : i32
      %convert_element_type3A_73 = arith.extui %lt3A : i1 to i32
      %cond3A_74 = arith.constant 0 : i32
      %cond3A_75 = arith.cmpi ne, %convert_element_type3A_73, %cond3A_74 : i32
      scf.if %cond3A_75 {
        %mul3A_84 = arith.constant 32 : i32
        %mul3A_85 = arith.muli %add3A_72, %mul3A_84 : i32
        %add3A_86 = arith.addi %add3A, %mul3A_85 : i32
        %mul3A_87 = arith.constant 32 : i32
        %mul3A_88 = arith.muli %add3A_72, %mul3A_87 : i32
        %add3A_89 = arith.addi %add3A, %mul3A_88 : i32
        %mul3A_90 = arith.constant 16 : i32
        %mul3A_91 = arith.muli %add3A_89, %mul3A_90 : i32
        %add3A_92 = arith.constant 23488 : i32
        %add3A_93 = arith.addi %add3A_92, %mul3A_91 : i32
        %dma_wait3A = arith.constant 0 : i32
        %dma_wait3A_94 = arith.constant 0 : i32
        %dma_wait3A_95 = tpu.memref_slice %arg5[%dma_wait3A, %dma_wait3A_94] : memref<16x2056xf32, #tpu.memory_space<vmem>> -> memref<16x2048xf32, #tpu.memory_space<vmem>>
        %dma_wait3A_96 = arith.constant 0 : i32
        %dma_wait3A_97 = tpu.memref_slice %arg2[%add3A_93, %dma_wait3A_96] : memref<24000x2048xf32, #tpu.memory_space<hbm>> -> memref<16x2048xf32, #tpu.memory_space<hbm>>
        %dma_wait3A_98 = arith.constant 0 : i32
        %dma_wait3A_99 = arith.constant 0 : i32
        %dma_wait3A_100 = tpu.memref_slice %arg5[%dma_wait3A_98, %dma_wait3A_99] : memref<16x2056xf32, #tpu.memory_space<vmem>> -> memref<16x2048xf32, #tpu.memory_space<vmem>>
        %dma_wait3A_101 = arith.constant 0 : i32
        %dma_wait3A_102 = tpu.memref_slice %arg2[%add3A_93, %dma_wait3A_101] : memref<24000x2048xf32, #tpu.memory_space<hbm>> -> memref<16x2048xf32, #tpu.memory_space<hbm>>
        tpu.wait_dma2 semaphore(%arg9 : memref<!tpu.dma_semaphore, #tpu.memory_space<semaphore_mem>>) src(%dma_wait3A_102 : memref<16x2048xf32, #tpu.memory_space<hbm>>) dst(%dma_wait3A_100 : memref<16x2048xf32, #tpu.memory_space<vmem>>)
        %scan3A = arith.constant 0 : i32
        %scan3A_103 = arith.constant 0 : i32
        %scan3A_104 = arith.constant 32 : i32
        %scan3A_105 = arith.addi %scan3A_103, %scan3A_104 : i32
        %scan3A_106 = arith.constant 1 : i32
        scf.for %scan3A_118 = %scan3A_103 to %scan3A_105 step %scan3A_106  : i32 {
          %mul3A_119 = arith.constant 4 : i32
          %mul3A_120 = arith.muli %scan3A_118, %mul3A_119 : i32
          %add3A_121 = arith.constant 0 : i32
          %add3A_122 = arith.addi %mul3A_120, %add3A_121 : i32
          %mul3A_123 = arith.constant 16 : i32
          %mul3A_124 = arith.muli %add3A_122, %mul3A_123 : i32
          %add3A_125 = arith.constant 0 : i32
          %add3A_126 = arith.addi %mul3A_124, %add3A_125 : i32
          %broadcast_in_dim3A = vector.broadcast %add3A_126 : i32 to vector<16xi32>
          %gather3A = tpu.vector_load_idx %arg5[%iota3A, %broadcast_in_dim3A] : memref<16x2056xf32, #tpu.memory_space<vmem>>[vector<16xi32>, vector<16xi32>], vector<16xf32>,
          %gather3A_127 = tpu.vector_load_idx %arg8[%broadcast_in_dim3A] : memref<2048xf32, #tpu.memory_space<vmem>>[vector<16xi32>], vector<16xf32>,
          %mul3A_128 = arith.mulf %gather3A, %gather3A_127 : vector<16xf32>
          %mul3A_129 = arith.constant 16 : i32
          %mul3A_130 = arith.muli %add3A_122, %mul3A_129 : i32
          %add3A_131 = arith.constant 1 : i32
          %add3A_132 = arith.addi %mul3A_130, %add3A_131 : i32
          %broadcast_in_dim3A_133 = vector.broadcast %add3A_132 : i32 to vector<16xi32>
          %gather3A_134 = tpu.vector_load_idx %arg5[%iota3A, %broadcast_in_dim3A_133] : memref<16x2056xf32, #tpu.memory_space<vmem>>[vector<16xi32>, vector<16xi32>], vector<16xf32>,
          %gather3A_135 = tpu.vector_load_idx %arg8[%broadcast_in_dim3A_133] : memref<2048xf32, #tpu.memory_space<vmem>>[vector<16xi32>], vector<16xf32>,
          %mul3A_136 = arith.mulf %gather3A_134, %gather3A_135 : vector<16xf32>
          %mul3A_137 = arith.constant 16 : i32
          %mul3A_138 = arith.muli %add3A_122, %mul3A_137 : i32
          %add3A_139 = arith.constant 2 : i32
          %add3A_140 = arith.addi %mul3A_138, %add3A_139 : i32
          %broadcast_in_dim3A_141 = vector.broadcast %add3A_140 : i32 to vector<16xi32>
          %gather3A_142 = tpu.vector_load_idx %arg5[%iota3A, %broadcast_in_dim3A_141] : memref<16x2056xf32, #tpu.memory_space<vmem>>[vector<16xi32>, vector<16xi32>], vector<16xf32>,
          %gather3A_143 = tpu.vector_load_idx %arg8[%broadcast_in_dim3A_141] : memref<2048xf32, #tpu.memory_space<vmem>>[vector<16xi32>], vector<16xf32>,
          %mul3A_144 = arith.mulf %gather3A_142, %gather3A_143 : vector<16xf32>
          %mul3A_145 = arith.constant 16 : i32
          %mul3A_146 = arith.muli %add3A_122, %mul3A_145 : i32
          %add3A_147 = arith.constant 3 : i32
          %add3A_148 = arith.addi %mul3A_146, %add3A_147 : i32
          %broadcast_in_dim3A_149 = vector.broadcast %add3A_148 : i32 to vector<16xi32>
          %gather3A_150 = tpu.vector_load_idx %arg5[%iota3A, %broadcast_in_dim3A_149] : memref<16x2056xf32, #tpu.memory_space<vmem>>[vector<16xi32>, vector<16xi32>], vector<16xf32>,
          %gather3A_151 = tpu.vector_load_idx %arg8[%broadcast_in_dim3A_149] : memref<2048xf32, #tpu.memory_space<vmem>>[vector<16xi32>], vector<16xf32>,
          %mul3A_152 = arith.mulf %gather3A_150, %gather3A_151 : vector<16xf32>
          %mul3A_153 = arith.constant 16 : i32
          %mul3A_154 = arith.muli %add3A_122, %mul3A_153 : i32
          %add3A_155 = arith.constant 4 : i32
          %add3A_156 = arith.addi %mul3A_154, %add3A_155 : i32
          %broadcast_in_dim3A_157 = vector.broadcast %add3A_156 : i32 to vector<16xi32>
          %gather3A_158 = tpu.vector_load_idx %arg5[%iota3A, %broadcast_in_dim3A_157] : memref<16x2056xf32, #tpu.memory_space<vmem>>[vector<16xi32>, vector<16xi32>], vector<16xf32>,
          %gather3A_159 = tpu.vector_load_idx %arg8[%broadcast_in_dim3A_157] : memref<2048xf32, #tpu.memory_space<vmem>>[vector<16xi32>], vector<16xf32>,
          %mul3A_160 = arith.mulf %gather3A_158, %gather3A_159 : vector<16xf32>
          %mul3A_161 = arith.constant 16 : i32
          %mul3A_162 = arith.muli %add3A_122, %mul3A_161 : i32
          %add3A_163 = arith.constant 5 : i32
          %add3A_164 = arith.addi %mul3A_162, %add3A_163 : i32
          %broadcast_in_dim3A_165 = vector.broadcast %add3A_164 : i32 to vector<16xi32>
          %gather3A_166 = tpu.vector_load_idx %arg5[%iota3A, %broadcast_in_dim3A_165] : memref<16x2056xf32, #tpu.memory_space<vmem>>[vector<16xi32>, vector<16xi32>], vector<16xf32>,
          %gather3A_167 = tpu.vector_load_idx %arg8[%broadcast_in_dim3A_165] : memref<2048xf32, #tpu.memory_space<vmem>>[vector<16xi32>], vector<16xf32>,
          %mul3A_168 = arith.mulf %gather3A_166, %gather3A_167 : vector<16xf32>
          %mul3A_169 = arith.constant 16 : i32
          %mul3A_170 = arith.muli %add3A_122, %mul3A_169 : i32
          %add3A_171 = arith.constant 6 : i32
          %add3A_172 = arith.addi %mul3A_170, %add3A_171 : i32
          %broadcast_in_dim3A_173 = vector.broadcast %add3A_172 : i32 to vector<16xi32>
          %gather3A_174 = tpu.vector_load_idx %arg5[%iota3A, %broadcast_in_dim3A_173] : memref<16x2056xf32, #tpu.memory_space<vmem>>[vector<16xi32>, vector<16xi32>], vector<16xf32>,
          %gather3A_175 = tpu.vector_load_idx %arg8[%broadcast_in_dim3A_173] : memref<2048xf32, #tpu.memory_space<vmem>>[vector<16xi32>], vector<16xf32>,
          %mul3A_176 = arith.mulf %gather3A_174, %gather3A_175 : vector<16xf32>
          %mul3A_177 = arith.constant 16 : i32
          %mul3A_178 = arith.muli %add3A_122, %mul3A_177 : i32
          %add3A_179 = arith.constant 7 : i32
          %add3A_180 = arith.addi %mul3A_178, %add3A_179 : i32
          %broadcast_in_dim3A_181 = vector.broadcast %add3A_180 : i32 to vector<16xi32>
          %gather3A_182 = tpu.vector_load_idx %arg5[%iota3A, %broadcast_in_dim3A_181] : memref<16x2056xf32, #tpu.memory_space<vmem>>[vector<16xi32>, vector<16xi32>], vector<16xf32>,
          %gather3A_183 = tpu.vector_load_idx %arg8[%broadcast_in_dim3A_181] : memref<2048xf32, #tpu.memory_space<vmem>>[vector<16xi32>], vector<16xf32>,
          %mul3A_184 = arith.mulf %gather3A_182, %gather3A_183 : vector<16xf32>
          %mul3A_185 = arith.constant 16 : i32
          %mul3A_186 = arith.muli %add3A_122, %mul3A_185 : i32
          %add3A_187 = arith.constant 8 : i32
          %add3A_188 = arith.addi %mul3A_186, %add3A_187 : i32
          %broadcast_in_dim3A_189 = vector.broadcast %add3A_188 : i32 to vector<16xi32>
          %gather3A_190 = tpu.vector_load_idx %arg5[%iota3A, %broadcast_in_dim3A_189] : memref<16x2056xf32, #tpu.memory_space<vmem>>[vector<16xi32>, vector<16xi32>], vector<16xf32>,
          %gather3A_191 = tpu.vector_load_idx %arg8[%broadcast_in_dim3A_189] : memref<2048xf32, #tpu.memory_space<vmem>>[vector<16xi32>], vector<16xf32>,
          %mul3A_192 = arith.mulf %gather3A_190, %gather3A_191 : vector<16xf32>
          %mul3A_193 = arith.constant 16 : i32
          %mul3A_194 = arith.muli %add3A_122, %mul3A_193 : i32
          %add3A_195 = arith.constant 9 : i32
          %add3A_196 = arith.addi %mul3A_194, %add3A_195 : i32
          %broadcast_in_dim3A_197 = vector.broadcast %add3A_196 : i32 to vector<16xi32>
          %gather3A_198 = tpu.vector_load_idx %arg5[%iota3A, %broadcast_in_dim3A_197] : memref<16x2056xf32, #tpu.memory_space<vmem>>[vector<16xi32>, vector<16xi32>], vector<16xf32>,
          %gather3A_199 = tpu.vector_load_idx %arg8[%broadcast_in_dim3A_197] : memref<2048xf32, #tpu.memory_space<vmem>>[vector<16xi32>], vector<16xf32>,
          %mul3A_200 = arith.mulf %gather3A_198, %gather3A_199 : vector<16xf32>
          %mul3A_201 = arith.constant 16 : i32
          %mul3A_202 = arith.muli %add3A_122, %mul3A_201 : i32
          %add3A_203 = arith.constant 10 : i32
          %add3A_204 = arith.addi %mul3A_202, %add3A_203 : i32
          %broadcast_in_dim3A_205 = vector.broadcast %add3A_204 : i32 to vector<16xi32>
          %gather3A_206 = tpu.vector_load_idx %arg5[%iota3A, %broadcast_in_dim3A_205] : memref<16x2056xf32, #tpu.memory_space<vmem>>[vector<16xi32>, vector<16xi32>], vector<16xf32>,
          %gather3A_207 = tpu.vector_load_idx %arg8[%broadcast_in_dim3A_205] : memref<2048xf32, #tpu.memory_space<vmem>>[vector<16xi32>], vector<16xf32>,
          %mul3A_208 = arith.mulf %gather3A_206, %gather3A_207 : vector<16xf32>
          %mul3A_209 = arith.constant 16 : i32
          %mul3A_210 = arith.muli %add3A_122, %mul3A_209 : i32
          %add3A_211 = arith.constant 11 : i32
          %add3A_212 = arith.addi %mul3A_210, %add3A_211 : i32
          %broadcast_in_dim3A_213 = vector.broadcast %add3A_212 : i32 to vector<16xi32>
          %gather3A_214 = tpu.vector_load_idx %arg5[%iota3A, %broadcast_in_dim3A_213] : memref<16x2056xf32, #tpu.memory_space<vmem>>[vector<16xi32>, vector<16xi32>], vector<16xf32>,
          %gather3A_215 = tpu.vector_load_idx %arg8[%broadcast_in_dim3A_213] : memref<2048xf32, #tpu.memory_space<vmem>>[vector<16xi32>], vector<16xf32>,
          %mul3A_216 = arith.mulf %gather3A_214, %gather3A_215 : vector<16xf32>
          %mul3A_217 = arith.constant 16 : i32
          %mul3A_218 = arith.muli %add3A_122, %mul3A_217 : i32
          %add3A_219 = arith.constant 12 : i32
          %add3A_220 = arith.addi %mul3A_218, %add3A_219 : i32
          %broadcast_in_dim3A_221 = vector.broadcast %add3A_220 : i32 to vector<16xi32>
          %gather3A_222 = tpu.vector_load_idx %arg5[%iota3A, %broadcast_in_dim3A_221] : memref<16x2056xf32, #tpu.memory_space<vmem>>[vector<16xi32>, vector<16xi32>], vector<16xf32>,
          %gather3A_223 = tpu.vector_load_idx %arg8[%broadcast_in_dim3A_221] : memref<2048xf32, #tpu.memory_space<vmem>>[vector<16xi32>], vector<16xf32>,
          %mul3A_224 = arith.mulf %gather3A_222, %gather3A_223 : vector<16xf32>
          %mul3A_225 = arith.constant 16 : i32
          %mul3A_226 = arith.muli %add3A_122, %mul3A_225 : i32
          %add3A_227 = arith.constant 13 : i32
          %add3A_228 = arith.addi %mul3A_226, %add3A_227 : i32
          %broadcast_in_dim3A_229 = vector.broadcast %add3A_228 : i32 to vector<16xi32>
          %gather3A_230 = tpu.vector_load_idx %arg5[%iota3A, %broadcast_in_dim3A_229] : memref<16x2056xf32, #tpu.memory_space<vmem>>[vector<16xi32>, vector<16xi32>], vector<16xf32>,
          %gather3A_231 = tpu.vector_load_idx %arg8[%broadcast_in_dim3A_229] : memref<2048xf32, #tpu.memory_space<vmem>>[vector<16xi32>], vector<16xf32>,
          %mul3A_232 = arith.mulf %gather3A_230, %gather3A_231 : vector<16xf32>
          %mul3A_233 = arith.constant 16 : i32
          %mul3A_234 = arith.muli %add3A_122, %mul3A_233 : i32
          %add3A_235 = arith.constant 14 : i32
          %add3A_236 = arith.addi %mul3A_234, %add3A_235 : i32
          %broadcast_in_dim3A_237 = vector.broadcast %add3A_236 : i32 to vector<16xi32>
          %gather3A_238 = tpu.vector_load_idx %arg5[%iota3A, %broadcast_in_dim3A_237] : memref<16x2056xf32, #tpu.memory_space<vmem>>[vector<16xi32>, vector<16xi32>], vector<16xf32>,
          %gather3A_239 = tpu.vector_load_idx %arg8[%broadcast_in_dim3A_237] : memref<2048xf32, #tpu.memory_space<vmem>>[vector<16xi32>], vector<16xf32>,
          %mul3A_240 = arith.mulf %gather3A_238, %gather3A_239 : vector<16xf32>
          %mul3A_241 = arith.constant 16 : i32
          %mul3A_242 = arith.muli %add3A_122, %mul3A_241 : i32
          %add3A_243 = arith.constant 15 : i32
          %add3A_244 = arith.addi %mul3A_242, %add3A_243 : i32
          %broadcast_in_dim3A_245 = vector.broadcast %add3A_244 : i32 to vector<16xi32>
          %gather3A_246 = tpu.vector_load_idx %arg5[%iota3A, %broadcast_in_dim3A_245] : memref<16x2056xf32, #tpu.memory_space<vmem>>[vector<16xi32>, vector<16xi32>], vector<16xf32>,
          %gather3A_247 = tpu.vector_load_idx %arg8[%broadcast_in_dim3A_245] : memref<2048xf32, #tpu.memory_space<vmem>>[vector<16xi32>], vector<16xf32>,
          %mul3A_248 = arith.mulf %gather3A_246, %gather3A_247 : vector<16xf32>
          %add3A_249 = arith.addf %mul3A_128, %mul3A_160 : vector<16xf32>
          %add3A_250 = arith.addf %mul3A_192, %mul3A_224 : vector<16xf32>
          %add3A_251 = arith.addf %add3A_249, %add3A_250 : vector<16xf32>
          %add3A_252 = arith.addf %mul3A_136, %mul3A_168 : vector<16xf32>
          %add3A_253 = arith.addf %mul3A_200, %mul3A_232 : vector<16xf32>
          %add3A_254 = arith.addf %add3A_252, %add3A_253 : vector<16xf32>
          %add3A_255 = arith.addf %mul3A_144, %mul3A_176 : vector<16xf32>
          %add3A_256 = arith.addf %mul3A_208, %mul3A_240 : vector<16xf32>
          %add3A_257 = arith.addf %add3A_255, %add3A_256 : vector<16xf32>
          %add3A_258 = arith.addf %mul3A_152, %mul3A_184 : vector<16xf32>
          %add3A_259 = arith.addf %mul3A_216, %mul3A_248 : vector<16xf32>
          %add3A_260 = arith.addf %add3A_258, %add3A_259 : vector<16xf32>
          %broadcast_in_dim3A_261 = vector.broadcast %add3A_122 : i32 to vector<16xi32>
          %add3A_262 = arith.addi %mul3A_3, %broadcast_in_dim3A_261 : vector<16xi32>
          %add3A_263 = arith.addf %add3A_251, %add3A_254 : vector<16xf32>
          %add3A_264 = arith.addf %add3A_257, %add3A_260 : vector<16xf32>
          %add3A_265 = arith.addf %add3A_263, %add3A_264 : vector<16xf32>
          tpu.vector_store_idx %arg7[%add3A_262], %add3A_265 : memref<2048xf32, #tpu.memory_space<vmem>>[vector<16xi32>], vector<16xf32>,
          %mul3A_266 = arith.constant 4 : i32
          %mul3A_267 = arith.muli %scan3A_118, %mul3A_266 : i32
          %add3A_268 = arith.constant 1 : i32
          %add3A_269 = arith.addi %mul3A_267, %add3A_268 : i32
          %mul3A_270 = arith.constant 16 : i32
          %mul3A_271 = arith.muli %add3A_269, %mul3A_270 : i32
          %add3A_272 = arith.constant 0 : i32
          %add3A_273 = arith.addi %mul3A_271, %add3A_272 : i32
          %broadcast_in_dim3A_274 = vector.broadcast %add3A_273 : i32 to vector<16xi32>
          %gather3A_275 = tpu.vector_load_idx %arg5[%iota3A, %broadcast_in_dim3A_274] : memref<16x2056xf32, #tpu.memory_space<vmem>>[vector<16xi32>, vector<16xi32>], vector<16xf32>,
          %gather3A_276 = tpu.vector_load_idx %arg8[%broadcast_in_dim3A_274] : memref<2048xf32, #tpu.memory_space<vmem>>[vector<16xi32>], vector<16xf32>,
          %mul3A_277 = arith.mulf %gather3A_275, %gather3A_276 : vector<16xf32>
          %mul3A_278 = arith.constant 16 : i32
          %mul3A_279 = arith.muli %add3A_269, %mul3A_278 : i32
          %add3A_280 = arith.constant 1 : i32
          %add3A_281 = arith.addi %mul3A_279, %add3A_280 : i32
          %broadcast_in_dim3A_282 = vector.broadcast %add3A_281 : i32 to vector<16xi32>
          %gather3A_283 = tpu.vector_load_idx %arg5[%iota3A, %broadcast_in_dim3A_282] : memref<16x2056xf32, #tpu.memory_space<vmem>>[vector<16xi32>, vector<16xi32>], vector<16xf32>,
          %gather3A_284 = tpu.vector_load_idx %arg8[%broadcast_in_dim3A_282] : memref<2048xf32, #tpu.memory_space<vmem>>[vector<16xi32>], vector<16xf32>,
          %mul3A_285 = arith.mulf %gather3A_283, %gather3A_284 : vector<16xf32>
          %mul3A_286 = arith.constant 16 : i32
          %mul3A_287 = arith.muli %add3A_269, %mul3A_286 : i32
          %add3A_288 = arith.constant 2 : i32
          %add3A_289 = arith.addi %mul3A_287, %add3A_288 : i32
          %broadcast_in_dim3A_290 = vector.broadcast %add3A_289 : i32 to vector<16xi32>
          %gather3A_291 = tpu.vector_load_idx %arg5[%iota3A, %broadcast_in_dim3A_290] : memref<16x2056xf32, #tpu.memory_space<vmem>>[vector<16xi32>, vector<16xi32>], vector<16xf32>,
          %gather3A_292 = tpu.vector_load_idx %arg8[%broadcast_in_dim3A_290] : memref<2048xf32, #tpu.memory_space<vmem>>[vector<16xi32>], vector<16xf32>,
          %mul3A_293 = arith.mulf %gather3A_291, %gather3A_292 : vector<16xf32>
          %mul3A_294 = arith.constant 16 : i32
          %mul3A_295 = arith.muli %add3A_269, %mul3A_294 : i32
          %add3A_296 = arith.constant 3 : i32
          %add3A_297 = arith.addi %mul3A_295, %add3A_296 : i32
          %broadcast_in_dim3A_298 = vector.broadcast %add3A_297 : i32 to vector<16xi32>
          %gather3A_299 = tpu.vector_load_idx %arg5[%iota3A, %broadcast_in_dim3A_298] : memref<16x2056xf32, #tpu.memory_space<vmem>>[vector<16xi32>, vector<16xi32>], vector<16xf32>,
          %gather3A_300 = tpu.vector_load_idx %arg8[%broadcast_in_dim3A_298] : memref<2048xf32, #tpu.memory_space<vmem>>[vector<16xi32>], vector<16xf32>,
          %mul3A_301 = arith.mulf %gather3A_299, %gather3A_300 : vector<16xf32>
          %mul3A_302 = arith.constant 16 : i32
          %mul3A_303 = arith.muli %add3A_269, %mul3A_302 : i32
          %add3A_304 = arith.constant 4 : i32
          %add3A_305 = arith.addi %mul3A_303, %add3A_304 : i32
          %broadcast_in_dim3A_306 = vector.broadcast %add3A_305 : i32 to vector<16xi32>
          %gather3A_307 = tpu.vector_load_idx %arg5[%iota3A, %broadcast_in_dim3A_306] : memref<16x2056xf32, #tpu.memory_space<vmem>>[vector<16xi32>, vector<16xi32>], vector<16xf32>,
          %gather3A_308 = tpu.vector_load_idx %arg8[%broadcast_in_dim3A_306] : memref<2048xf32, #tpu.memory_space<vmem>>[vector<16xi32>], vector<16xf32>,
          %mul3A_309 = arith.mulf %gather3A_307, %gather3A_308 : vector<16xf32>
          %mul3A_310 = arith.constant 16 : i32
          %mul3A_311 = arith.muli %add3A_269, %mul3A_310 : i32
          %add3A_312 = arith.constant 5 : i32
          %add3A_313 = arith.addi %mul3A_311, %add3A_312 : i32
          %broadcast_in_dim3A_314 = vector.broadcast %add3A_313 : i32 to vector<16xi32>
          %gather3A_315 = tpu.vector_load_idx %arg5[%iota3A, %broadcast_in_dim3A_314] : memref<16x2056xf32, #tpu.memory_space<vmem>>[vector<16xi32>, vector<16xi32>], vector<16xf32>,
          %gather3A_316 = tpu.vector_load_idx %arg8[%broadcast_in_dim3A_314] : memref<2048xf32, #tpu.memory_space<vmem>>[vector<16xi32>], vector<16xf32>,
          %mul3A_317 = arith.mulf %gather3A_315, %gather3A_316 : vector<16xf32>
          %mul3A_318 = arith.constant 16 : i32
          %mul3A_319 = arith.muli %add3A_269, %mul3A_318 : i32
          %add3A_320 = arith.constant 6 : i32
          %add3A_321 = arith.addi %mul3A_319, %add3A_320 : i32
          %broadcast_in_dim3A_322 = vector.broadcast %add3A_321 : i32 to vector<16xi32>
          %gather3A_323 = tpu.vector_load_idx %arg5[%iota3A, %broadcast_in_dim3A_322] : memref<16x2056xf32, #tpu.memory_space<vmem>>[vector<16xi32>, vector<16xi32>], vector<16xf32>,
          %gather3A_324 = tpu.vector_load_idx %arg8[%broadcast_in_dim3A_322] : memref<2048xf32, #tpu.memory_space<vmem>>[vector<16xi32>], vector<16xf32>,
          %mul3A_325 = arith.mulf %gather3A_323, %gather3A_324 : vector<16xf32>
          %mul3A_326 = arith.constant 16 : i32
          %mul3A_327 = arith.muli %add3A_269, %mul3A_326 : i32
          %add3A_328 = arith.constant 7 : i32
          %add3A_329 = arith.addi %mul3A_327, %add3A_328 : i32
          %broadcast_in_dim3A_330 = vector.broadcast %add3A_329 : i32 to vector<16xi32>
          %gather3A_331 = tpu.vector_load_idx %arg5[%iota3A, %broadcast_in_dim3A_330] : memref<16x2056xf32, #tpu.memory_space<vmem>>[vector<16xi32>, vector<16xi32>], vector<16xf32>,
          %gather3A_332 = tpu.vector_load_idx %arg8[%broadcast_in_dim3A_330] : memref<2048xf32, #tpu.memory_space<vmem>>[vector<16xi32>], vector<16xf32>,
          %mul3A_333 = arith.mulf %gather3A_331, %gather3A_332 : vector<16xf32>
          %mul3A_334 = arith.constant 16 : i32
          %mul3A_335 = arith.muli %add3A_269, %mul3A_334 : i32
          %add3A_336 = arith.constant 8 : i32
          %add3A_337 = arith.addi %mul3A_335, %add3A_336 : i32
          %broadcast_in_dim3A_338 = vector.broadcast %add3A_337 : i32 to vector<16xi32>
          %gather3A_339 = tpu.vector_load_idx %arg5[%iota3A, %broadcast_in_dim3A_338] : memref<16x2056xf32, #tpu.memory_space<vmem>>[vector<16xi32>, vector<16xi32>], vector<16xf32>,
          %gather3A_340 = tpu.vector_load_idx %arg8[%broadcast_in_dim3A_338] : memref<2048xf32, #tpu.memory_space<vmem>>[vector<16xi32>], vector<16xf32>,
          %mul3A_341 = arith.mulf %gather3A_339, %gather3A_340 : vector<16xf32>
          %mul3A_342 = arith.constant 16 : i32
          %mul3A_343 = arith.muli %add3A_269, %mul3A_342 : i32
          %add3A_344 = arith.constant 9 : i32
          %add3A_345 = arith.addi %mul3A_343, %add3A_344 : i32
          %broadcast_in_dim3A_346 = vector.broadcast %add3A_345 : i32 to vector<16xi32>
          %gather3A_347 = tpu.vector_load_idx %arg5[%iota3A, %broadcast_in_dim3A_346] : memref<16x2056xf32, #tpu.memory_space<vmem>>[vector<16xi32>, vector<16xi32>], vector<16xf32>,
          %gather3A_348 = tpu.vector_load_idx %arg8[%broadcast_in_dim3A_346] : memref<2048xf32, #tpu.memory_space<vmem>>[vector<16xi32>], vector<16xf32>,
          %mul3A_349 = arith.mulf %gather3A_347, %gather3A_348 : vector<16xf32>
          %mul3A_350 = arith.constant 16 : i32
          %mul3A_351 = arith.muli %add3A_269, %mul3A_350 : i32
          %add3A_352 = arith.constant 10 : i32
          %add3A_353 = arith.addi %mul3A_351, %add3A_352 : i32
          %broadcast_in_dim3A_354 = vector.broadcast %add3A_353 : i32 to vector<16xi32>
          %gather3A_355 = tpu.vector_load_idx %arg5[%iota3A, %broadcast_in_dim3A_354] : memref<16x2056xf32, #tpu.memory_space<vmem>>[vector<16xi32>, vector<16xi32>], vector<16xf32>,
          %gather3A_356 = tpu.vector_load_idx %arg8[%broadcast_in_dim3A_354] : memref<2048xf32, #tpu.memory_space<vmem>>[vector<16xi32>], vector<16xf32>,
          %mul3A_357 = arith.mulf %gather3A_355, %gather3A_356 : vector<16xf32>
          %mul3A_358 = arith.constant 16 : i32
          %mul3A_359 = arith.muli %add3A_269, %mul3A_358 : i32
          %add3A_360 = arith.constant 11 : i32
          %add3A_361 = arith.addi %mul3A_359, %add3A_360 : i32
          %broadcast_in_dim3A_362 = vector.broadcast %add3A_361 : i32 to vector<16xi32>
          %gather3A_363 = tpu.vector_load_idx %arg5[%iota3A, %broadcast_in_dim3A_362] : memref<16x2056xf32, #tpu.memory_space<vmem>>[vector<16xi32>, vector<16xi32>], vector<16xf32>,
          %gather3A_364 = tpu.vector_load_idx %arg8[%broadcast_in_dim3A_362] : memref<2048xf32, #tpu.memory_space<vmem>>[vector<16xi32>], vector<16xf32>,
          %mul3A_365 = arith.mulf %gather3A_363, %gather3A_364 : vector<16xf32>
          %mul3A_366 = arith.constant 16 : i32
          %mul3A_367 = arith.muli %add3A_269, %mul3A_366 : i32
          %add3A_368 = arith.constant 12 : i32
          %add3A_369 = arith.addi %mul3A_367, %add3A_368 : i32
          %broadcast_in_dim3A_370 = vector.broadcast %add3A_369 : i32 to vector<16xi32>
          %gather3A_371 = tpu.vector_load_idx %arg5[%iota3A, %broadcast_in_dim3A_370] : memref<16x2056xf32, #tpu.memory_space<vmem>>[vector<16xi32>, vector<16xi32>], vector<16xf32>,
          %gather3A_372 = tpu.vector_load_idx %arg8[%broadcast_in_dim3A_370] : memref<2048xf32, #tpu.memory_space<vmem>>[vector<16xi32>], vector<16xf32>,
          %mul3A_373 = arith.mulf %gather3A_371, %gather3A_372 : vector<16xf32>
          %mul3A_374 = arith.constant 16 : i32
          %mul3A_375 = arith.muli %add3A_269, %mul3A_374 : i32
          %add3A_376 = arith.constant 13 : i32
          %add3A_377 = arith.addi %mul3A_375, %add3A_376 : i32
          %broadcast_in_dim3A_378 = vector.broadcast %add3A_377 : i32 to vector<16xi32>
          %gather3A_379 = tpu.vector_load_idx %arg5[%iota3A, %broadcast_in_dim3A_378] : memref<16x2056xf32, #tpu.memory_space<vmem>>[vector<16xi32>, vector<16xi32>], vector<16xf32>,
          %gather3A_380 = tpu.vector_load_idx %arg8[%broadcast_in_dim3A_378] : memref<2048xf32, #tpu.memory_space<vmem>>[vector<16xi32>], vector<16xf32>,
          %mul3A_381 = arith.mulf %gather3A_379, %gather3A_380 : vector<16xf32>
          %mul3A_382 = arith.constant 16 : i32
          %mul3A_383 = arith.muli %add3A_269, %mul3A_382 : i32
          %add3A_384 = arith.constant 14 : i32
          %add3A_385 = arith.addi %mul3A_383, %add3A_384 : i32
          %broadcast_in_dim3A_386 = vector.broadcast %add3A_385 : i32 to vector<16xi32>
          %gather3A_387 = tpu.vector_load_idx %arg5[%iota3A, %broadcast_in_dim3A_386] : memref<16x2056xf32, #tpu.memory_space<vmem>>[vector<16xi32>, vector<16xi32>], vector<16xf32>,
          %gather3A_388 = tpu.vector_load_idx %arg8[%broadcast_in_dim3A_386] : memref<2048xf32, #tpu.memory_space<vmem>>[vector<16xi32>], vector<16xf32>,
          %mul3A_389 = arith.mulf %gather3A_387, %gather3A_388 : vector<16xf32>
          %mul3A_390 = arith.constant 16 : i32
          %mul3A_391 = arith.muli %add3A_269, %mul3A_390 : i32
          %add3A_392 = arith.constant 15 : i32
          %add3A_393 = arith.addi %mul3A_391, %add3A_392 : i32
          %broadcast_in_dim3A_394 = vector.broadcast %add3A_393 : i32 to vector<16xi32>
          %gather3A_395 = tpu.vector_load_idx %arg5[%iota3A, %broadcast_in_dim3A_394] : memref<16x2056xf32, #tpu.memory_space<vmem>>[vector<16xi32>, vector<16xi32>], vector<16xf32>,
          %gather3A_396 = tpu.vector_load_idx %arg8[%broadcast_in_dim3A_394] : memref<2048xf32, #tpu.memory_space<vmem>>[vector<16xi32>], vector<16xf32>,
          %mul3A_397 = arith.mulf %gather3A_395, %gather3A_396 : vector<16xf32>
          %add3A_398 = arith.addf %mul3A_277, %mul3A_309 : vector<16xf32>
          %add3A_399 = arith.addf %mul3A_341, %mul3A_373 : vector<16xf32>
          %add3A_400 = arith.addf %add3A_398, %add3A_399 : vector<16xf32>
          %add3A_401 = arith.addf %mul3A_285, %mul3A_317 : vector<16xf32>
          %add3A_402 = arith.addf %mul3A_349, %mul3A_381 : vector<16xf32>
          %add3A_403 = arith.addf %add3A_401, %add3A_402 : vector<16xf32>
          %add3A_404 = arith.addf %mul3A_293, %mul3A_325 : vector<16xf32>
          %add3A_405 = arith.addf %mul3A_357, %mul3A_389 : vector<16xf32>
          %add3A_406 = arith.addf %add3A_404, %add3A_405 : vector<16xf32>
          %add3A_407 = arith.addf %mul3A_301, %mul3A_333 : vector<16xf32>
          %add3A_408 = arith.addf %mul3A_365, %mul3A_397 : vector<16xf32>
          %add3A_409 = arith.addf %add3A_407, %add3A_408 : vector<16xf32>
          %broadcast_in_dim3A_410 = vector.broadcast %add3A_269 : i32 to vector<16xi32>
          %add3A_411 = arith.addi %mul3A_3, %broadcast_in_dim3A_410 : vector<16xi32>
          %add3A_412 = arith.addf %add3A_400, %add3A_403 : vector<16xf32>
          %add3A_413 = arith.addf %add3A_406, %add3A_409 : vector<16xf32>
          %add3A_414 = arith.addf %add3A_412, %add3A_413 : vector<16xf32>
          tpu.vector_store_idx %arg7[%add3A_411], %add3A_414 : memref<2048xf32, #tpu.memory_space<vmem>>[vector<16xi32>], vector<16xf32>,
          %mul3A_415 = arith.constant 4 : i32
          %mul3A_416 = arith.muli %scan3A_118, %mul3A_415 : i32
          %add3A_417 = arith.constant 2 : i32
          %add3A_418 = arith.addi %mul3A_416, %add3A_417 : i32
          %mul3A_419 = arith.constant 16 : i32
          %mul3A_420 = arith.muli %add3A_418, %mul3A_419 : i32
          %add3A_421 = arith.constant 0 : i32
          %add3A_422 = arith.addi %mul3A_420, %add3A_421 : i32
          %broadcast_in_dim3A_423 = vector.broadcast %add3A_422 : i32 to vector<16xi32>
          %gather3A_424 = tpu.vector_load_idx %arg5[%iota3A, %broadcast_in_dim3A_423] : memref<16x2056xf32, #tpu.memory_space<vmem>>[vector<16xi32>, vector<16xi32>], vector<16xf32>,
          %gather3A_425 = tpu.vector_load_idx %arg8[%broadcast_in_dim3A_423] : memref<2048xf32, #tpu.memory_space<vmem>>[vector<16xi32>], vector<16xf32>,
          %mul3A_426 = arith.mulf %gather3A_424, %gather3A_425 : vector<16xf32>
          %mul3A_427 = arith.constant 16 : i32
          %mul3A_428 = arith.muli %add3A_418, %mul3A_427 : i32
          %add3A_429 = arith.constant 1 : i32
          %add3A_430 = arith.addi %mul3A_428, %add3A_429 : i32
          %broadcast_in_dim3A_431 = vector.broadcast %add3A_430 : i32 to vector<16xi32>
          %gather3A_432 = tpu.vector_load_idx %arg5[%iota3A, %broadcast_in_dim3A_431] : memref<16x2056xf32, #tpu.memory_space<vmem>>[vector<16xi32>, vector<16xi32>], vector<16xf32>,
          %gather3A_433 = tpu.vector_load_idx %arg8[%broadcast_in_dim3A_431] : memref<2048xf32, #tpu.memory_space<vmem>>[vector<16xi32>], vector<16xf32>,
          %mul3A_434 = arith.mulf %gather3A_432, %gather3A_433 : vector<16xf32>
          %mul3A_435 = arith.constant 16 : i32
          %mul3A_436 = arith.muli %add3A_418, %mul3A_435 : i32
          %add3A_437 = arith.constant 2 : i32
          %add3A_438 = arith.addi %mul3A_436, %add3A_437 : i32
          %broadcast_in_dim3A_439 = vector.broadcast %add3A_438 : i32 to vector<16xi32>
          %gather3A_440 = tpu.vector_load_idx %arg5[%iota3A, %broadcast_in_dim3A_439] : memref<16x2056xf32, #tpu.memory_space<vmem>>[vector<16xi32>, vector<16xi32>], vector<16xf32>,
          %gather3A_441 = tpu.vector_load_idx %arg8[%broadcast_in_dim3A_439] : memref<2048xf32, #tpu.memory_space<vmem>>[vector<16xi32>], vector<16xf32>,
          %mul3A_442 = arith.mulf %gather3A_440, %gather3A_441 : vector<16xf32>
          %mul3A_443 = arith.constant 16 : i32
          %mul3A_444 = arith.muli %add3A_418, %mul3A_443 : i32
          %add3A_445 = arith.constant 3 : i32
          %add3A_446 = arith.addi %mul3A_444, %add3A_445 : i32
          %broadcast_in_dim3A_447 = vector.broadcast %add3A_446 : i32 to vector<16xi32>
          %gather3A_448 = tpu.vector_load_idx %arg5[%iota3A, %broadcast_in_dim3A_447] : memref<16x2056xf32, #tpu.memory_space<vmem>>[vector<16xi32>, vector<16xi32>], vector<16xf32>,
          %gather3A_449 = tpu.vector_load_idx %arg8[%broadcast_in_dim3A_447] : memref<2048xf32, #tpu.memory_space<vmem>>[vector<16xi32>], vector<16xf32>,
          %mul3A_450 = arith.mulf %gather3A_448, %gather3A_449 : vector<16xf32>
          %mul3A_451 = arith.constant 16 : i32
          %mul3A_452 = arith.muli %add3A_418, %mul3A_451 : i32
          %add3A_453 = arith.constant 4 : i32
          %add3A_454 = arith.addi %mul3A_452, %add3A_453 : i32
          %broadcast_in_dim3A_455 = vector.broadcast %add3A_454 : i32 to vector<16xi32>
          %gather3A_456 = tpu.vector_load_idx %arg5[%iota3A, %broadcast_in_dim3A_455] : memref<16x2056xf32, #tpu.memory_space<vmem>>[vector<16xi32>, vector<16xi32>], vector<16xf32>,
          %gather3A_457 = tpu.vector_load_idx %arg8[%broadcast_in_dim3A_455] : memref<2048xf32, #tpu.memory_space<vmem>>[vector<16xi32>], vector<16xf32>,
          %mul3A_458 = arith.mulf %gather3A_456, %gather3A_457 : vector<16xf32>
          %mul3A_459 = arith.constant 16 : i32
          %mul3A_460 = arith.muli %add3A_418, %mul3A_459 : i32
          %add3A_461 = arith.constant 5 : i32
          %add3A_462 = arith.addi %mul3A_460, %add3A_461 : i32
          %broadcast_in_dim3A_463 = vector.broadcast %add3A_462 : i32 to vector<16xi32>
          %gather3A_464 = tpu.vector_load_idx %arg5[%iota3A, %broadcast_in_dim3A_463] : memref<16x2056xf32, #tpu.memory_space<vmem>>[vector<16xi32>, vector<16xi32>], vector<16xf32>,
          %gather3A_465 = tpu.vector_load_idx %arg8[%broadcast_in_dim3A_463] : memref<2048xf32, #tpu.memory_space<vmem>>[vector<16xi32>], vector<16xf32>,
          %mul3A_466 = arith.mulf %gather3A_464, %gather3A_465 : vector<16xf32>
          %mul3A_467 = arith.constant 16 : i32
          %mul3A_468 = arith.muli %add3A_418, %mul3A_467 : i32
          %add3A_469 = arith.constant 6 : i32
          %add3A_470 = arith.addi %mul3A_468, %add3A_469 : i32
          %broadcast_in_dim3A_471 = vector.broadcast %add3A_470 : i32 to vector<16xi32>
          %gather3A_472 = tpu.vector_load_idx %arg5[%iota3A, %broadcast_in_dim3A_471] : memref<16x2056xf32, #tpu.memory_space<vmem>>[vector<16xi32>, vector<16xi32>], vector<16xf32>,
          %gather3A_473 = tpu.vector_load_idx %arg8[%broadcast_in_dim3A_471] : memref<2048xf32, #tpu.memory_space<vmem>>[vector<16xi32>], vector<16xf32>,
          %mul3A_474 = arith.mulf %gather3A_472, %gather3A_473 : vector<16xf32>
          %mul3A_475 = arith.constant 16 : i32
          %mul3A_476 = arith.muli %add3A_418, %mul3A_475 : i32
          %add3A_477 = arith.constant 7 : i32
          %add3A_478 = arith.addi %mul3A_476, %add3A_477 : i32
          %broadcast_in_dim3A_479 = vector.broadcast %add3A_478 : i32 to vector<16xi32>
          %gather3A_480 = tpu.vector_load_idx %arg5[%iota3A, %broadcast_in_dim3A_479] : memref<16x2056xf32, #tpu.memory_space<vmem>>[vector<16xi32>, vector<16xi32>], vector<16xf32>,
          %gather3A_481 = tpu.vector_load_idx %arg8[%broadcast_in_dim3A_479] : memref<2048xf32, #tpu.memory_space<vmem>>[vector<16xi32>], vector<16xf32>,
          %mul3A_482 = arith.mulf %gather3A_480, %gather3A_481 : vector<16xf32>
          %mul3A_483 = arith.constant 16 : i32
          %mul3A_484 = arith.muli %add3A_418, %mul3A_483 : i32
          %add3A_485 = arith.constant 8 : i32
          %add3A_486 = arith.addi %mul3A_484, %add3A_485 : i32
          %broadcast_in_dim3A_487 = vector.broadcast %add3A_486 : i32 to vector<16xi32>
          %gather3A_488 = tpu.vector_load_idx %arg5[%iota3A, %broadcast_in_dim3A_487] : memref<16x2056xf32, #tpu.memory_space<vmem>>[vector<16xi32>, vector<16xi32>], vector<16xf32>,
          %gather3A_489 = tpu.vector_load_idx %arg8[%broadcast_in_dim3A_487] : memref<2048xf32, #tpu.memory_space<vmem>>[vector<16xi32>], vector<16xf32>,
          %mul3A_490 = arith.mulf %gather3A_488, %gather3A_489 : vector<16xf32>
          %mul3A_491 = arith.constant 16 : i32
          %mul3A_492 = arith.muli %add3A_418, %mul3A_491 : i32
          %add3A_493 = arith.constant 9 : i32
          %add3A_494 = arith.addi %mul3A_492, %add3A_493 : i32
          %broadcast_in_dim3A_495 = vector.broadcast %add3A_494 : i32 to vector<16xi32>
          %gather3A_496 = tpu.vector_load_idx %arg5[%iota3A, %broadcast_in_dim3A_495] : memref<16x2056xf32, #tpu.memory_space<vmem>>[vector<16xi32>, vector<16xi32>], vector<16xf32>,
          %gather3A_497 = tpu.vector_load_idx %arg8[%broadcast_in_dim3A_495] : memref<2048xf32, #tpu.memory_space<vmem>>[vector<16xi32>], vector<16xf32>,
          %mul3A_498 = arith.mulf %gather3A_496, %gather3A_497 : vector<16xf32>
          %mul3A_499 = arith.constant 16 : i32
          %mul3A_500 = arith.muli %add3A_418, %mul3A_499 : i32
          %add3A_501 = arith.constant 10 : i32
          %add3A_502 = arith.addi %mul3A_500, %add3A_501 : i32
          %broadcast_in_dim3A_503 = vector.broadcast %add3A_502 : i32 to vector<16xi32>
          %gather3A_504 = tpu.vector_load_idx %arg5[%iota3A, %broadcast_in_dim3A_503] : memref<16x2056xf32, #tpu.memory_space<vmem>>[vector<16xi32>, vector<16xi32>], vector<16xf32>,
          %gather3A_505 = tpu.vector_load_idx %arg8[%broadcast_in_dim3A_503] : memref<2048xf32, #tpu.memory_space<vmem>>[vector<16xi32>], vector<16xf32>,
          %mul3A_506 = arith.mulf %gather3A_504, %gather3A_505 : vector<16xf32>
          %mul3A_507 = arith.constant 16 : i32
          %mul3A_508 = arith.muli %add3A_418, %mul3A_507 : i32
          %add3A_509 = arith.constant 11 : i32
          %add3A_510 = arith.addi %mul3A_508, %add3A_509 : i32
          %broadcast_in_dim3A_511 = vector.broadcast %add3A_510 : i32 to vector<16xi32>
          %gather3A_512 = tpu.vector_load_idx %arg5[%iota3A, %broadcast_in_dim3A_511] : memref<16x2056xf32, #tpu.memory_space<vmem>>[vector<16xi32>, vector<16xi32>], vector<16xf32>,
          %gather3A_513 = tpu.vector_load_idx %arg8[%broadcast_in_dim3A_511] : memref<2048xf32, #tpu.memory_space<vmem>>[vector<16xi32>], vector<16xf32>,
          %mul3A_514 = arith.mulf %gather3A_512, %gather3A_513 : vector<16xf32>
          %mul3A_515 = arith.constant 16 : i32
          %mul3A_516 = arith.muli %add3A_418, %mul3A_515 : i32
          %add3A_517 = arith.constant 12 : i32
          %add3A_518 = arith.addi %mul3A_516, %add3A_517 : i32
          %broadcast_in_dim3A_519 = vector.broadcast %add3A_518 : i32 to vector<16xi32>
          %gather3A_520 = tpu.vector_load_idx %arg5[%iota3A, %broadcast_in_dim3A_519] : memref<16x2056xf32, #tpu.memory_space<vmem>>[vector<16xi32>, vector<16xi32>], vector<16xf32>,
          %gather3A_521 = tpu.vector_load_idx %arg8[%broadcast_in_dim3A_519] : memref<2048xf32, #tpu.memory_space<vmem>>[vector<16xi32>], vector<16xf32>,
          %mul3A_522 = arith.mulf %gather3A_520, %gather3A_521 : vector<16xf32>
          %mul3A_523 = arith.constant 16 : i32
          %mul3A_524 = arith.muli %add3A_418, %mul3A_523 : i32
          %add3A_525 = arith.constant 13 : i32
          %add3A_526 = arith.addi %mul3A_524, %add3A_525 : i32
          %broadcast_in_dim3A_527 = vector.broadcast %add3A_526 : i32 to vector<16xi32>
          %gather3A_528 = tpu.vector_load_idx %arg5[%iota3A, %broadcast_in_dim3A_527] : memref<16x2056xf32, #tpu.memory_space<vmem>>[vector<16xi32>, vector<16xi32>], vector<16xf32>,
          %gather3A_529 = tpu.vector_load_idx %arg8[%broadcast_in_dim3A_527] : memref<2048xf32, #tpu.memory_space<vmem>>[vector<16xi32>], vector<16xf32>,
          %mul3A_530 = arith.mulf %gather3A_528, %gather3A_529 : vector<16xf32>
          %mul3A_531 = arith.constant 16 : i32
          %mul3A_532 = arith.muli %add3A_418, %mul3A_531 : i32
          %add3A_533 = arith.constant 14 : i32
          %add3A_534 = arith.addi %mul3A_532, %add3A_533 : i32
          %broadcast_in_dim3A_535 = vector.broadcast %add3A_534 : i32 to vector<16xi32>
          %gather3A_536 = tpu.vector_load_idx %arg5[%iota3A, %broadcast_in_dim3A_535] : memref<16x2056xf32, #tpu.memory_space<vmem>>[vector<16xi32>, vector<16xi32>], vector<16xf32>,
          %gather3A_537 = tpu.vector_load_idx %arg8[%broadcast_in_dim3A_535] : memref<2048xf32, #tpu.memory_space<vmem>>[vector<16xi32>], vector<16xf32>,
          %mul3A_538 = arith.mulf %gather3A_536, %gather3A_537 : vector<16xf32>
          %mul3A_539 = arith.constant 16 : i32
          %mul3A_540 = arith.muli %add3A_418, %mul3A_539 : i32
          %add3A_541 = arith.constant 15 : i32
          %add3A_542 = arith.addi %mul3A_540, %add3A_541 : i32
          %broadcast_in_dim3A_543 = vector.broadcast %add3A_542 : i32 to vector<16xi32>
          %gather3A_544 = tpu.vector_load_idx %arg5[%iota3A, %broadcast_in_dim3A_543] : memref<16x2056xf32, #tpu.memory_space<vmem>>[vector<16xi32>, vector<16xi32>], vector<16xf32>,
          %gather3A_545 = tpu.vector_load_idx %arg8[%broadcast_in_dim3A_543] : memref<2048xf32, #tpu.memory_space<vmem>>[vector<16xi32>], vector<16xf32>,
          %mul3A_546 = arith.mulf %gather3A_544, %gather3A_545 : vector<16xf32>
          %add3A_547 = arith.addf %mul3A_426, %mul3A_458 : vector<16xf32>
          %add3A_548 = arith.addf %mul3A_490, %mul3A_522 : vector<16xf32>
          %add3A_549 = arith.addf %add3A_547, %add3A_548 : vector<16xf32>
          %add3A_550 = arith.addf %mul3A_434, %mul3A_466 : vector<16xf32>
          %add3A_551 = arith.addf %mul3A_498, %mul3A_530 : vector<16xf32>
          %add3A_552 = arith.addf %add3A_550, %add3A_551 : vector<16xf32>
          %add3A_553 = arith.addf %mul3A_442, %mul3A_474 : vector<16xf32>
          %add3A_554 = arith.addf %mul3A_506, %mul3A_538 : vector<16xf32>
          %add3A_555 = arith.addf %add3A_553, %add3A_554 : vector<16xf32>
          %add3A_556 = arith.addf %mul3A_450, %mul3A_482 : vector<16xf32>
          %add3A_557 = arith.addf %mul3A_514, %mul3A_546 : vector<16xf32>
          %add3A_558 = arith.addf %add3A_556, %add3A_557 : vector<16xf32>
          %broadcast_in_dim3A_559 = vector.broadcast %add3A_418 : i32 to vector<16xi32>
          %add3A_560 = arith.addi %mul3A_3, %broadcast_in_dim3A_559 : vector<16xi32>
          %add3A_561 = arith.addf %add3A_549, %add3A_552 : vector<16xf32>
          %add3A_562 = arith.addf %add3A_555, %add3A_558 : vector<16xf32>
          %add3A_563 = arith.addf %add3A_561, %add3A_562 : vector<16xf32>
          tpu.vector_store_idx %arg7[%add3A_560], %add3A_563 : memref<2048xf32, #tpu.memory_space<vmem>>[vector<16xi32>], vector<16xf32>,
          %mul3A_564 = arith.constant 4 : i32
          %mul3A_565 = arith.muli %scan3A_118, %mul3A_564 : i32
          %add3A_566 = arith.constant 3 : i32
          %add3A_567 = arith.addi %mul3A_565, %add3A_566 : i32
          %mul3A_568 = arith.constant 16 : i32
          %mul3A_569 = arith.muli %add3A_567, %mul3A_568 : i32
          %add3A_570 = arith.constant 0 : i32
          %add3A_571 = arith.addi %mul3A_569, %add3A_570 : i32
          %broadcast_in_dim3A_572 = vector.broadcast %add3A_571 : i32 to vector<16xi32>
          %gather3A_573 = tpu.vector_load_idx %arg5[%iota3A, %broadcast_in_dim3A_572] : memref<16x2056xf32, #tpu.memory_space<vmem>>[vector<16xi32>, vector<16xi32>], vector<16xf32>,
          %gather3A_574 = tpu.vector_load_idx %arg8[%broadcast_in_dim3A_572] : memref<2048xf32, #tpu.memory_space<vmem>>[vector<16xi32>], vector<16xf32>,
          %mul3A_575 = arith.mulf %gather3A_573, %gather3A_574 : vector<16xf32>
          %mul3A_576 = arith.constant 16 : i32
          %mul3A_577 = arith.muli %add3A_567, %mul3A_576 : i32
          %add3A_578 = arith.constant 1 : i32
          %add3A_579 = arith.addi %mul3A_577, %add3A_578 : i32
          %broadcast_in_dim3A_580 = vector.broadcast %add3A_579 : i32 to vector<16xi32>
          %gather3A_581 = tpu.vector_load_idx %arg5[%iota3A, %broadcast_in_dim3A_580] : memref<16x2056xf32, #tpu.memory_space<vmem>>[vector<16xi32>, vector<16xi32>], vector<16xf32>,
          %gather3A_582 = tpu.vector_load_idx %arg8[%broadcast_in_dim3A_580] : memref<2048xf32, #tpu.memory_space<vmem>>[vector<16xi32>], vector<16xf32>,
          %mul3A_583 = arith.mulf %gather3A_581, %gather3A_582 : vector<16xf32>
          %mul3A_584 = arith.constant 16 : i32
          %mul3A_585 = arith.muli %add3A_567, %mul3A_584 : i32
          %add3A_586 = arith.constant 2 : i32
          %add3A_587 = arith.addi %mul3A_585, %add3A_586 : i32
          %broadcast_in_dim3A_588 = vector.broadcast %add3A_587 : i32 to vector<16xi32>
          %gather3A_589 = tpu.vector_load_idx %arg5[%iota3A, %broadcast_in_dim3A_588] : memref<16x2056xf32, #tpu.memory_space<vmem>>[vector<16xi32>, vector<16xi32>], vector<16xf32>,
          %gather3A_590 = tpu.vector_load_idx %arg8[%broadcast_in_dim3A_588] : memref<2048xf32, #tpu.memory_space<vmem>>[vector<16xi32>], vector<16xf32>,
          %mul3A_591 = arith.mulf %gather3A_589, %gather3A_590 : vector<16xf32>
          %mul3A_592 = arith.constant 16 : i32
          %mul3A_593 = arith.muli %add3A_567, %mul3A_592 : i32
          %add3A_594 = arith.constant 3 : i32
          %add3A_595 = arith.addi %mul3A_593, %add3A_594 : i32
          %broadcast_in_dim3A_596 = vector.broadcast %add3A_595 : i32 to vector<16xi32>
          %gather3A_597 = tpu.vector_load_idx %arg5[%iota3A, %broadcast_in_dim3A_596] : memref<16x2056xf32, #tpu.memory_space<vmem>>[vector<16xi32>, vector<16xi32>], vector<16xf32>,
          %gather3A_598 = tpu.vector_load_idx %arg8[%broadcast_in_dim3A_596] : memref<2048xf32, #tpu.memory_space<vmem>>[vector<16xi32>], vector<16xf32>,
          %mul3A_599 = arith.mulf %gather3A_597, %gather3A_598 : vector<16xf32>
          %mul3A_600 = arith.constant 16 : i32
          %mul3A_601 = arith.muli %add3A_567, %mul3A_600 : i32
          %add3A_602 = arith.constant 4 : i32
          %add3A_603 = arith.addi %mul3A_601, %add3A_602 : i32
          %broadcast_in_dim3A_604 = vector.broadcast %add3A_603 : i32 to vector<16xi32>
          %gather3A_605 = tpu.vector_load_idx %arg5[%iota3A, %broadcast_in_dim3A_604] : memref<16x2056xf32, #tpu.memory_space<vmem>>[vector<16xi32>, vector<16xi32>], vector<16xf32>,
          %gather3A_606 = tpu.vector_load_idx %arg8[%broadcast_in_dim3A_604] : memref<2048xf32, #tpu.memory_space<vmem>>[vector<16xi32>], vector<16xf32>,
          %mul3A_607 = arith.mulf %gather3A_605, %gather3A_606 : vector<16xf32>
          %mul3A_608 = arith.constant 16 : i32
          %mul3A_609 = arith.muli %add3A_567, %mul3A_608 : i32
          %add3A_610 = arith.constant 5 : i32
          %add3A_611 = arith.addi %mul3A_609, %add3A_610 : i32
          %broadcast_in_dim3A_612 = vector.broadcast %add3A_611 : i32 to vector<16xi32>
          %gather3A_613 = tpu.vector_load_idx %arg5[%iota3A, %broadcast_in_dim3A_612] : memref<16x2056xf32, #tpu.memory_space<vmem>>[vector<16xi32>, vector<16xi32>], vector<16xf32>,
          %gather3A_614 = tpu.vector_load_idx %arg8[%broadcast_in_dim3A_612] : memref<2048xf32, #tpu.memory_space<vmem>>[vector<16xi32>], vector<16xf32>,
          %mul3A_615 = arith.mulf %gather3A_613, %gather3A_614 : vector<16xf32>
          %mul3A_616 = arith.constant 16 : i32
          %mul3A_617 = arith.muli %add3A_567, %mul3A_616 : i32
          %add3A_618 = arith.constant 6 : i32
          %add3A_619 = arith.addi %mul3A_617, %add3A_618 : i32
          %broadcast_in_dim3A_620 = vector.broadcast %add3A_619 : i32 to vector<16xi32>
          %gather3A_621 = tpu.vector_load_idx %arg5[%iota3A, %broadcast_in_dim3A_620] : memref<16x2056xf32, #tpu.memory_space<vmem>>[vector<16xi32>, vector<16xi32>], vector<16xf32>,
          %gather3A_622 = tpu.vector_load_idx %arg8[%broadcast_in_dim3A_620] : memref<2048xf32, #tpu.memory_space<vmem>>[vector<16xi32>], vector<16xf32>,
          %mul3A_623 = arith.mulf %gather3A_621, %gather3A_622 : vector<16xf32>
          %mul3A_624 = arith.constant 16 : i32
          %mul3A_625 = arith.muli %add3A_567, %mul3A_624 : i32
          %add3A_626 = arith.constant 7 : i32
          %add3A_627 = arith.addi %mul3A_625, %add3A_626 : i32
          %broadcast_in_dim3A_628 = vector.broadcast %add3A_627 : i32 to vector<16xi32>
          %gather3A_629 = tpu.vector_load_idx %arg5[%iota3A, %broadcast_in_dim3A_628] : memref<16x2056xf32, #tpu.memory_space<vmem>>[vector<16xi32>, vector<16xi32>], vector<16xf32>,
          %gather3A_630 = tpu.vector_load_idx %arg8[%broadcast_in_dim3A_628] : memref<2048xf32, #tpu.memory_space<vmem>>[vector<16xi32>], vector<16xf32>,
          %mul3A_631 = arith.mulf %gather3A_629, %gather3A_630 : vector<16xf32>
          %mul3A_632 = arith.constant 16 : i32
          %mul3A_633 = arith.muli %add3A_567, %mul3A_632 : i32
          %add3A_634 = arith.constant 8 : i32
          %add3A_635 = arith.addi %mul3A_633, %add3A_634 : i32
          %broadcast_in_dim3A_636 = vector.broadcast %add3A_635 : i32 to vector<16xi32>
          %gather3A_637 = tpu.vector_load_idx %arg5[%iota3A, %broadcast_in_dim3A_636] : memref<16x2056xf32, #tpu.memory_space<vmem>>[vector<16xi32>, vector<16xi32>], vector<16xf32>,
          %gather3A_638 = tpu.vector_load_idx %arg8[%broadcast_in_dim3A_636] : memref<2048xf32, #tpu.memory_space<vmem>>[vector<16xi32>], vector<16xf32>,
          %mul3A_639 = arith.mulf %gather3A_637, %gather3A_638 : vector<16xf32>
          %mul3A_640 = arith.constant 16 : i32
          %mul3A_641 = arith.muli %add3A_567, %mul3A_640 : i32
          %add3A_642 = arith.constant 9 : i32
          %add3A_643 = arith.addi %mul3A_641, %add3A_642 : i32
          %broadcast_in_dim3A_644 = vector.broadcast %add3A_643 : i32 to vector<16xi32>
          %gather3A_645 = tpu.vector_load_idx %arg5[%iota3A, %broadcast_in_dim3A_644] : memref<16x2056xf32, #tpu.memory_space<vmem>>[vector<16xi32>, vector<16xi32>], vector<16xf32>,
          %gather3A_646 = tpu.vector_load_idx %arg8[%broadcast_in_dim3A_644] : memref<2048xf32, #tpu.memory_space<vmem>>[vector<16xi32>], vector<16xf32>,
          %mul3A_647 = arith.mulf %gather3A_645, %gather3A_646 : vector<16xf32>
          %mul3A_648 = arith.constant 16 : i32
          %mul3A_649 = arith.muli %add3A_567, %mul3A_648 : i32
          %add3A_650 = arith.constant 10 : i32
          %add3A_651 = arith.addi %mul3A_649, %add3A_650 : i32
          %broadcast_in_dim3A_652 = vector.broadcast %add3A_651 : i32 to vector<16xi32>
          %gather3A_653 = tpu.vector_load_idx %arg5[%iota3A, %broadcast_in_dim3A_652] : memref<16x2056xf32, #tpu.memory_space<vmem>>[vector<16xi32>, vector<16xi32>], vector<16xf32>,
          %gather3A_654 = tpu.vector_load_idx %arg8[%broadcast_in_dim3A_652] : memref<2048xf32, #tpu.memory_space<vmem>>[vector<16xi32>], vector<16xf32>,
          %mul3A_655 = arith.mulf %gather3A_653, %gather3A_654 : vector<16xf32>
          %mul3A_656 = arith.constant 16 : i32
          %mul3A_657 = arith.muli %add3A_567, %mul3A_656 : i32
          %add3A_658 = arith.constant 11 : i32
          %add3A_659 = arith.addi %mul3A_657, %add3A_658 : i32
          %broadcast_in_dim3A_660 = vector.broadcast %add3A_659 : i32 to vector<16xi32>
          %gather3A_661 = tpu.vector_load_idx %arg5[%iota3A, %broadcast_in_dim3A_660] : memref<16x2056xf32, #tpu.memory_space<vmem>>[vector<16xi32>, vector<16xi32>], vector<16xf32>,
          %gather3A_662 = tpu.vector_load_idx %arg8[%broadcast_in_dim3A_660] : memref<2048xf32, #tpu.memory_space<vmem>>[vector<16xi32>], vector<16xf32>,
          %mul3A_663 = arith.mulf %gather3A_661, %gather3A_662 : vector<16xf32>
          %mul3A_664 = arith.constant 16 : i32
          %mul3A_665 = arith.muli %add3A_567, %mul3A_664 : i32
          %add3A_666 = arith.constant 12 : i32
          %add3A_667 = arith.addi %mul3A_665, %add3A_666 : i32
          %broadcast_in_dim3A_668 = vector.broadcast %add3A_667 : i32 to vector<16xi32>
          %gather3A_669 = tpu.vector_load_idx %arg5[%iota3A, %broadcast_in_dim3A_668] : memref<16x2056xf32, #tpu.memory_space<vmem>>[vector<16xi32>, vector<16xi32>], vector<16xf32>,
          %gather3A_670 = tpu.vector_load_idx %arg8[%broadcast_in_dim3A_668] : memref<2048xf32, #tpu.memory_space<vmem>>[vector<16xi32>], vector<16xf32>,
          %mul3A_671 = arith.mulf %gather3A_669, %gather3A_670 : vector<16xf32>
          %mul3A_672 = arith.constant 16 : i32
          %mul3A_673 = arith.muli %add3A_567, %mul3A_672 : i32
          %add3A_674 = arith.constant 13 : i32
          %add3A_675 = arith.addi %mul3A_673, %add3A_674 : i32
          %broadcast_in_dim3A_676 = vector.broadcast %add3A_675 : i32 to vector<16xi32>
          %gather3A_677 = tpu.vector_load_idx %arg5[%iota3A, %broadcast_in_dim3A_676] : memref<16x2056xf32, #tpu.memory_space<vmem>>[vector<16xi32>, vector<16xi32>], vector<16xf32>,
          %gather3A_678 = tpu.vector_load_idx %arg8[%broadcast_in_dim3A_676] : memref<2048xf32, #tpu.memory_space<vmem>>[vector<16xi32>], vector<16xf32>,
          %mul3A_679 = arith.mulf %gather3A_677, %gather3A_678 : vector<16xf32>
          %mul3A_680 = arith.constant 16 : i32
          %mul3A_681 = arith.muli %add3A_567, %mul3A_680 : i32
          %add3A_682 = arith.constant 14 : i32
          %add3A_683 = arith.addi %mul3A_681, %add3A_682 : i32
          %broadcast_in_dim3A_684 = vector.broadcast %add3A_683 : i32 to vector<16xi32>
          %gather3A_685 = tpu.vector_load_idx %arg5[%iota3A, %broadcast_in_dim3A_684] : memref<16x2056xf32, #tpu.memory_space<vmem>>[vector<16xi32>, vector<16xi32>], vector<16xf32>,
          %gather3A_686 = tpu.vector_load_idx %arg8[%broadcast_in_dim3A_684] : memref<2048xf32, #tpu.memory_space<vmem>>[vector<16xi32>], vector<16xf32>,
          %mul3A_687 = arith.mulf %gather3A_685, %gather3A_686 : vector<16xf32>
          %mul3A_688 = arith.constant 16 : i32
          %mul3A_689 = arith.muli %add3A_567, %mul3A_688 : i32
          %add3A_690 = arith.constant 15 : i32
          %add3A_691 = arith.addi %mul3A_689, %add3A_690 : i32
          %broadcast_in_dim3A_692 = vector.broadcast %add3A_691 : i32 to vector<16xi32>
          %gather3A_693 = tpu.vector_load_idx %arg5[%iota3A, %broadcast_in_dim3A_692] : memref<16x2056xf32, #tpu.memory_space<vmem>>[vector<16xi32>, vector<16xi32>], vector<16xf32>,
          %gather3A_694 = tpu.vector_load_idx %arg8[%broadcast_in_dim3A_692] : memref<2048xf32, #tpu.memory_space<vmem>>[vector<16xi32>], vector<16xf32>,
          %mul3A_695 = arith.mulf %gather3A_693, %gather3A_694 : vector<16xf32>
          %add3A_696 = arith.addf %mul3A_575, %mul3A_607 : vector<16xf32>
          %add3A_697 = arith.addf %mul3A_639, %mul3A_671 : vector<16xf32>
          %add3A_698 = arith.addf %add3A_696, %add3A_697 : vector<16xf32>
          %add3A_699 = arith.addf %mul3A_583, %mul3A_615 : vector<16xf32>
          %add3A_700 = arith.addf %mul3A_647, %mul3A_679 : vector<16xf32>
          %add3A_701 = arith.addf %add3A_699, %add3A_700 : vector<16xf32>
          %add3A_702 = arith.addf %mul3A_591, %mul3A_623 : vector<16xf32>
          %add3A_703 = arith.addf %mul3A_655, %mul3A_687 : vector<16xf32>
          %add3A_704 = arith.addf %add3A_702, %add3A_703 : vector<16xf32>
          %add3A_705 = arith.addf %mul3A_599, %mul3A_631 : vector<16xf32>
          %add3A_706 = arith.addf %mul3A_663, %mul3A_695 : vector<16xf32>
          %add3A_707 = arith.addf %add3A_705, %add3A_706 : vector<16xf32>
          %broadcast_in_dim3A_708 = vector.broadcast %add3A_567 : i32 to vector<16xi32>
          %add3A_709 = arith.addi %mul3A_3, %broadcast_in_dim3A_708 : vector<16xi32>
          %add3A_710 = arith.addf %add3A_698, %add3A_701 : vector<16xf32>
          %add3A_711 = arith.addf %add3A_704, %add3A_707 : vector<16xf32>
          %add3A_712 = arith.addf %add3A_710, %add3A_711 : vector<16xf32>
          tpu.vector_store_idx %arg7[%add3A_709], %add3A_712 : memref<2048xf32, #tpu.memory_space<vmem>>[vector<16xi32>], vector<16xf32>,
        }
        %scan3A_107 = arith.constant 32 : i32
        %mul3A_108 = arith.constant 16 : i32
        %mul3A_109 = arith.muli %add3A_86, %mul3A_108 : i32
        %mul3A_110 = arith.constant 128 : i32
        %mul3A_111 = arith.muli %mul3A_109, %mul3A_110 : i32
        "tpu.region"() ({
          %run_scoped3A = tpu.sem_alloc : memref<!tpu.dma_semaphore, #tpu.memory_space<semaphore_mem>>
          %dma_start3A = tpu.memref_slice %arg4[%mul3A_111] : memref<65536xf32, #tpu.memory_space<hbm>> -> memref<2048xf32, #tpu.memory_space<hbm>>
          %dma_start3A_118 = tpu.memref_slice %arg4[%mul3A_111] : memref<65536xf32, #tpu.memory_space<hbm>> -> memref<2048xf32, #tpu.memory_space<hbm>>
          tpu.enqueue_dma source(%arg7 : memref<2048xf32, #tpu.memory_space<vmem>>) target(%dma_start3A_118 : memref<2048xf32, #tpu.memory_space<hbm>>) target_semaphore(%run_scoped3A : memref<!tpu.dma_semaphore, #tpu.memory_space<semaphore_mem>>)
          %dma_wait3A_119 = tpu.memref_slice %arg4[%mul3A_111] : memref<65536xf32, #tpu.memory_space<hbm>> -> memref<2048xf32, #tpu.memory_space<hbm>>
          %dma_wait3A_120 = tpu.memref_slice %arg4[%mul3A_111] : memref<65536xf32, #tpu.memory_space<hbm>> -> memref<2048xf32, #tpu.memory_space<hbm>>
          tpu.wait_dma2 semaphore(%run_scoped3A : memref<!tpu.dma_semaphore, #tpu.memory_space<semaphore_mem>>) src(%arg7 : memref<2048xf32, #tpu.memory_space<vmem>>) dst(%dma_wait3A_120 : memref<2048xf32, #tpu.memory_space<hbm>>)
          tpu.yield
        }) : () -> ()
        %add3A_112 = arith.constant 2 : i32
        %add3A_113 = arith.addi %add3A_72, %add3A_112 : i32
        %lt3A_114 = arith.cmpi slt, %add3A_113, %select_n3A : i32
        %convert_element_type3A_115 = arith.extui %lt3A_114 : i1 to i32
        %cond3A_116 = arith.constant 0 : i32
        %cond3A_117 = arith.cmpi ne, %convert_element_type3A_115, %cond3A_116 : i32
        scf.if %cond3A_117 {
          %add3A_118 = arith.constant 2 : i32
          %add3A_119 = arith.addi %add3A_72, %add3A_118 : i32
          %mul3A_120 = arith.constant 32 : i32
          %mul3A_121 = arith.muli %add3A_119, %mul3A_120 : i32
          %add3A_122 = arith.addi %add3A, %mul3A_121 : i32
          %mul3A_123 = arith.constant 16 : i32
          %mul3A_124 = arith.muli %add3A_122, %mul3A_123 : i32
          %add3A_125 = arith.constant 23488 : i32
          %add3A_126 = arith.addi %add3A_125, %mul3A_124 : i32
          %dma_start3A = arith.constant 0 : i32
          %dma_start3A_127 = arith.constant 0 : i32
          %dma_start3A_128 = tpu.memref_slice %arg5[%dma_start3A, %dma_start3A_127] : memref<16x2056xf32, #tpu.memory_space<vmem>> -> memref<16x2048xf32, #tpu.memory_space<vmem>>
          %dma_start3A_129 = arith.constant 0 : i32
          %dma_start3A_130 = tpu.memref_slice %arg2[%add3A_126, %dma_start3A_129] : memref<24000x2048xf32, #tpu.memory_space<hbm>> -> memref<16x2048xf32, #tpu.memory_space<hbm>>
          %dma_start3A_131 = arith.constant 0 : i32
          %dma_start3A_132 = arith.constant 0 : i32
          %dma_start3A_133 = tpu.memref_slice %arg5[%dma_start3A_131, %dma_start3A_132] : memref<16x2056xf32, #tpu.memory_space<vmem>> -> memref<16x2048xf32, #tpu.memory_space<vmem>>
          %dma_start3A_134 = arith.constant 0 : i32
          %dma_start3A_135 = tpu.memref_slice %arg2[%add3A_126, %dma_start3A_134] : memref<24000x2048xf32, #tpu.memory_space<hbm>> -> memref<16x2048xf32, #tpu.memory_space<hbm>>
          tpu.enqueue_dma source(%dma_start3A_135 : memref<16x2048xf32, #tpu.memory_space<hbm>>) target(%dma_start3A_133 : memref<16x2048xf32, #tpu.memory_space<vmem>>) target_semaphore(%arg9 : memref<!tpu.dma_semaphore, #tpu.memory_space<semaphore_mem>>)
        } else {
        }
      } else {
      }
      %mul3A_76 = arith.constant 2 : i32
      %mul3A_77 = arith.muli %while3A_68, %mul3A_76 : i32
      %add3A_78 = arith.constant 1 : i32
      %add3A_79 = arith.addi %mul3A_77, %add3A_78 : i32
      %lt3A_80 = arith.cmpi slt, %add3A_79, %select_n3A : i32
      %convert_element_type3A_81 = arith.extui %lt3A_80 : i1 to i32
      %cond3A_82 = arith.constant 0 : i32
      %cond3A_83 = arith.cmpi ne, %convert_element_type3A_81, %cond3A_82 : i32
      scf.if %cond3A_83 {
        %mul3A_84 = arith.constant 32 : i32
        %mul3A_85 = arith.muli %add3A_79, %mul3A_84 : i32
        %add3A_86 = arith.addi %add3A, %mul3A_85 : i32
        %mul3A_87 = arith.constant 32 : i32
        %mul3A_88 = arith.muli %add3A_79, %mul3A_87 : i32
        %add3A_89 = arith.addi %add3A, %mul3A_88 : i32
        %mul3A_90 = arith.constant 16 : i32
        %mul3A_91 = arith.muli %add3A_89, %mul3A_90 : i32
        %add3A_92 = arith.constant 23488 : i32
        %add3A_93 = arith.addi %add3A_92, %mul3A_91 : i32
        %dma_wait3A = arith.constant 0 : i32
        %dma_wait3A_94 = arith.constant 0 : i32
        %dma_wait3A_95 = tpu.memref_slice %arg6[%dma_wait3A, %dma_wait3A_94] : memref<16x2056xf32, #tpu.memory_space<vmem>> -> memref<16x2048xf32, #tpu.memory_space<vmem>>
        %dma_wait3A_96 = arith.constant 0 : i32
        %dma_wait3A_97 = tpu.memref_slice %arg2[%add3A_93, %dma_wait3A_96] : memref<24000x2048xf32, #tpu.memory_space<hbm>> -> memref<16x2048xf32, #tpu.memory_space<hbm>>
        %dma_wait3A_98 = arith.constant 0 : i32
        %dma_wait3A_99 = arith.constant 0 : i32
        %dma_wait3A_100 = tpu.memref_slice %arg6[%dma_wait3A_98, %dma_wait3A_99] : memref<16x2056xf32, #tpu.memory_space<vmem>> -> memref<16x2048xf32, #tpu.memory_space<vmem>>
        %dma_wait3A_101 = arith.constant 0 : i32
        %dma_wait3A_102 = tpu.memref_slice %arg2[%add3A_93, %dma_wait3A_101] : memref<24000x2048xf32, #tpu.memory_space<hbm>> -> memref<16x2048xf32, #tpu.memory_space<hbm>>
        tpu.wait_dma2 semaphore(%arg10 : memref<!tpu.dma_semaphore, #tpu.memory_space<semaphore_mem>>) src(%dma_wait3A_102 : memref<16x2048xf32, #tpu.memory_space<hbm>>) dst(%dma_wait3A_100 : memref<16x2048xf32, #tpu.memory_space<vmem>>)
        %scan3A = arith.constant 0 : i32
        %scan3A_103 = arith.constant 0 : i32
        %scan3A_104 = arith.constant 32 : i32
        %scan3A_105 = arith.addi %scan3A_103, %scan3A_104 : i32
        %scan3A_106 = arith.constant 1 : i32
        scf.for %scan3A_118 = %scan3A_103 to %scan3A_105 step %scan3A_106  : i32 {
          %mul3A_119 = arith.constant 4 : i32
          %mul3A_120 = arith.muli %scan3A_118, %mul3A_119 : i32
          %add3A_121 = arith.constant 0 : i32
          %add3A_122 = arith.addi %mul3A_120, %add3A_121 : i32
          %mul3A_123 = arith.constant 16 : i32
          %mul3A_124 = arith.muli %add3A_122, %mul3A_123 : i32
          %add3A_125 = arith.constant 0 : i32
          %add3A_126 = arith.addi %mul3A_124, %add3A_125 : i32
          %broadcast_in_dim3A = vector.broadcast %add3A_126 : i32 to vector<16xi32>
          %gather3A = tpu.vector_load_idx %arg6[%iota3A, %broadcast_in_dim3A] : memref<16x2056xf32, #tpu.memory_space<vmem>>[vector<16xi32>, vector<16xi32>], vector<16xf32>,
          %gather3A_127 = tpu.vector_load_idx %arg8[%broadcast_in_dim3A] : memref<2048xf32, #tpu.memory_space<vmem>>[vector<16xi32>], vector<16xf32>,
          %mul3A_128 = arith.mulf %gather3A, %gather3A_127 : vector<16xf32>
          %mul3A_129 = arith.constant 16 : i32
          %mul3A_130 = arith.muli %add3A_122, %mul3A_129 : i32
          %add3A_131 = arith.constant 1 : i32
          %add3A_132 = arith.addi %mul3A_130, %add3A_131 : i32
          %broadcast_in_dim3A_133 = vector.broadcast %add3A_132 : i32 to vector<16xi32>
          %gather3A_134 = tpu.vector_load_idx %arg6[%iota3A, %broadcast_in_dim3A_133] : memref<16x2056xf32, #tpu.memory_space<vmem>>[vector<16xi32>, vector<16xi32>], vector<16xf32>,
          %gather3A_135 = tpu.vector_load_idx %arg8[%broadcast_in_dim3A_133] : memref<2048xf32, #tpu.memory_space<vmem>>[vector<16xi32>], vector<16xf32>,
          %mul3A_136 = arith.mulf %gather3A_134, %gather3A_135 : vector<16xf32>
          %mul3A_137 = arith.constant 16 : i32
          %mul3A_138 = arith.muli %add3A_122, %mul3A_137 : i32
          %add3A_139 = arith.constant 2 : i32
          %add3A_140 = arith.addi %mul3A_138, %add3A_139 : i32
          %broadcast_in_dim3A_141 = vector.broadcast %add3A_140 : i32 to vector<16xi32>
          %gather3A_142 = tpu.vector_load_idx %arg6[%iota3A, %broadcast_in_dim3A_141] : memref<16x2056xf32, #tpu.memory_space<vmem>>[vector<16xi32>, vector<16xi32>], vector<16xf32>,
          %gather3A_143 = tpu.vector_load_idx %arg8[%broadcast_in_dim3A_141] : memref<2048xf32, #tpu.memory_space<vmem>>[vector<16xi32>], vector<16xf32>,
          %mul3A_144 = arith.mulf %gather3A_142, %gather3A_143 : vector<16xf32>
          %mul3A_145 = arith.constant 16 : i32
          %mul3A_146 = arith.muli %add3A_122, %mul3A_145 : i32
          %add3A_147 = arith.constant 3 : i32
          %add3A_148 = arith.addi %mul3A_146, %add3A_147 : i32
          %broadcast_in_dim3A_149 = vector.broadcast %add3A_148 : i32 to vector<16xi32>
          %gather3A_150 = tpu.vector_load_idx %arg6[%iota3A, %broadcast_in_dim3A_149] : memref<16x2056xf32, #tpu.memory_space<vmem>>[vector<16xi32>, vector<16xi32>], vector<16xf32>,
          %gather3A_151 = tpu.vector_load_idx %arg8[%broadcast_in_dim3A_149] : memref<2048xf32, #tpu.memory_space<vmem>>[vector<16xi32>], vector<16xf32>,
          %mul3A_152 = arith.mulf %gather3A_150, %gather3A_151 : vector<16xf32>
          %mul3A_153 = arith.constant 16 : i32
          %mul3A_154 = arith.muli %add3A_122, %mul3A_153 : i32
          %add3A_155 = arith.constant 4 : i32
          %add3A_156 = arith.addi %mul3A_154, %add3A_155 : i32
          %broadcast_in_dim3A_157 = vector.broadcast %add3A_156 : i32 to vector<16xi32>
          %gather3A_158 = tpu.vector_load_idx %arg6[%iota3A, %broadcast_in_dim3A_157] : memref<16x2056xf32, #tpu.memory_space<vmem>>[vector<16xi32>, vector<16xi32>], vector<16xf32>,
          %gather3A_159 = tpu.vector_load_idx %arg8[%broadcast_in_dim3A_157] : memref<2048xf32, #tpu.memory_space<vmem>>[vector<16xi32>], vector<16xf32>,
          %mul3A_160 = arith.mulf %gather3A_158, %gather3A_159 : vector<16xf32>
          %mul3A_161 = arith.constant 16 : i32
          %mul3A_162 = arith.muli %add3A_122, %mul3A_161 : i32
          %add3A_163 = arith.constant 5 : i32
          %add3A_164 = arith.addi %mul3A_162, %add3A_163 : i32
          %broadcast_in_dim3A_165 = vector.broadcast %add3A_164 : i32 to vector<16xi32>
          %gather3A_166 = tpu.vector_load_idx %arg6[%iota3A, %broadcast_in_dim3A_165] : memref<16x2056xf32, #tpu.memory_space<vmem>>[vector<16xi32>, vector<16xi32>], vector<16xf32>,
          %gather3A_167 = tpu.vector_load_idx %arg8[%broadcast_in_dim3A_165] : memref<2048xf32, #tpu.memory_space<vmem>>[vector<16xi32>], vector<16xf32>,
          %mul3A_168 = arith.mulf %gather3A_166, %gather3A_167 : vector<16xf32>
          %mul3A_169 = arith.constant 16 : i32
          %mul3A_170 = arith.muli %add3A_122, %mul3A_169 : i32
          %add3A_171 = arith.constant 6 : i32
          %add3A_172 = arith.addi %mul3A_170, %add3A_171 : i32
          %broadcast_in_dim3A_173 = vector.broadcast %add3A_172 : i32 to vector<16xi32>
          %gather3A_174 = tpu.vector_load_idx %arg6[%iota3A, %broadcast_in_dim3A_173] : memref<16x2056xf32, #tpu.memory_space<vmem>>[vector<16xi32>, vector<16xi32>], vector<16xf32>,
          %gather3A_175 = tpu.vector_load_idx %arg8[%broadcast_in_dim3A_173] : memref<2048xf32, #tpu.memory_space<vmem>>[vector<16xi32>], vector<16xf32>,
          %mul3A_176 = arith.mulf %gather3A_174, %gather3A_175 : vector<16xf32>
          %mul3A_177 = arith.constant 16 : i32
          %mul3A_178 = arith.muli %add3A_122, %mul3A_177 : i32
          %add3A_179 = arith.constant 7 : i32
          %add3A_180 = arith.addi %mul3A_178, %add3A_179 : i32
          %broadcast_in_dim3A_181 = vector.broadcast %add3A_180 : i32 to vector<16xi32>
          %gather3A_182 = tpu.vector_load_idx %arg6[%iota3A, %broadcast_in_dim3A_181] : memref<16x2056xf32, #tpu.memory_space<vmem>>[vector<16xi32>, vector<16xi32>], vector<16xf32>,
          %gather3A_183 = tpu.vector_load_idx %arg8[%broadcast_in_dim3A_181] : memref<2048xf32, #tpu.memory_space<vmem>>[vector<16xi32>], vector<16xf32>,
          %mul3A_184 = arith.mulf %gather3A_182, %gather3A_183 : vector<16xf32>
          %mul3A_185 = arith.constant 16 : i32
          %mul3A_186 = arith.muli %add3A_122, %mul3A_185 : i32
          %add3A_187 = arith.constant 8 : i32
          %add3A_188 = arith.addi %mul3A_186, %add3A_187 : i32
          %broadcast_in_dim3A_189 = vector.broadcast %add3A_188 : i32 to vector<16xi32>
          %gather3A_190 = tpu.vector_load_idx %arg6[%iota3A, %broadcast_in_dim3A_189] : memref<16x2056xf32, #tpu.memory_space<vmem>>[vector<16xi32>, vector<16xi32>], vector<16xf32>,
          %gather3A_191 = tpu.vector_load_idx %arg8[%broadcast_in_dim3A_189] : memref<2048xf32, #tpu.memory_space<vmem>>[vector<16xi32>], vector<16xf32>,
          %mul3A_192 = arith.mulf %gather3A_190, %gather3A_191 : vector<16xf32>
          %mul3A_193 = arith.constant 16 : i32
          %mul3A_194 = arith.muli %add3A_122, %mul3A_193 : i32
          %add3A_195 = arith.constant 9 : i32
          %add3A_196 = arith.addi %mul3A_194, %add3A_195 : i32
          %broadcast_in_dim3A_197 = vector.broadcast %add3A_196 : i32 to vector<16xi32>
          %gather3A_198 = tpu.vector_load_idx %arg6[%iota3A, %broadcast_in_dim3A_197] : memref<16x2056xf32, #tpu.memory_space<vmem>>[vector<16xi32>, vector<16xi32>], vector<16xf32>,
          %gather3A_199 = tpu.vector_load_idx %arg8[%broadcast_in_dim3A_197] : memref<2048xf32, #tpu.memory_space<vmem>>[vector<16xi32>], vector<16xf32>,
          %mul3A_200 = arith.mulf %gather3A_198, %gather3A_199 : vector<16xf32>
          %mul3A_201 = arith.constant 16 : i32
          %mul3A_202 = arith.muli %add3A_122, %mul3A_201 : i32
          %add3A_203 = arith.constant 10 : i32
          %add3A_204 = arith.addi %mul3A_202, %add3A_203 : i32
          %broadcast_in_dim3A_205 = vector.broadcast %add3A_204 : i32 to vector<16xi32>
          %gather3A_206 = tpu.vector_load_idx %arg6[%iota3A, %broadcast_in_dim3A_205] : memref<16x2056xf32, #tpu.memory_space<vmem>>[vector<16xi32>, vector<16xi32>], vector<16xf32>,
          %gather3A_207 = tpu.vector_load_idx %arg8[%broadcast_in_dim3A_205] : memref<2048xf32, #tpu.memory_space<vmem>>[vector<16xi32>], vector<16xf32>,
          %mul3A_208 = arith.mulf %gather3A_206, %gather3A_207 : vector<16xf32>
          %mul3A_209 = arith.constant 16 : i32
          %mul3A_210 = arith.muli %add3A_122, %mul3A_209 : i32
          %add3A_211 = arith.constant 11 : i32
          %add3A_212 = arith.addi %mul3A_210, %add3A_211 : i32
          %broadcast_in_dim3A_213 = vector.broadcast %add3A_212 : i32 to vector<16xi32>
          %gather3A_214 = tpu.vector_load_idx %arg6[%iota3A, %broadcast_in_dim3A_213] : memref<16x2056xf32, #tpu.memory_space<vmem>>[vector<16xi32>, vector<16xi32>], vector<16xf32>,
          %gather3A_215 = tpu.vector_load_idx %arg8[%broadcast_in_dim3A_213] : memref<2048xf32, #tpu.memory_space<vmem>>[vector<16xi32>], vector<16xf32>,
          %mul3A_216 = arith.mulf %gather3A_214, %gather3A_215 : vector<16xf32>
          %mul3A_217 = arith.constant 16 : i32
          %mul3A_218 = arith.muli %add3A_122, %mul3A_217 : i32
          %add3A_219 = arith.constant 12 : i32
          %add3A_220 = arith.addi %mul3A_218, %add3A_219 : i32
          %broadcast_in_dim3A_221 = vector.broadcast %add3A_220 : i32 to vector<16xi32>
          %gather3A_222 = tpu.vector_load_idx %arg6[%iota3A, %broadcast_in_dim3A_221] : memref<16x2056xf32, #tpu.memory_space<vmem>>[vector<16xi32>, vector<16xi32>], vector<16xf32>,
          %gather3A_223 = tpu.vector_load_idx %arg8[%broadcast_in_dim3A_221] : memref<2048xf32, #tpu.memory_space<vmem>>[vector<16xi32>], vector<16xf32>,
          %mul3A_224 = arith.mulf %gather3A_222, %gather3A_223 : vector<16xf32>
          %mul3A_225 = arith.constant 16 : i32
          %mul3A_226 = arith.muli %add3A_122, %mul3A_225 : i32
          %add3A_227 = arith.constant 13 : i32
          %add3A_228 = arith.addi %mul3A_226, %add3A_227 : i32
          %broadcast_in_dim3A_229 = vector.broadcast %add3A_228 : i32 to vector<16xi32>
          %gather3A_230 = tpu.vector_load_idx %arg6[%iota3A, %broadcast_in_dim3A_229] : memref<16x2056xf32, #tpu.memory_space<vmem>>[vector<16xi32>, vector<16xi32>], vector<16xf32>,
          %gather3A_231 = tpu.vector_load_idx %arg8[%broadcast_in_dim3A_229] : memref<2048xf32, #tpu.memory_space<vmem>>[vector<16xi32>], vector<16xf32>,
          %mul3A_232 = arith.mulf %gather3A_230, %gather3A_231 : vector<16xf32>
          %mul3A_233 = arith.constant 16 : i32
          %mul3A_234 = arith.muli %add3A_122, %mul3A_233 : i32
          %add3A_235 = arith.constant 14 : i32
          %add3A_236 = arith.addi %mul3A_234, %add3A_235 : i32
          %broadcast_in_dim3A_237 = vector.broadcast %add3A_236 : i32 to vector<16xi32>
          %gather3A_238 = tpu.vector_load_idx %arg6[%iota3A, %broadcast_in_dim3A_237] : memref<16x2056xf32, #tpu.memory_space<vmem>>[vector<16xi32>, vector<16xi32>], vector<16xf32>,
          %gather3A_239 = tpu.vector_load_idx %arg8[%broadcast_in_dim3A_237] : memref<2048xf32, #tpu.memory_space<vmem>>[vector<16xi32>], vector<16xf32>,
          %mul3A_240 = arith.mulf %gather3A_238, %gather3A_239 : vector<16xf32>
          %mul3A_241 = arith.constant 16 : i32
          %mul3A_242 = arith.muli %add3A_122, %mul3A_241 : i32
          %add3A_243 = arith.constant 15 : i32
          %add3A_244 = arith.addi %mul3A_242, %add3A_243 : i32
          %broadcast_in_dim3A_245 = vector.broadcast %add3A_244 : i32 to vector<16xi32>
          %gather3A_246 = tpu.vector_load_idx %arg6[%iota3A, %broadcast_in_dim3A_245] : memref<16x2056xf32, #tpu.memory_space<vmem>>[vector<16xi32>, vector<16xi32>], vector<16xf32>,
          %gather3A_247 = tpu.vector_load_idx %arg8[%broadcast_in_dim3A_245] : memref<2048xf32, #tpu.memory_space<vmem>>[vector<16xi32>], vector<16xf32>,
          %mul3A_248 = arith.mulf %gather3A_246, %gather3A_247 : vector<16xf32>
          %add3A_249 = arith.addf %mul3A_128, %mul3A_160 : vector<16xf32>
          %add3A_250 = arith.addf %mul3A_192, %mul3A_224 : vector<16xf32>
          %add3A_251 = arith.addf %add3A_249, %add3A_250 : vector<16xf32>
          %add3A_252 = arith.addf %mul3A_136, %mul3A_168 : vector<16xf32>
          %add3A_253 = arith.addf %mul3A_200, %mul3A_232 : vector<16xf32>
          %add3A_254 = arith.addf %add3A_252, %add3A_253 : vector<16xf32>
          %add3A_255 = arith.addf %mul3A_144, %mul3A_176 : vector<16xf32>
          %add3A_256 = arith.addf %mul3A_208, %mul3A_240 : vector<16xf32>
          %add3A_257 = arith.addf %add3A_255, %add3A_256 : vector<16xf32>
          %add3A_258 = arith.addf %mul3A_152, %mul3A_184 : vector<16xf32>
          %add3A_259 = arith.addf %mul3A_216, %mul3A_248 : vector<16xf32>
          %add3A_260 = arith.addf %add3A_258, %add3A_259 : vector<16xf32>
          %broadcast_in_dim3A_261 = vector.broadcast %add3A_122 : i32 to vector<16xi32>
          %add3A_262 = arith.addi %mul3A_3, %broadcast_in_dim3A_261 : vector<16xi32>
          %add3A_263 = arith.addf %add3A_251, %add3A_254 : vector<16xf32>
          %add3A_264 = arith.addf %add3A_257, %add3A_260 : vector<16xf32>
          %add3A_265 = arith.addf %add3A_263, %add3A_264 : vector<16xf32>
          tpu.vector_store_idx %arg7[%add3A_262], %add3A_265 : memref<2048xf32, #tpu.memory_space<vmem>>[vector<16xi32>], vector<16xf32>,
          %mul3A_266 = arith.constant 4 : i32
          %mul3A_267 = arith.muli %scan3A_118, %mul3A_266 : i32
          %add3A_268 = arith.constant 1 : i32
          %add3A_269 = arith.addi %mul3A_267, %add3A_268 : i32
          %mul3A_270 = arith.constant 16 : i32
          %mul3A_271 = arith.muli %add3A_269, %mul3A_270 : i32
          %add3A_272 = arith.constant 0 : i32
          %add3A_273 = arith.addi %mul3A_271, %add3A_272 : i32
          %broadcast_in_dim3A_274 = vector.broadcast %add3A_273 : i32 to vector<16xi32>
          %gather3A_275 = tpu.vector_load_idx %arg6[%iota3A, %broadcast_in_dim3A_274] : memref<16x2056xf32, #tpu.memory_space<vmem>>[vector<16xi32>, vector<16xi32>], vector<16xf32>,
          %gather3A_276 = tpu.vector_load_idx %arg8[%broadcast_in_dim3A_274] : memref<2048xf32, #tpu.memory_space<vmem>>[vector<16xi32>], vector<16xf32>,
          %mul3A_277 = arith.mulf %gather3A_275, %gather3A_276 : vector<16xf32>
          %mul3A_278 = arith.constant 16 : i32
          %mul3A_279 = arith.muli %add3A_269, %mul3A_278 : i32
          %add3A_280 = arith.constant 1 : i32
          %add3A_281 = arith.addi %mul3A_279, %add3A_280 : i32
          %broadcast_in_dim3A_282 = vector.broadcast %add3A_281 : i32 to vector<16xi32>
          %gather3A_283 = tpu.vector_load_idx %arg6[%iota3A, %broadcast_in_dim3A_282] : memref<16x2056xf32, #tpu.memory_space<vmem>>[vector<16xi32>, vector<16xi32>], vector<16xf32>,
          %gather3A_284 = tpu.vector_load_idx %arg8[%broadcast_in_dim3A_282] : memref<2048xf32, #tpu.memory_space<vmem>>[vector<16xi32>], vector<16xf32>,
          %mul3A_285 = arith.mulf %gather3A_283, %gather3A_284 : vector<16xf32>
          %mul3A_286 = arith.constant 16 : i32
          %mul3A_287 = arith.muli %add3A_269, %mul3A_286 : i32
          %add3A_288 = arith.constant 2 : i32
          %add3A_289 = arith.addi %mul3A_287, %add3A_288 : i32
          %broadcast_in_dim3A_290 = vector.broadcast %add3A_289 : i32 to vector<16xi32>
          %gather3A_291 = tpu.vector_load_idx %arg6[%iota3A, %broadcast_in_dim3A_290] : memref<16x2056xf32, #tpu.memory_space<vmem>>[vector<16xi32>, vector<16xi32>], vector<16xf32>,
          %gather3A_292 = tpu.vector_load_idx %arg8[%broadcast_in_dim3A_290] : memref<2048xf32, #tpu.memory_space<vmem>>[vector<16xi32>], vector<16xf32>,
          %mul3A_293 = arith.mulf %gather3A_291, %gather3A_292 : vector<16xf32>
          %mul3A_294 = arith.constant 16 : i32
          %mul3A_295 = arith.muli %add3A_269, %mul3A_294 : i32
          %add3A_296 = arith.constant 3 : i32
          %add3A_297 = arith.addi %mul3A_295, %add3A_296 : i32
          %broadcast_in_dim3A_298 = vector.broadcast %add3A_297 : i32 to vector<16xi32>
          %gather3A_299 = tpu.vector_load_idx %arg6[%iota3A, %broadcast_in_dim3A_298] : memref<16x2056xf32, #tpu.memory_space<vmem>>[vector<16xi32>, vector<16xi32>], vector<16xf32>,
          %gather3A_300 = tpu.vector_load_idx %arg8[%broadcast_in_dim3A_298] : memref<2048xf32, #tpu.memory_space<vmem>>[vector<16xi32>], vector<16xf32>,
          %mul3A_301 = arith.mulf %gather3A_299, %gather3A_300 : vector<16xf32>
          %mul3A_302 = arith.constant 16 : i32
          %mul3A_303 = arith.muli %add3A_269, %mul3A_302 : i32
          %add3A_304 = arith.constant 4 : i32
          %add3A_305 = arith.addi %mul3A_303, %add3A_304 : i32
          %broadcast_in_dim3A_306 = vector.broadcast %add3A_305 : i32 to vector<16xi32>
          %gather3A_307 = tpu.vector_load_idx %arg6[%iota3A, %broadcast_in_dim3A_306] : memref<16x2056xf32, #tpu.memory_space<vmem>>[vector<16xi32>, vector<16xi32>], vector<16xf32>,
          %gather3A_308 = tpu.vector_load_idx %arg8[%broadcast_in_dim3A_306] : memref<2048xf32, #tpu.memory_space<vmem>>[vector<16xi32>], vector<16xf32>,
          %mul3A_309 = arith.mulf %gather3A_307, %gather3A_308 : vector<16xf32>
          %mul3A_310 = arith.constant 16 : i32
          %mul3A_311 = arith.muli %add3A_269, %mul3A_310 : i32
          %add3A_312 = arith.constant 5 : i32
          %add3A_313 = arith.addi %mul3A_311, %add3A_312 : i32
          %broadcast_in_dim3A_314 = vector.broadcast %add3A_313 : i32 to vector<16xi32>
          %gather3A_315 = tpu.vector_load_idx %arg6[%iota3A, %broadcast_in_dim3A_314] : memref<16x2056xf32, #tpu.memory_space<vmem>>[vector<16xi32>, vector<16xi32>], vector<16xf32>,
          %gather3A_316 = tpu.vector_load_idx %arg8[%broadcast_in_dim3A_314] : memref<2048xf32, #tpu.memory_space<vmem>>[vector<16xi32>], vector<16xf32>,
          %mul3A_317 = arith.mulf %gather3A_315, %gather3A_316 : vector<16xf32>
          %mul3A_318 = arith.constant 16 : i32
          %mul3A_319 = arith.muli %add3A_269, %mul3A_318 : i32
          %add3A_320 = arith.constant 6 : i32
          %add3A_321 = arith.addi %mul3A_319, %add3A_320 : i32
          %broadcast_in_dim3A_322 = vector.broadcast %add3A_321 : i32 to vector<16xi32>
          %gather3A_323 = tpu.vector_load_idx %arg6[%iota3A, %broadcast_in_dim3A_322] : memref<16x2056xf32, #tpu.memory_space<vmem>>[vector<16xi32>, vector<16xi32>], vector<16xf32>,
          %gather3A_324 = tpu.vector_load_idx %arg8[%broadcast_in_dim3A_322] : memref<2048xf32, #tpu.memory_space<vmem>>[vector<16xi32>], vector<16xf32>,
          %mul3A_325 = arith.mulf %gather3A_323, %gather3A_324 : vector<16xf32>
          %mul3A_326 = arith.constant 16 : i32
          %mul3A_327 = arith.muli %add3A_269, %mul3A_326 : i32
          %add3A_328 = arith.constant 7 : i32
          %add3A_329 = arith.addi %mul3A_327, %add3A_328 : i32
          %broadcast_in_dim3A_330 = vector.broadcast %add3A_329 : i32 to vector<16xi32>
          %gather3A_331 = tpu.vector_load_idx %arg6[%iota3A, %broadcast_in_dim3A_330] : memref<16x2056xf32, #tpu.memory_space<vmem>>[vector<16xi32>, vector<16xi32>], vector<16xf32>,
          %gather3A_332 = tpu.vector_load_idx %arg8[%broadcast_in_dim3A_330] : memref<2048xf32, #tpu.memory_space<vmem>>[vector<16xi32>], vector<16xf32>,
          %mul3A_333 = arith.mulf %gather3A_331, %gather3A_332 : vector<16xf32>
          %mul3A_334 = arith.constant 16 : i32
          %mul3A_335 = arith.muli %add3A_269, %mul3A_334 : i32
          %add3A_336 = arith.constant 8 : i32
          %add3A_337 = arith.addi %mul3A_335, %add3A_336 : i32
          %broadcast_in_dim3A_338 = vector.broadcast %add3A_337 : i32 to vector<16xi32>
          %gather3A_339 = tpu.vector_load_idx %arg6[%iota3A, %broadcast_in_dim3A_338] : memref<16x2056xf32, #tpu.memory_space<vmem>>[vector<16xi32>, vector<16xi32>], vector<16xf32>,
          %gather3A_340 = tpu.vector_load_idx %arg8[%broadcast_in_dim3A_338] : memref<2048xf32, #tpu.memory_space<vmem>>[vector<16xi32>], vector<16xf32>,
          %mul3A_341 = arith.mulf %gather3A_339, %gather3A_340 : vector<16xf32>
          %mul3A_342 = arith.constant 16 : i32
          %mul3A_343 = arith.muli %add3A_269, %mul3A_342 : i32
          %add3A_344 = arith.constant 9 : i32
          %add3A_345 = arith.addi %mul3A_343, %add3A_344 : i32
          %broadcast_in_dim3A_346 = vector.broadcast %add3A_345 : i32 to vector<16xi32>
          %gather3A_347 = tpu.vector_load_idx %arg6[%iota3A, %broadcast_in_dim3A_346] : memref<16x2056xf32, #tpu.memory_space<vmem>>[vector<16xi32>, vector<16xi32>], vector<16xf32>,
          %gather3A_348 = tpu.vector_load_idx %arg8[%broadcast_in_dim3A_346] : memref<2048xf32, #tpu.memory_space<vmem>>[vector<16xi32>], vector<16xf32>,
          %mul3A_349 = arith.mulf %gather3A_347, %gather3A_348 : vector<16xf32>
          %mul3A_350 = arith.constant 16 : i32
          %mul3A_351 = arith.muli %add3A_269, %mul3A_350 : i32
          %add3A_352 = arith.constant 10 : i32
          %add3A_353 = arith.addi %mul3A_351, %add3A_352 : i32
          %broadcast_in_dim3A_354 = vector.broadcast %add3A_353 : i32 to vector<16xi32>
          %gather3A_355 = tpu.vector_load_idx %arg6[%iota3A, %broadcast_in_dim3A_354] : memref<16x2056xf32, #tpu.memory_space<vmem>>[vector<16xi32>, vector<16xi32>], vector<16xf32>,
          %gather3A_356 = tpu.vector_load_idx %arg8[%broadcast_in_dim3A_354] : memref<2048xf32, #tpu.memory_space<vmem>>[vector<16xi32>], vector<16xf32>,
          %mul3A_357 = arith.mulf %gather3A_355, %gather3A_356 : vector<16xf32>
          %mul3A_358 = arith.constant 16 : i32
          %mul3A_359 = arith.muli %add3A_269, %mul3A_358 : i32
          %add3A_360 = arith.constant 11 : i32
          %add3A_361 = arith.addi %mul3A_359, %add3A_360 : i32
          %broadcast_in_dim3A_362 = vector.broadcast %add3A_361 : i32 to vector<16xi32>
          %gather3A_363 = tpu.vector_load_idx %arg6[%iota3A, %broadcast_in_dim3A_362] : memref<16x2056xf32, #tpu.memory_space<vmem>>[vector<16xi32>, vector<16xi32>], vector<16xf32>,
          %gather3A_364 = tpu.vector_load_idx %arg8[%broadcast_in_dim3A_362] : memref<2048xf32, #tpu.memory_space<vmem>>[vector<16xi32>], vector<16xf32>,
          %mul3A_365 = arith.mulf %gather3A_363, %gather3A_364 : vector<16xf32>
          %mul3A_366 = arith.constant 16 : i32
          %mul3A_367 = arith.muli %add3A_269, %mul3A_366 : i32
          %add3A_368 = arith.constant 12 : i32
          %add3A_369 = arith.addi %mul3A_367, %add3A_368 : i32
          %broadcast_in_dim3A_370 = vector.broadcast %add3A_369 : i32 to vector<16xi32>
          %gather3A_371 = tpu.vector_load_idx %arg6[%iota3A, %broadcast_in_dim3A_370] : memref<16x2056xf32, #tpu.memory_space<vmem>>[vector<16xi32>, vector<16xi32>], vector<16xf32>,
          %gather3A_372 = tpu.vector_load_idx %arg8[%broadcast_in_dim3A_370] : memref<2048xf32, #tpu.memory_space<vmem>>[vector<16xi32>], vector<16xf32>,
          %mul3A_373 = arith.mulf %gather3A_371, %gather3A_372 : vector<16xf32>
          %mul3A_374 = arith.constant 16 : i32
          %mul3A_375 = arith.muli %add3A_269, %mul3A_374 : i32
          %add3A_376 = arith.constant 13 : i32
          %add3A_377 = arith.addi %mul3A_375, %add3A_376 : i32
          %broadcast_in_dim3A_378 = vector.broadcast %add3A_377 : i32 to vector<16xi32>
          %gather3A_379 = tpu.vector_load_idx %arg6[%iota3A, %broadcast_in_dim3A_378] : memref<16x2056xf32, #tpu.memory_space<vmem>>[vector<16xi32>, vector<16xi32>], vector<16xf32>,
          %gather3A_380 = tpu.vector_load_idx %arg8[%broadcast_in_dim3A_378] : memref<2048xf32, #tpu.memory_space<vmem>>[vector<16xi32>], vector<16xf32>,
          %mul3A_381 = arith.mulf %gather3A_379, %gather3A_380 : vector<16xf32>
          %mul3A_382 = arith.constant 16 : i32
          %mul3A_383 = arith.muli %add3A_269, %mul3A_382 : i32
          %add3A_384 = arith.constant 14 : i32
          %add3A_385 = arith.addi %mul3A_383, %add3A_384 : i32
          %broadcast_in_dim3A_386 = vector.broadcast %add3A_385 : i32 to vector<16xi32>
          %gather3A_387 = tpu.vector_load_idx %arg6[%iota3A, %broadcast_in_dim3A_386] : memref<16x2056xf32, #tpu.memory_space<vmem>>[vector<16xi32>, vector<16xi32>], vector<16xf32>,
          %gather3A_388 = tpu.vector_load_idx %arg8[%broadcast_in_dim3A_386] : memref<2048xf32, #tpu.memory_space<vmem>>[vector<16xi32>], vector<16xf32>,
          %mul3A_389 = arith.mulf %gather3A_387, %gather3A_388 : vector<16xf32>
          %mul3A_390 = arith.constant 16 : i32
          %mul3A_391 = arith.muli %add3A_269, %mul3A_390 : i32
          %add3A_392 = arith.constant 15 : i32
          %add3A_393 = arith.addi %mul3A_391, %add3A_392 : i32
          %broadcast_in_dim3A_394 = vector.broadcast %add3A_393 : i32 to vector<16xi32>
          %gather3A_395 = tpu.vector_load_idx %arg6[%iota3A, %broadcast_in_dim3A_394] : memref<16x2056xf32, #tpu.memory_space<vmem>>[vector<16xi32>, vector<16xi32>], vector<16xf32>,
          %gather3A_396 = tpu.vector_load_idx %arg8[%broadcast_in_dim3A_394] : memref<2048xf32, #tpu.memory_space<vmem>>[vector<16xi32>], vector<16xf32>,
          %mul3A_397 = arith.mulf %gather3A_395, %gather3A_396 : vector<16xf32>
          %add3A_398 = arith.addf %mul3A_277, %mul3A_309 : vector<16xf32>
          %add3A_399 = arith.addf %mul3A_341, %mul3A_373 : vector<16xf32>
          %add3A_400 = arith.addf %add3A_398, %add3A_399 : vector<16xf32>
          %add3A_401 = arith.addf %mul3A_285, %mul3A_317 : vector<16xf32>
          %add3A_402 = arith.addf %mul3A_349, %mul3A_381 : vector<16xf32>
          %add3A_403 = arith.addf %add3A_401, %add3A_402 : vector<16xf32>
          %add3A_404 = arith.addf %mul3A_293, %mul3A_325 : vector<16xf32>
          %add3A_405 = arith.addf %mul3A_357, %mul3A_389 : vector<16xf32>
          %add3A_406 = arith.addf %add3A_404, %add3A_405 : vector<16xf32>
          %add3A_407 = arith.addf %mul3A_301, %mul3A_333 : vector<16xf32>
          %add3A_408 = arith.addf %mul3A_365, %mul3A_397 : vector<16xf32>
          %add3A_409 = arith.addf %add3A_407, %add3A_408 : vector<16xf32>
          %broadcast_in_dim3A_410 = vector.broadcast %add3A_269 : i32 to vector<16xi32>
          %add3A_411 = arith.addi %mul3A_3, %broadcast_in_dim3A_410 : vector<16xi32>
          %add3A_412 = arith.addf %add3A_400, %add3A_403 : vector<16xf32>
          %add3A_413 = arith.addf %add3A_406, %add3A_409 : vector<16xf32>
          %add3A_414 = arith.addf %add3A_412, %add3A_413 : vector<16xf32>
          tpu.vector_store_idx %arg7[%add3A_411], %add3A_414 : memref<2048xf32, #tpu.memory_space<vmem>>[vector<16xi32>], vector<16xf32>,
          %mul3A_415 = arith.constant 4 : i32
          %mul3A_416 = arith.muli %scan3A_118, %mul3A_415 : i32
          %add3A_417 = arith.constant 2 : i32
          %add3A_418 = arith.addi %mul3A_416, %add3A_417 : i32
          %mul3A_419 = arith.constant 16 : i32
          %mul3A_420 = arith.muli %add3A_418, %mul3A_419 : i32
          %add3A_421 = arith.constant 0 : i32
          %add3A_422 = arith.addi %mul3A_420, %add3A_421 : i32
          %broadcast_in_dim3A_423 = vector.broadcast %add3A_422 : i32 to vector<16xi32>
          %gather3A_424 = tpu.vector_load_idx %arg6[%iota3A, %broadcast_in_dim3A_423] : memref<16x2056xf32, #tpu.memory_space<vmem>>[vector<16xi32>, vector<16xi32>], vector<16xf32>,
          %gather3A_425 = tpu.vector_load_idx %arg8[%broadcast_in_dim3A_423] : memref<2048xf32, #tpu.memory_space<vmem>>[vector<16xi32>], vector<16xf32>,
          %mul3A_426 = arith.mulf %gather3A_424, %gather3A_425 : vector<16xf32>
          %mul3A_427 = arith.constant 16 : i32
          %mul3A_428 = arith.muli %add3A_418, %mul3A_427 : i32
          %add3A_429 = arith.constant 1 : i32
          %add3A_430 = arith.addi %mul3A_428, %add3A_429 : i32
          %broadcast_in_dim3A_431 = vector.broadcast %add3A_430 : i32 to vector<16xi32>
          %gather3A_432 = tpu.vector_load_idx %arg6[%iota3A, %broadcast_in_dim3A_431] : memref<16x2056xf32, #tpu.memory_space<vmem>>[vector<16xi32>, vector<16xi32>], vector<16xf32>,
          %gather3A_433 = tpu.vector_load_idx %arg8[%broadcast_in_dim3A_431] : memref<2048xf32, #tpu.memory_space<vmem>>[vector<16xi32>], vector<16xf32>,
          %mul3A_434 = arith.mulf %gather3A_432, %gather3A_433 : vector<16xf32>
          %mul3A_435 = arith.constant 16 : i32
          %mul3A_436 = arith.muli %add3A_418, %mul3A_435 : i32
          %add3A_437 = arith.constant 2 : i32
          %add3A_438 = arith.addi %mul3A_436, %add3A_437 : i32
          %broadcast_in_dim3A_439 = vector.broadcast %add3A_438 : i32 to vector<16xi32>
          %gather3A_440 = tpu.vector_load_idx %arg6[%iota3A, %broadcast_in_dim3A_439] : memref<16x2056xf32, #tpu.memory_space<vmem>>[vector<16xi32>, vector<16xi32>], vector<16xf32>,
          %gather3A_441 = tpu.vector_load_idx %arg8[%broadcast_in_dim3A_439] : memref<2048xf32, #tpu.memory_space<vmem>>[vector<16xi32>], vector<16xf32>,
          %mul3A_442 = arith.mulf %gather3A_440, %gather3A_441 : vector<16xf32>
          %mul3A_443 = arith.constant 16 : i32
          %mul3A_444 = arith.muli %add3A_418, %mul3A_443 : i32
          %add3A_445 = arith.constant 3 : i32
          %add3A_446 = arith.addi %mul3A_444, %add3A_445 : i32
          %broadcast_in_dim3A_447 = vector.broadcast %add3A_446 : i32 to vector<16xi32>
          %gather3A_448 = tpu.vector_load_idx %arg6[%iota3A, %broadcast_in_dim3A_447] : memref<16x2056xf32, #tpu.memory_space<vmem>>[vector<16xi32>, vector<16xi32>], vector<16xf32>,
          %gather3A_449 = tpu.vector_load_idx %arg8[%broadcast_in_dim3A_447] : memref<2048xf32, #tpu.memory_space<vmem>>[vector<16xi32>], vector<16xf32>,
          %mul3A_450 = arith.mulf %gather3A_448, %gather3A_449 : vector<16xf32>
          %mul3A_451 = arith.constant 16 : i32
          %mul3A_452 = arith.muli %add3A_418, %mul3A_451 : i32
          %add3A_453 = arith.constant 4 : i32
          %add3A_454 = arith.addi %mul3A_452, %add3A_453 : i32
          %broadcast_in_dim3A_455 = vector.broadcast %add3A_454 : i32 to vector<16xi32>
          %gather3A_456 = tpu.vector_load_idx %arg6[%iota3A, %broadcast_in_dim3A_455] : memref<16x2056xf32, #tpu.memory_space<vmem>>[vector<16xi32>, vector<16xi32>], vector<16xf32>,
          %gather3A_457 = tpu.vector_load_idx %arg8[%broadcast_in_dim3A_455] : memref<2048xf32, #tpu.memory_space<vmem>>[vector<16xi32>], vector<16xf32>,
          %mul3A_458 = arith.mulf %gather3A_456, %gather3A_457 : vector<16xf32>
          %mul3A_459 = arith.constant 16 : i32
          %mul3A_460 = arith.muli %add3A_418, %mul3A_459 : i32
          %add3A_461 = arith.constant 5 : i32
          %add3A_462 = arith.addi %mul3A_460, %add3A_461 : i32
          %broadcast_in_dim3A_463 = vector.broadcast %add3A_462 : i32 to vector<16xi32>
          %gather3A_464 = tpu.vector_load_idx %arg6[%iota3A, %broadcast_in_dim3A_463] : memref<16x2056xf32, #tpu.memory_space<vmem>>[vector<16xi32>, vector<16xi32>], vector<16xf32>,
          %gather3A_465 = tpu.vector_load_idx %arg8[%broadcast_in_dim3A_463] : memref<2048xf32, #tpu.memory_space<vmem>>[vector<16xi32>], vector<16xf32>,
          %mul3A_466 = arith.mulf %gather3A_464, %gather3A_465 : vector<16xf32>
          %mul3A_467 = arith.constant 16 : i32
          %mul3A_468 = arith.muli %add3A_418, %mul3A_467 : i32
          %add3A_469 = arith.constant 6 : i32
          %add3A_470 = arith.addi %mul3A_468, %add3A_469 : i32
          %broadcast_in_dim3A_471 = vector.broadcast %add3A_470 : i32 to vector<16xi32>
          %gather3A_472 = tpu.vector_load_idx %arg6[%iota3A, %broadcast_in_dim3A_471] : memref<16x2056xf32, #tpu.memory_space<vmem>>[vector<16xi32>, vector<16xi32>], vector<16xf32>,
          %gather3A_473 = tpu.vector_load_idx %arg8[%broadcast_in_dim3A_471] : memref<2048xf32, #tpu.memory_space<vmem>>[vector<16xi32>], vector<16xf32>,
          %mul3A_474 = arith.mulf %gather3A_472, %gather3A_473 : vector<16xf32>
          %mul3A_475 = arith.constant 16 : i32
          %mul3A_476 = arith.muli %add3A_418, %mul3A_475 : i32
          %add3A_477 = arith.constant 7 : i32
          %add3A_478 = arith.addi %mul3A_476, %add3A_477 : i32
          %broadcast_in_dim3A_479 = vector.broadcast %add3A_478 : i32 to vector<16xi32>
          %gather3A_480 = tpu.vector_load_idx %arg6[%iota3A, %broadcast_in_dim3A_479] : memref<16x2056xf32, #tpu.memory_space<vmem>>[vector<16xi32>, vector<16xi32>], vector<16xf32>,
          %gather3A_481 = tpu.vector_load_idx %arg8[%broadcast_in_dim3A_479] : memref<2048xf32, #tpu.memory_space<vmem>>[vector<16xi32>], vector<16xf32>,
          %mul3A_482 = arith.mulf %gather3A_480, %gather3A_481 : vector<16xf32>
          %mul3A_483 = arith.constant 16 : i32
          %mul3A_484 = arith.muli %add3A_418, %mul3A_483 : i32
          %add3A_485 = arith.constant 8 : i32
          %add3A_486 = arith.addi %mul3A_484, %add3A_485 : i32
          %broadcast_in_dim3A_487 = vector.broadcast %add3A_486 : i32 to vector<16xi32>
          %gather3A_488 = tpu.vector_load_idx %arg6[%iota3A, %broadcast_in_dim3A_487] : memref<16x2056xf32, #tpu.memory_space<vmem>>[vector<16xi32>, vector<16xi32>], vector<16xf32>,
          %gather3A_489 = tpu.vector_load_idx %arg8[%broadcast_in_dim3A_487] : memref<2048xf32, #tpu.memory_space<vmem>>[vector<16xi32>], vector<16xf32>,
          %mul3A_490 = arith.mulf %gather3A_488, %gather3A_489 : vector<16xf32>
          %mul3A_491 = arith.constant 16 : i32
          %mul3A_492 = arith.muli %add3A_418, %mul3A_491 : i32
          %add3A_493 = arith.constant 9 : i32
          %add3A_494 = arith.addi %mul3A_492, %add3A_493 : i32
          %broadcast_in_dim3A_495 = vector.broadcast %add3A_494 : i32 to vector<16xi32>
          %gather3A_496 = tpu.vector_load_idx %arg6[%iota3A, %broadcast_in_dim3A_495] : memref<16x2056xf32, #tpu.memory_space<vmem>>[vector<16xi32>, vector<16xi32>], vector<16xf32>,
          %gather3A_497 = tpu.vector_load_idx %arg8[%broadcast_in_dim3A_495] : memref<2048xf32, #tpu.memory_space<vmem>>[vector<16xi32>], vector<16xf32>,
          %mul3A_498 = arith.mulf %gather3A_496, %gather3A_497 : vector<16xf32>
          %mul3A_499 = arith.constant 16 : i32
          %mul3A_500 = arith.muli %add3A_418, %mul3A_499 : i32
          %add3A_501 = arith.constant 10 : i32
          %add3A_502 = arith.addi %mul3A_500, %add3A_501 : i32
          %broadcast_in_dim3A_503 = vector.broadcast %add3A_502 : i32 to vector<16xi32>
          %gather3A_504 = tpu.vector_load_idx %arg6[%iota3A, %broadcast_in_dim3A_503] : memref<16x2056xf32, #tpu.memory_space<vmem>>[vector<16xi32>, vector<16xi32>], vector<16xf32>,
          %gather3A_505 = tpu.vector_load_idx %arg8[%broadcast_in_dim3A_503] : memref<2048xf32, #tpu.memory_space<vmem>>[vector<16xi32>], vector<16xf32>,
          %mul3A_506 = arith.mulf %gather3A_504, %gather3A_505 : vector<16xf32>
          %mul3A_507 = arith.constant 16 : i32
          %mul3A_508 = arith.muli %add3A_418, %mul3A_507 : i32
          %add3A_509 = arith.constant 11 : i32
          %add3A_510 = arith.addi %mul3A_508, %add3A_509 : i32
          %broadcast_in_dim3A_511 = vector.broadcast %add3A_510 : i32 to vector<16xi32>
          %gather3A_512 = tpu.vector_load_idx %arg6[%iota3A, %broadcast_in_dim3A_511] : memref<16x2056xf32, #tpu.memory_space<vmem>>[vector<16xi32>, vector<16xi32>], vector<16xf32>,
          %gather3A_513 = tpu.vector_load_idx %arg8[%broadcast_in_dim3A_511] : memref<2048xf32, #tpu.memory_space<vmem>>[vector<16xi32>], vector<16xf32>,
          %mul3A_514 = arith.mulf %gather3A_512, %gather3A_513 : vector<16xf32>
          %mul3A_515 = arith.constant 16 : i32
          %mul3A_516 = arith.muli %add3A_418, %mul3A_515 : i32
          %add3A_517 = arith.constant 12 : i32
          %add3A_518 = arith.addi %mul3A_516, %add3A_517 : i32
          %broadcast_in_dim3A_519 = vector.broadcast %add3A_518 : i32 to vector<16xi32>
          %gather3A_520 = tpu.vector_load_idx %arg6[%iota3A, %broadcast_in_dim3A_519] : memref<16x2056xf32, #tpu.memory_space<vmem>>[vector<16xi32>, vector<16xi32>], vector<16xf32>,
          %gather3A_521 = tpu.vector_load_idx %arg8[%broadcast_in_dim3A_519] : memref<2048xf32, #tpu.memory_space<vmem>>[vector<16xi32>], vector<16xf32>,
          %mul3A_522 = arith.mulf %gather3A_520, %gather3A_521 : vector<16xf32>
          %mul3A_523 = arith.constant 16 : i32
          %mul3A_524 = arith.muli %add3A_418, %mul3A_523 : i32
          %add3A_525 = arith.constant 13 : i32
          %add3A_526 = arith.addi %mul3A_524, %add3A_525 : i32
          %broadcast_in_dim3A_527 = vector.broadcast %add3A_526 : i32 to vector<16xi32>
          %gather3A_528 = tpu.vector_load_idx %arg6[%iota3A, %broadcast_in_dim3A_527] : memref<16x2056xf32, #tpu.memory_space<vmem>>[vector<16xi32>, vector<16xi32>], vector<16xf32>,
          %gather3A_529 = tpu.vector_load_idx %arg8[%broadcast_in_dim3A_527] : memref<2048xf32, #tpu.memory_space<vmem>>[vector<16xi32>], vector<16xf32>,
          %mul3A_530 = arith.mulf %gather3A_528, %gather3A_529 : vector<16xf32>
          %mul3A_531 = arith.constant 16 : i32
          %mul3A_532 = arith.muli %add3A_418, %mul3A_531 : i32
          %add3A_533 = arith.constant 14 : i32
          %add3A_534 = arith.addi %mul3A_532, %add3A_533 : i32
          %broadcast_in_dim3A_535 = vector.broadcast %add3A_534 : i32 to vector<16xi32>
          %gather3A_536 = tpu.vector_load_idx %arg6[%iota3A, %broadcast_in_dim3A_535] : memref<16x2056xf32, #tpu.memory_space<vmem>>[vector<16xi32>, vector<16xi32>], vector<16xf32>,
          %gather3A_537 = tpu.vector_load_idx %arg8[%broadcast_in_dim3A_535] : memref<2048xf32, #tpu.memory_space<vmem>>[vector<16xi32>], vector<16xf32>,
          %mul3A_538 = arith.mulf %gather3A_536, %gather3A_537 : vector<16xf32>
          %mul3A_539 = arith.constant 16 : i32
          %mul3A_540 = arith.muli %add3A_418, %mul3A_539 : i32
          %add3A_541 = arith.constant 15 : i32
          %add3A_542 = arith.addi %mul3A_540, %add3A_541 : i32
          %broadcast_in_dim3A_543 = vector.broadcast %add3A_542 : i32 to vector<16xi32>
          %gather3A_544 = tpu.vector_load_idx %arg6[%iota3A, %broadcast_in_dim3A_543] : memref<16x2056xf32, #tpu.memory_space<vmem>>[vector<16xi32>, vector<16xi32>], vector<16xf32>,
          %gather3A_545 = tpu.vector_load_idx %arg8[%broadcast_in_dim3A_543] : memref<2048xf32, #tpu.memory_space<vmem>>[vector<16xi32>], vector<16xf32>,
          %mul3A_546 = arith.mulf %gather3A_544, %gather3A_545 : vector<16xf32>
          %add3A_547 = arith.addf %mul3A_426, %mul3A_458 : vector<16xf32>
          %add3A_548 = arith.addf %mul3A_490, %mul3A_522 : vector<16xf32>
          %add3A_549 = arith.addf %add3A_547, %add3A_548 : vector<16xf32>
          %add3A_550 = arith.addf %mul3A_434, %mul3A_466 : vector<16xf32>
          %add3A_551 = arith.addf %mul3A_498, %mul3A_530 : vector<16xf32>
          %add3A_552 = arith.addf %add3A_550, %add3A_551 : vector<16xf32>
          %add3A_553 = arith.addf %mul3A_442, %mul3A_474 : vector<16xf32>
          %add3A_554 = arith.addf %mul3A_506, %mul3A_538 : vector<16xf32>
          %add3A_555 = arith.addf %add3A_553, %add3A_554 : vector<16xf32>
          %add3A_556 = arith.addf %mul3A_450, %mul3A_482 : vector<16xf32>
          %add3A_557 = arith.addf %mul3A_514, %mul3A_546 : vector<16xf32>
          %add3A_558 = arith.addf %add3A_556, %add3A_557 : vector<16xf32>
          %broadcast_in_dim3A_559 = vector.broadcast %add3A_418 : i32 to vector<16xi32>
          %add3A_560 = arith.addi %mul3A_3, %broadcast_in_dim3A_559 : vector<16xi32>
          %add3A_561 = arith.addf %add3A_549, %add3A_552 : vector<16xf32>
          %add3A_562 = arith.addf %add3A_555, %add3A_558 : vector<16xf32>
          %add3A_563 = arith.addf %add3A_561, %add3A_562 : vector<16xf32>
          tpu.vector_store_idx %arg7[%add3A_560], %add3A_563 : memref<2048xf32, #tpu.memory_space<vmem>>[vector<16xi32>], vector<16xf32>,
          %mul3A_564 = arith.constant 4 : i32
          %mul3A_565 = arith.muli %scan3A_118, %mul3A_564 : i32
          %add3A_566 = arith.constant 3 : i32
          %add3A_567 = arith.addi %mul3A_565, %add3A_566 : i32
          %mul3A_568 = arith.constant 16 : i32
          %mul3A_569 = arith.muli %add3A_567, %mul3A_568 : i32
          %add3A_570 = arith.constant 0 : i32
          %add3A_571 = arith.addi %mul3A_569, %add3A_570 : i32
          %broadcast_in_dim3A_572 = vector.broadcast %add3A_571 : i32 to vector<16xi32>
          %gather3A_573 = tpu.vector_load_idx %arg6[%iota3A, %broadcast_in_dim3A_572] : memref<16x2056xf32, #tpu.memory_space<vmem>>[vector<16xi32>, vector<16xi32>], vector<16xf32>,
          %gather3A_574 = tpu.vector_load_idx %arg8[%broadcast_in_dim3A_572] : memref<2048xf32, #tpu.memory_space<vmem>>[vector<16xi32>], vector<16xf32>,
          %mul3A_575 = arith.mulf %gather3A_573, %gather3A_574 : vector<16xf32>
          %mul3A_576 = arith.constant 16 : i32
          %mul3A_577 = arith.muli %add3A_567, %mul3A_576 : i32
          %add3A_578 = arith.constant 1 : i32
          %add3A_579 = arith.addi %mul3A_577, %add3A_578 : i32
          %broadcast_in_dim3A_580 = vector.broadcast %add3A_579 : i32 to vector<16xi32>
          %gather3A_581 = tpu.vector_load_idx %arg6[%iota3A, %broadcast_in_dim3A_580] : memref<16x2056xf32, #tpu.memory_space<vmem>>[vector<16xi32>, vector<16xi32>], vector<16xf32>,
          %gather3A_582 = tpu.vector_load_idx %arg8[%broadcast_in_dim3A_580] : memref<2048xf32, #tpu.memory_space<vmem>>[vector<16xi32>], vector<16xf32>,
          %mul3A_583 = arith.mulf %gather3A_581, %gather3A_582 : vector<16xf32>
          %mul3A_584 = arith.constant 16 : i32
          %mul3A_585 = arith.muli %add3A_567, %mul3A_584 : i32
          %add3A_586 = arith.constant 2 : i32
          %add3A_587 = arith.addi %mul3A_585, %add3A_586 : i32
          %broadcast_in_dim3A_588 = vector.broadcast %add3A_587 : i32 to vector<16xi32>
          %gather3A_589 = tpu.vector_load_idx %arg6[%iota3A, %broadcast_in_dim3A_588] : memref<16x2056xf32, #tpu.memory_space<vmem>>[vector<16xi32>, vector<16xi32>], vector<16xf32>,
          %gather3A_590 = tpu.vector_load_idx %arg8[%broadcast_in_dim3A_588] : memref<2048xf32, #tpu.memory_space<vmem>>[vector<16xi32>], vector<16xf32>,
          %mul3A_591 = arith.mulf %gather3A_589, %gather3A_590 : vector<16xf32>
          %mul3A_592 = arith.constant 16 : i32
          %mul3A_593 = arith.muli %add3A_567, %mul3A_592 : i32
          %add3A_594 = arith.constant 3 : i32
          %add3A_595 = arith.addi %mul3A_593, %add3A_594 : i32
          %broadcast_in_dim3A_596 = vector.broadcast %add3A_595 : i32 to vector<16xi32>
          %gather3A_597 = tpu.vector_load_idx %arg6[%iota3A, %broadcast_in_dim3A_596] : memref<16x2056xf32, #tpu.memory_space<vmem>>[vector<16xi32>, vector<16xi32>], vector<16xf32>,
          %gather3A_598 = tpu.vector_load_idx %arg8[%broadcast_in_dim3A_596] : memref<2048xf32, #tpu.memory_space<vmem>>[vector<16xi32>], vector<16xf32>,
          %mul3A_599 = arith.mulf %gather3A_597, %gather3A_598 : vector<16xf32>
          %mul3A_600 = arith.constant 16 : i32
          %mul3A_601 = arith.muli %add3A_567, %mul3A_600 : i32
          %add3A_602 = arith.constant 4 : i32
          %add3A_603 = arith.addi %mul3A_601, %add3A_602 : i32
          %broadcast_in_dim3A_604 = vector.broadcast %add3A_603 : i32 to vector<16xi32>
          %gather3A_605 = tpu.vector_load_idx %arg6[%iota3A, %broadcast_in_dim3A_604] : memref<16x2056xf32, #tpu.memory_space<vmem>>[vector<16xi32>, vector<16xi32>], vector<16xf32>,
          %gather3A_606 = tpu.vector_load_idx %arg8[%broadcast_in_dim3A_604] : memref<2048xf32, #tpu.memory_space<vmem>>[vector<16xi32>], vector<16xf32>,
          %mul3A_607 = arith.mulf %gather3A_605, %gather3A_606 : vector<16xf32>
          %mul3A_608 = arith.constant 16 : i32
          %mul3A_609 = arith.muli %add3A_567, %mul3A_608 : i32
          %add3A_610 = arith.constant 5 : i32
          %add3A_611 = arith.addi %mul3A_609, %add3A_610 : i32
          %broadcast_in_dim3A_612 = vector.broadcast %add3A_611 : i32 to vector<16xi32>
          %gather3A_613 = tpu.vector_load_idx %arg6[%iota3A, %broadcast_in_dim3A_612] : memref<16x2056xf32, #tpu.memory_space<vmem>>[vector<16xi32>, vector<16xi32>], vector<16xf32>,
          %gather3A_614 = tpu.vector_load_idx %arg8[%broadcast_in_dim3A_612] : memref<2048xf32, #tpu.memory_space<vmem>>[vector<16xi32>], vector<16xf32>,
          %mul3A_615 = arith.mulf %gather3A_613, %gather3A_614 : vector<16xf32>
          %mul3A_616 = arith.constant 16 : i32
          %mul3A_617 = arith.muli %add3A_567, %mul3A_616 : i32
          %add3A_618 = arith.constant 6 : i32
          %add3A_619 = arith.addi %mul3A_617, %add3A_618 : i32
          %broadcast_in_dim3A_620 = vector.broadcast %add3A_619 : i32 to vector<16xi32>
          %gather3A_621 = tpu.vector_load_idx %arg6[%iota3A, %broadcast_in_dim3A_620] : memref<16x2056xf32, #tpu.memory_space<vmem>>[vector<16xi32>, vector<16xi32>], vector<16xf32>,
          %gather3A_622 = tpu.vector_load_idx %arg8[%broadcast_in_dim3A_620] : memref<2048xf32, #tpu.memory_space<vmem>>[vector<16xi32>], vector<16xf32>,
          %mul3A_623 = arith.mulf %gather3A_621, %gather3A_622 : vector<16xf32>
          %mul3A_624 = arith.constant 16 : i32
          %mul3A_625 = arith.muli %add3A_567, %mul3A_624 : i32
          %add3A_626 = arith.constant 7 : i32
          %add3A_627 = arith.addi %mul3A_625, %add3A_626 : i32
          %broadcast_in_dim3A_628 = vector.broadcast %add3A_627 : i32 to vector<16xi32>
          %gather3A_629 = tpu.vector_load_idx %arg6[%iota3A, %broadcast_in_dim3A_628] : memref<16x2056xf32, #tpu.memory_space<vmem>>[vector<16xi32>, vector<16xi32>], vector<16xf32>,
          %gather3A_630 = tpu.vector_load_idx %arg8[%broadcast_in_dim3A_628] : memref<2048xf32, #tpu.memory_space<vmem>>[vector<16xi32>], vector<16xf32>,
          %mul3A_631 = arith.mulf %gather3A_629, %gather3A_630 : vector<16xf32>
          %mul3A_632 = arith.constant 16 : i32
          %mul3A_633 = arith.muli %add3A_567, %mul3A_632 : i32
          %add3A_634 = arith.constant 8 : i32
          %add3A_635 = arith.addi %mul3A_633, %add3A_634 : i32
          %broadcast_in_dim3A_636 = vector.broadcast %add3A_635 : i32 to vector<16xi32>
          %gather3A_637 = tpu.vector_load_idx %arg6[%iota3A, %broadcast_in_dim3A_636] : memref<16x2056xf32, #tpu.memory_space<vmem>>[vector<16xi32>, vector<16xi32>], vector<16xf32>,
          %gather3A_638 = tpu.vector_load_idx %arg8[%broadcast_in_dim3A_636] : memref<2048xf32, #tpu.memory_space<vmem>>[vector<16xi32>], vector<16xf32>,
          %mul3A_639 = arith.mulf %gather3A_637, %gather3A_638 : vector<16xf32>
          %mul3A_640 = arith.constant 16 : i32
          %mul3A_641 = arith.muli %add3A_567, %mul3A_640 : i32
          %add3A_642 = arith.constant 9 : i32
          %add3A_643 = arith.addi %mul3A_641, %add3A_642 : i32
          %broadcast_in_dim3A_644 = vector.broadcast %add3A_643 : i32 to vector<16xi32>
          %gather3A_645 = tpu.vector_load_idx %arg6[%iota3A, %broadcast_in_dim3A_644] : memref<16x2056xf32, #tpu.memory_space<vmem>>[vector<16xi32>, vector<16xi32>], vector<16xf32>,
          %gather3A_646 = tpu.vector_load_idx %arg8[%broadcast_in_dim3A_644] : memref<2048xf32, #tpu.memory_space<vmem>>[vector<16xi32>], vector<16xf32>,
          %mul3A_647 = arith.mulf %gather3A_645, %gather3A_646 : vector<16xf32>
          %mul3A_648 = arith.constant 16 : i32
          %mul3A_649 = arith.muli %add3A_567, %mul3A_648 : i32
          %add3A_650 = arith.constant 10 : i32
          %add3A_651 = arith.addi %mul3A_649, %add3A_650 : i32
          %broadcast_in_dim3A_652 = vector.broadcast %add3A_651 : i32 to vector<16xi32>
          %gather3A_653 = tpu.vector_load_idx %arg6[%iota3A, %broadcast_in_dim3A_652] : memref<16x2056xf32, #tpu.memory_space<vmem>>[vector<16xi32>, vector<16xi32>], vector<16xf32>,
          %gather3A_654 = tpu.vector_load_idx %arg8[%broadcast_in_dim3A_652] : memref<2048xf32, #tpu.memory_space<vmem>>[vector<16xi32>], vector<16xf32>,
          %mul3A_655 = arith.mulf %gather3A_653, %gather3A_654 : vector<16xf32>
          %mul3A_656 = arith.constant 16 : i32
          %mul3A_657 = arith.muli %add3A_567, %mul3A_656 : i32
          %add3A_658 = arith.constant 11 : i32
          %add3A_659 = arith.addi %mul3A_657, %add3A_658 : i32
          %broadcast_in_dim3A_660 = vector.broadcast %add3A_659 : i32 to vector<16xi32>
          %gather3A_661 = tpu.vector_load_idx %arg6[%iota3A, %broadcast_in_dim3A_660] : memref<16x2056xf32, #tpu.memory_space<vmem>>[vector<16xi32>, vector<16xi32>], vector<16xf32>,
          %gather3A_662 = tpu.vector_load_idx %arg8[%broadcast_in_dim3A_660] : memref<2048xf32, #tpu.memory_space<vmem>>[vector<16xi32>], vector<16xf32>,
          %mul3A_663 = arith.mulf %gather3A_661, %gather3A_662 : vector<16xf32>
          %mul3A_664 = arith.constant 16 : i32
          %mul3A_665 = arith.muli %add3A_567, %mul3A_664 : i32
          %add3A_666 = arith.constant 12 : i32
          %add3A_667 = arith.addi %mul3A_665, %add3A_666 : i32
          %broadcast_in_dim3A_668 = vector.broadcast %add3A_667 : i32 to vector<16xi32>
          %gather3A_669 = tpu.vector_load_idx %arg6[%iota3A, %broadcast_in_dim3A_668] : memref<16x2056xf32, #tpu.memory_space<vmem>>[vector<16xi32>, vector<16xi32>], vector<16xf32>,
          %gather3A_670 = tpu.vector_load_idx %arg8[%broadcast_in_dim3A_668] : memref<2048xf32, #tpu.memory_space<vmem>>[vector<16xi32>], vector<16xf32>,
          %mul3A_671 = arith.mulf %gather3A_669, %gather3A_670 : vector<16xf32>
          %mul3A_672 = arith.constant 16 : i32
          %mul3A_673 = arith.muli %add3A_567, %mul3A_672 : i32
          %add3A_674 = arith.constant 13 : i32
          %add3A_675 = arith.addi %mul3A_673, %add3A_674 : i32
          %broadcast_in_dim3A_676 = vector.broadcast %add3A_675 : i32 to vector<16xi32>
          %gather3A_677 = tpu.vector_load_idx %arg6[%iota3A, %broadcast_in_dim3A_676] : memref<16x2056xf32, #tpu.memory_space<vmem>>[vector<16xi32>, vector<16xi32>], vector<16xf32>,
          %gather3A_678 = tpu.vector_load_idx %arg8[%broadcast_in_dim3A_676] : memref<2048xf32, #tpu.memory_space<vmem>>[vector<16xi32>], vector<16xf32>,
          %mul3A_679 = arith.mulf %gather3A_677, %gather3A_678 : vector<16xf32>
          %mul3A_680 = arith.constant 16 : i32
          %mul3A_681 = arith.muli %add3A_567, %mul3A_680 : i32
          %add3A_682 = arith.constant 14 : i32
          %add3A_683 = arith.addi %mul3A_681, %add3A_682 : i32
          %broadcast_in_dim3A_684 = vector.broadcast %add3A_683 : i32 to vector<16xi32>
          %gather3A_685 = tpu.vector_load_idx %arg6[%iota3A, %broadcast_in_dim3A_684] : memref<16x2056xf32, #tpu.memory_space<vmem>>[vector<16xi32>, vector<16xi32>], vector<16xf32>,
          %gather3A_686 = tpu.vector_load_idx %arg8[%broadcast_in_dim3A_684] : memref<2048xf32, #tpu.memory_space<vmem>>[vector<16xi32>], vector<16xf32>,
          %mul3A_687 = arith.mulf %gather3A_685, %gather3A_686 : vector<16xf32>
          %mul3A_688 = arith.constant 16 : i32
          %mul3A_689 = arith.muli %add3A_567, %mul3A_688 : i32
          %add3A_690 = arith.constant 15 : i32
          %add3A_691 = arith.addi %mul3A_689, %add3A_690 : i32
          %broadcast_in_dim3A_692 = vector.broadcast %add3A_691 : i32 to vector<16xi32>
          %gather3A_693 = tpu.vector_load_idx %arg6[%iota3A, %broadcast_in_dim3A_692] : memref<16x2056xf32, #tpu.memory_space<vmem>>[vector<16xi32>, vector<16xi32>], vector<16xf32>,
          %gather3A_694 = tpu.vector_load_idx %arg8[%broadcast_in_dim3A_692] : memref<2048xf32, #tpu.memory_space<vmem>>[vector<16xi32>], vector<16xf32>,
          %mul3A_695 = arith.mulf %gather3A_693, %gather3A_694 : vector<16xf32>
          %add3A_696 = arith.addf %mul3A_575, %mul3A_607 : vector<16xf32>
          %add3A_697 = arith.addf %mul3A_639, %mul3A_671 : vector<16xf32>
          %add3A_698 = arith.addf %add3A_696, %add3A_697 : vector<16xf32>
          %add3A_699 = arith.addf %mul3A_583, %mul3A_615 : vector<16xf32>
          %add3A_700 = arith.addf %mul3A_647, %mul3A_679 : vector<16xf32>
          %add3A_701 = arith.addf %add3A_699, %add3A_700 : vector<16xf32>
          %add3A_702 = arith.addf %mul3A_591, %mul3A_623 : vector<16xf32>
          %add3A_703 = arith.addf %mul3A_655, %mul3A_687 : vector<16xf32>
          %add3A_704 = arith.addf %add3A_702, %add3A_703 : vector<16xf32>
          %add3A_705 = arith.addf %mul3A_599, %mul3A_631 : vector<16xf32>
          %add3A_706 = arith.addf %mul3A_663, %mul3A_695 : vector<16xf32>
          %add3A_707 = arith.addf %add3A_705, %add3A_706 : vector<16xf32>
          %broadcast_in_dim3A_708 = vector.broadcast %add3A_567 : i32 to vector<16xi32>
          %add3A_709 = arith.addi %mul3A_3, %broadcast_in_dim3A_708 : vector<16xi32>
          %add3A_710 = arith.addf %add3A_698, %add3A_701 : vector<16xf32>
          %add3A_711 = arith.addf %add3A_704, %add3A_707 : vector<16xf32>
          %add3A_712 = arith.addf %add3A_710, %add3A_711 : vector<16xf32>
          tpu.vector_store_idx %arg7[%add3A_709], %add3A_712 : memref<2048xf32, #tpu.memory_space<vmem>>[vector<16xi32>], vector<16xf32>,
        }
        %scan3A_107 = arith.constant 32 : i32
        %mul3A_108 = arith.constant 16 : i32
        %mul3A_109 = arith.muli %add3A_86, %mul3A_108 : i32
        %mul3A_110 = arith.constant 128 : i32
        %mul3A_111 = arith.muli %mul3A_109, %mul3A_110 : i32
        "tpu.region"() ({
          %run_scoped3A = tpu.sem_alloc : memref<!tpu.dma_semaphore, #tpu.memory_space<semaphore_mem>>
          %dma_start3A = tpu.memref_slice %arg4[%mul3A_111] : memref<65536xf32, #tpu.memory_space<hbm>> -> memref<2048xf32, #tpu.memory_space<hbm>>
          %dma_start3A_118 = tpu.memref_slice %arg4[%mul3A_111] : memref<65536xf32, #tpu.memory_space<hbm>> -> memref<2048xf32, #tpu.memory_space<hbm>>
          tpu.enqueue_dma source(%arg7 : memref<2048xf32, #tpu.memory_space<vmem>>) target(%dma_start3A_118 : memref<2048xf32, #tpu.memory_space<hbm>>) target_semaphore(%run_scoped3A : memref<!tpu.dma_semaphore, #tpu.memory_space<semaphore_mem>>)
          %dma_wait3A_119 = tpu.memref_slice %arg4[%mul3A_111] : memref<65536xf32, #tpu.memory_space<hbm>> -> memref<2048xf32, #tpu.memory_space<hbm>>
          %dma_wait3A_120 = tpu.memref_slice %arg4[%mul3A_111] : memref<65536xf32, #tpu.memory_space<hbm>> -> memref<2048xf32, #tpu.memory_space<hbm>>
          tpu.wait_dma2 semaphore(%run_scoped3A : memref<!tpu.dma_semaphore, #tpu.memory_space<semaphore_mem>>) src(%arg7 : memref<2048xf32, #tpu.memory_space<vmem>>) dst(%dma_wait3A_120 : memref<2048xf32, #tpu.memory_space<hbm>>)
          tpu.yield
        }) : () -> ()
        %add3A_112 = arith.constant 2 : i32
        %add3A_113 = arith.addi %add3A_79, %add3A_112 : i32
        %lt3A_114 = arith.cmpi slt, %add3A_113, %select_n3A : i32
        %convert_element_type3A_115 = arith.extui %lt3A_114 : i1 to i32
        %cond3A_116 = arith.constant 0 : i32
        %cond3A_117 = arith.cmpi ne, %convert_element_type3A_115, %cond3A_116 : i32
        scf.if %cond3A_117 {
          %add3A_118 = arith.constant 2 : i32
          %add3A_119 = arith.addi %add3A_79, %add3A_118 : i32
          %mul3A_120 = arith.constant 32 : i32
          %mul3A_121 = arith.muli %add3A_119, %mul3A_120 : i32
          %add3A_122 = arith.addi %add3A, %mul3A_121 : i32
          %mul3A_123 = arith.constant 16 : i32
          %mul3A_124 = arith.muli %add3A_122, %mul3A_123 : i32
          %add3A_125 = arith.constant 23488 : i32
          %add3A_126 = arith.addi %add3A_125, %mul3A_124 : i32
          %dma_start3A = arith.constant 0 : i32
          %dma_start3A_127 = arith.constant 0 : i32
          %dma_start3A_128 = tpu.memref_slice %arg6[%dma_start3A, %dma_start3A_127] : memref<16x2056xf32, #tpu.memory_space<vmem>> -> memref<16x2048xf32, #tpu.memory_space<vmem>>
          %dma_start3A_129 = arith.constant 0 : i32
          %dma_start3A_130 = tpu.memref_slice %arg2[%add3A_126, %dma_start3A_129] : memref<24000x2048xf32, #tpu.memory_space<hbm>> -> memref<16x2048xf32, #tpu.memory_space<hbm>>
          %dma_start3A_131 = arith.constant 0 : i32
          %dma_start3A_132 = arith.constant 0 : i32
          %dma_start3A_133 = tpu.memref_slice %arg6[%dma_start3A_131, %dma_start3A_132] : memref<16x2056xf32, #tpu.memory_space<vmem>> -> memref<16x2048xf32, #tpu.memory_space<vmem>>
          %dma_start3A_134 = arith.constant 0 : i32
          %dma_start3A_135 = tpu.memref_slice %arg2[%add3A_126, %dma_start3A_134] : memref<24000x2048xf32, #tpu.memory_space<hbm>> -> memref<16x2048xf32, #tpu.memory_space<hbm>>
          tpu.enqueue_dma source(%dma_start3A_135 : memref<16x2048xf32, #tpu.memory_space<hbm>>) target(%dma_start3A_133 : memref<16x2048xf32, #tpu.memory_space<vmem>>) target_semaphore(%arg10 : memref<!tpu.dma_semaphore, #tpu.memory_space<semaphore_mem>>)
        } else {
        }
      } else {
      }
    }
    return
  }
}

module attributes {stable_mosaic.version = 14 : i64} {
  func.func @_tc_kernel(%arg0: i32, %arg1: memref<1600x2048xf32, #tpu.memory_space<vmem>>, %arg2: memref<2048x128xf32, #tpu.memory_space<vmem>>, %arg3: memref<1600x128xf32, #tpu.memory_space<vmem>>) attributes {dimension_semantics = [#tpu.dimension_semantics<arbitrary>], iteration_bounds = array<i64: 15>, scalar_prefetch = 0 : i64, scratch_operands = 0 : i64, tpu.core_type = #tpu.core_type<tc>, window_params = [{transform_indices = @transform_0, window_bounds = array<i64: 1600, 2048>}, {pipeline_mode = #tpu.pipeline_mode<synchronous>, transform_indices = @transform_1, window_bounds = array<i64: 2048, 128>}, {transform_indices = @transform_2, window_bounds = array<i64: 1600, 128>}]} {
    %get3A = arith.constant 0 : index
    %get3A_0 = arith.constant 0 : index
    %get3A_1 = vector.load %arg1[%get3A, %get3A_0] : memref<1600x2048xf32, #tpu.memory_space<vmem>>, vector<1600x2048xf32>
    %get3A_2 = arith.constant 0 : index
    %get3A_3 = arith.constant 0 : index
    %get3A_4 = vector.load %arg2[%get3A_2, %get3A_3] : memref<2048x128xf32, #tpu.memory_space<vmem>>, vector<2048x128xf32>
    %dot_general3A = arith.constant dense<0.000000e+00> : vector<1600x128xf32>
    %dot_general3A_5 = tpu.matmul %get3A_1, %get3A_4, %dot_general3A {dimension_numbers = #tpu.dot_dimension_numbers<[1], [0], [0], [1], [0, 0, 1, 1], [], []>, transpose_lhs_hint = false} : vector<1600x2048xf32>, vector<2048x128xf32>, vector<1600x128xf32> -> vector<1600x128xf32>
    %swap3A = arith.constant 0 : index
    %swap3A_6 = arith.constant 0 : index
    %swap3A_7 = vector.load %arg3[%swap3A, %swap3A_6] : memref<1600x128xf32, #tpu.memory_space<vmem>>, vector<1600x128xf32>
    tpu.vector_store %arg3[%swap3A, %swap3A_6], %dot_general3A_5 {strides = array<i32>} : memref<1600x128xf32, #tpu.memory_space<vmem>>, vector<1600x128xf32>,
    return
  }
  func.func @transform_0(%arg0: i32) -> (i32, i32) {
    %c0_i32 = arith.constant 0 : i32
    %c0_i32_0 = arith.constant 0 : i32
    return %arg0, %c0_i32 : i32, i32
  }
  func.func @transform_1(%arg0: i32) -> (i32, i32) {
    %c0_i32 = arith.constant 0 : i32
    %c0_i32_0 = arith.constant 0 : i32
    %c0_i32_1 = arith.constant 0 : i32
    return %c0_i32, %c0_i32_0 : i32, i32
  }
  func.func @transform_2(%arg0: i32) -> (i32, i32) {
    %c0_i32 = arith.constant 0 : i32
    %c0_i32_0 = arith.constant 0 : i32
    return %arg0, %c0_i32 : i32, i32
  }
}

</mosaic_0001>

<sc_bundles>
// kernel: kernel.4.cloned.1.call-start
scs
__scs_entry_jumppad:
0x0: {  	(pc) =	sbr.rel $0x88, $3  }
0x1: {  	(tag) =	ssettag $0x0;
	lr =	simm.s32 $0x1  }
0x2: {  	[smem:$0x3F9F] =	sst lr;
	_ =	strace $0xD0000000  }
0x3: {  	_ = 	snop  }
0x4: {  	_ = 	snop  }
0x5: {  	_ = 	snop  }
0x6: {  	_ = 	snop  }
0x7: {  	_ = 	snop  }
__scs_overlays_trampoline_lowered:
0x8: {  	[smem:$0x3FAE] =	sst s0  }
0x9: {  	[smem:$0x3FAF] =	sst s1  }
0xa: {  	[smem:$0x3FB0] =	sst s2  }
0xb: {  	[smem:$0x3FB1] =	sst s3  }
0xc: {  	[smem:$0x3FB2] =	sst s4  }
0xd: {  	[smem:$0x3FB3] =	sst s5  }
0xe: {  	[smem:$0x3FB4] =	sst s6  }
0xf: {  	[smem:$0x3FB5] =	sst s7  }
0x10: {  	[smem:$0x3FB6] =	sst s8  }
0x11: {  	[smem:$0x3FB7] =	sst s9;
	s0 =	simm.s32 @!p0 $0x0  }
0x12: {  	s1 =	sld [smem:$0x3F9D];
	s0 =	simm.s32 @p0 $0x1  }
0x13: {  	[smem:$0x3FB8] =	sst s0;
	s0 =	simm.s32 @!p1 $0x0  }
0x14: {  	s2 =	sld [smem:$0x3F9C];
	s0 =	simm.s32 @p1 $0x1  }
0x15: {  	[smem:$0x3FB9] =	sst s0;
	s0 =	simm.s32 @!p2 $0x0  }
0x16: {  	s3 =	sld [smem:$0x3FDB];
	s0 =	simm.s32 @p2 $0x1  }
0x17: {  	s4 =	simm.s32 $0x1BF5;
	[smem:$0x3FBB] =	sst s0  }
0x18: {  	s0 =	sld [smem:$0x3F9E];
	_ =	swait.ge [sflag:s4], $0x0  }
0x19: {  	s7 =	sld [smem:$0x3F9F]  }
0x1a: {  	s8 =	sadd.s32 $0xFFFFE003, lr  }
0x1b: {  	s9 =	sadd.s32 $0xFFFFFEF7, lr;
	s5 =	simm.s32 $0xFFFFFFFF;
	p2 =	slt.u32 s8, $0xFFFFF086  }
0x1c: {  	p1 =	slt.u32 s9, $0xF7A;
	s5 =	simm.s32 @!p2 $0x0  }
0x1d: {  	s5 =	simm.s32 @p1 $0x1;
	p0 =	seq.s32 s7, s2  }
0x1e: {  	s7 =	smul.u32 @!p0 $0xF7A, s2;
	p2 =	seq.s32 @!p0 s5, $0x0  }
0x1f: {  	s9 =	smul.u32 $0xF7A, s1;
	s8 =	simm.s32 @!p0 $0x1BF5;
	p2 =	por !p2, p0  }
0x20: {  	[sflag:s8] =	ssyncset.s32 @!p0 $0xFFFFF086;
	s6 =	sadd.s32 @!p0 s3, s7;
	s7 =	simm.s32 @!p0 $0x108  }
0x21: {  	s3 =	sadd.s32 s3, s9;
	s6 =	sadd.s32 @!p0 $0x88, s6;
	s7 =	simm.s32 @p2 $0x1082  }
0x22: {  	[simem:s7], [sflag:s8] =	dma.local @!p0 [hbm:s6], $0xF7A  }
0x23: {  	s9 =	sor.u32 $0xD0000000, s2;
	s6 =	simm.s32 $0x108;
	_ =	swait.ge @!p0 [sflag:s8], $0x0  }
0x24: {  	s3 =	sadd.s32 $0x88, s3;
	s6 =	simm.s32 @!p1 $0x1082;
	[sflag:s4] =	ssyncset.s32 $0xFFFFF086  }
0x25: {  	[simem:s6], [sflag:s4] =	dma.local [hbm:s3], $0xF7A  }
0x26: {  	[smem:$0x3F9F] =	sst s1;
	(tag) =	ssettag s2;
	_ =	strace s9  }
0x27: {  	s1 =	sld [smem:$0x3FAF]  }
0x28: {  	s2 =	sld [smem:$0x3FB0]  }
0x29: {  	s4 =	sld [smem:$0x3FB2]  }
0x2a: {  	p0 =	seq.s32 s5, $0x0;
	s5 =	sld [smem:$0x3FB3]  }
0x2b: {  	s6 =	sld [smem:$0x3FB4]  }
0x2c: {  	s7 =	sld [smem:$0x3FB5]  }
0x2d: {  	s3 =	simm.s32 $0x108;
	s8 =	sld [smem:$0x3FB6]  }
0x2e: {  	s3 =	simm.s32 @!p0 $0x1082;
	s9 =	sld [smem:$0x3FB7]  }
0x2f: {  	lr =	sadd.s32 s0, s3;
	s0 =	sld [smem:$0x3FAE]  }
0x30: {  	s3 =	sld [smem:$0x3FB1]  }
0x31: {  	[smem:$0x3FBA] =	sst s10  }
0x32: {  	s10 =	sld [smem:$0x3FB8];
	_ =	sdelay $0x3  }
0x33: {  	p0 =	seq.s32 s10, $0x1;
	s10 =	sld [smem:$0x3FBA];
	_ =	sdelay $0x3  }
0x34: {  	[smem:$0x3FBA] =	sst s10  }
0x35: {  	s10 =	sld [smem:$0x3FB9];
	_ =	sdelay $0x3  }
0x36: {  	p1 =	seq.s32 s10, $0x1;
	s10 =	sld [smem:$0x3FBA];
	_ =	sdelay $0x3  }
0x37: {  	[smem:$0x3FBA] =	sst s10  }
0x38: {  	s10 =	sld [smem:$0x3FBB]  }
0x39: {  	_ = 	snop;
	(pc) =	sbr.ind lr, $3  }
0x3a: {  	_ = 	snop  }
0x3b: {  	_ = 	snop  }
0x3c: {  	p2 =	seq.s32 s10, $0x1;
	s10 =	sld [smem:$0x3FBA]  }
0x3d: {  	_ =	shalt  }
0x3e: {  	_ =	shalt  }
0x3f: {  	_ =	shalt  }
0x40: {  	_ =	shalt  }
0x41: {  	_ =	shalt  }
0x42: {  	_ =	shalt  }
0x43: {  	_ =	shalt  }
0x44: {  	_ =	shalt  }
0x45: {  	_ =	shalt  }
0x46: {  	_ =	shalt  }
0x47: {  	_ =	shalt  }
0x48: {  	_ =	shalt  }
0x49: {  	_ =	shalt  }
0x4a: {  	_ =	shalt  }
0x4b: {  	_ =	shalt  }
0x4c: {  	_ =	shalt  }
0x4d: {  	_ =	shalt  }
0x4e: {  	_ =	shalt  }
0x4f: {  	_ =	shalt  }
0x50: {  	_ =	shalt  }
0x51: {  	_ =	shalt  }
0x52: {  	_ =	shalt  }
0x53: {  	_ =	shalt  }
0x54: {  	_ =	shalt  }
0x55: {  	_ =	shalt  }
0x56: {  	_ =	shalt  }
0x57: {  	_ =	shalt  }
0x58: {  	_ =	shalt  }
0x59: {  	_ =	shalt  }
0x5a: {  	_ =	shalt  }
0x5b: {  	_ =	shalt  }
0x5c: {  	_ =	shalt  }
0x5d: {  	_ =	shalt  }
0x5e: {  	_ =	shalt  }
0x5f: {  	_ =	shalt  }
0x60: {  	_ =	shalt  }
0x61: {  	_ =	shalt  }
0x62: {  	_ =	shalt  }
0x63: {  	_ =	shalt  }
0x64: {  	_ =	shalt  }
0x65: {  	_ =	shalt  }
0x66: {  	_ =	shalt  }
0x67: {  	_ =	shalt  }
0x68: {  	_ =	shalt  }
0x69: {  	_ =	shalt  }
0x6a: {  	_ =	shalt  }
0x6b: {  	_ =	shalt  }
0x6c: {  	_ =	shalt  }
0x6d: {  	_ =	shalt  }
0x6e: {  	_ =	shalt  }
0x6f: {  	_ =	shalt  }
0x70: {  	_ =	shalt  }
0x71: {  	_ =	shalt  }
0x72: {  	_ =	shalt  }
0x73: {  	_ =	shalt  }
0x74: {  	_ =	shalt  }
0x75: {  	_ =	shalt  }
0x76: {  	_ =	shalt  }
0x77: {  	_ =	shalt  }
0x78: {  	_ =	shalt  }
0x79: {  	_ =	shalt  }
0x7a: {  	_ =	shalt  }
0x7b: {  	_ =	shalt  }
0x7c: {  	_ =	shalt  }
0x7d: {  	_ =	shalt  }
0x7e: {  	_ =	shalt  }
0x7f: {  	_ =	shalt  }
0x80: {  	_ =	shalt  }
0x81: {  	_ =	shalt  }
0x82: {  	_ =	shalt  }
0x83: {  	_ =	shalt  }
0x84: {  	_ =	shalt  }
0x85: {  	_ =	shalt  }
0x86: {  	_ =	shalt  }
0x87: {  	_ =	shalt  }
.Lfunc_end0:
.L_simem_size_0:
called_computation_lowered:
.L_overlay_start_0:
0x88: {  	s2 =	sld [smem:$0x3FD9]  }
0x89: {  	s3 =	sld [smem:$0x3FFE];
	_ =	sdelay $0x1  }
0x8a: {  	s1 =	srdreg.scid  }
0x8b: {  	s0 =	sand.u32 $0x1, s1  }
0x8c: {  	s17 =	sshll.u32 s0, $0xA;
	s2 =	sadd.s32 s3, s2  }
0x8d: {  	s2 =	sadd.s32 s2, s17  }
0x8e: {  	[smem:$0x3FC6] =	sst s2  }
0x8f: {  	_ = 	snop  }
0x90: {  	s2 =	sld [smem:$0x3FC9]  }
0x91: {  	s18 =	sld [smem:$0x3FD0];
	(tm) =	ssettm $0x1  }
0x92: {  	s4 =	sld [smem:$0x3FFB];
	_ =	sdelay $0x3  }
0x93: {  	_ =	strace s4  }
0x94: {  	s4 =	sld [smem:$0x3FFC];
	_ =	sdelay $0x3  }
0x95: {  	_ =	strace s4  }
0x96: {  	s4 =	sld [smem:$0x3FFD];
	_ =	sdelay $0x3  }
0x97: {  	_ =	strace s4  }
0x98: {  	_ =	strace $0x8FFFFFFF  }
0x99: {  	s19 =	sld [smem:$0x3FDB];
	_ =	sdelay $0x1  }
0x9a: {  	s5 =	simm.s32 $_scs_section_size  }
0x9b: {  	s6 =	simm.s32 $_size__tile_overlayer_lowered;
	s7 =	simm.s32 $_tile_overlayer_lowered  }
0x9c: {  	s22 =	simm.s32 $0x1BFF;
	s21 =	sshll.u32 s7, $0x1;
	s4 =	sadd.s32 s5, s19  }
0x9d: {  	s8 =	simm.s32 $0x0;
	s20 =	sshll.u32 s6, $0x1;
	s6 =	sadd.s32 s21, s4  }
0x9e: {  	[timem:s8], [sflag:s22] =	dma.local [hbm:s6], s20  }
0x9f: {  	_ =	swait.ge [sflag:s22], s20  }
0xa0: {  	s5 =	ssub.s32 $0x0, s20;
	[sflag:s22] =	ssyncset.done $0x0  }
0xa1: {  	[sflag:s22] =	ssyncadd.s32 s5;
	_ =	sdelay $0x1  }
0xa2: {  	s23 =	simm.s32 $0x1B8B  }
0xa3: {  	_ =	swait.ge [sflag:s23], $0x1  }
0xa4: {  	[sflag:s23] =	ssyncset.done $0x0  }
0xa5: {  	s25 =	simm.s32 $0x1B8E;
	s24 =	sld [smem:$0x3FFE];
	[sflag:s23] =	ssyncadd.s32 $0xFFFFFFFF  }
0xa6: {  	s26 =	simm.s32 $execute0_lowered;
	[smem:$0x3FD2] =	sst s25  }
0xa7: {  	s6 =	sshll.u32 s26, $0x1;
	_ =	strace $0x80000046;
	[dreg:$0x1] =	wrdreg $0xFFFFFFFF  }
0xa8: {  	s28 =	simm.s32 $_size_execute0_lowered;
	s4 =	sadd.s32 s4, s6;
	[dreg:$0x0] =	wrdreg $0x0  }
0xa9: {  	s6 =	sshll.u32 s28, $0x1;
	[dreg:$0x2] =	wrdreg s4  }
0xaa: {  	[dreg:$0x3] =	wrdreg s6  }
0xab: {  	[dreg:$0x4] =	wrdreg $0xC0  }
0xac: {  	_ =	task [dreg:s8], $0x5FFFF  }
0xad: {  	[dreg:$0x1] =	wrdreg $0xFFFFFFFF  }
0xae: {  	[dreg:$0x0] =	wrdreg $0x60  }
0xaf: {  	[dreg:$0x2] =	wrdreg s2  }
0xb0: {  	[dreg:$0x3] =	wrdreg s18  }
0xb1: {  	[dreg:$0x4] =	wrdreg s24  }
0xb2: {  	[dreg:$0x5] =	wrdreg $0x9  }
0xb3: {  	_ =	task.clear_ibuf [dreg:s8], $0x6FFFF;
	_ =	strace $0x90000046  }
0xb4: {  	s29 =	simm.s32 $0x9;
	_ =	strace $0x80000048  }
0xb5: {  	_ =	swait.ge [sflag:s29], $0x1  }
0xb6: {  	[sflag:s29] =	ssyncadd.s32 $0xFFFFFFFF  }
0xb7: {  	_ =	strace $0x90000048  }
0xb8: {  	_ =	sfence  }
0xb9: {  	s30 =	sld [smem:$0x0];
	_ =	sdelay $0x2  }
0xba: {  	s31 =	sshll.u32 s1, $0xD;
	s1 =	sshrl.u32 s1, $0x2  }
0xbb: {  	s3 =	sand.u32 $0x4000, s31;
	s1 =	sadd.s32 s1, s30  }
0xbc: {  	s0 =	sor.u32 s3, s0;
	s1 =	sshll.u32 s1, $0x11  }
0xbd: {  	s0 =	sor.u32 s1, s0  }
0xbe: {  	s0 =	sadd.s32 $0x8F2B, s0  }
0xbf: {  	[sflag:s0] =	ssyncadd.remote.s32 $0x1  }
0xc0: {  	_ =	sfence.sel $0xFFFF  }
0xc1: {  	[dreg:$0x0] =	wrdreg $0xFFFFFFFF;
	(pc) =	sbr.abs _section_cstart, $3  }
0xc2: {  	[dreg:$0x1] =	wrdreg $0xFFFFFFFF  }
0xc3: {  	_ =	task.clear_ibuf [dreg:s8], $0x2FFFF;
	_ =	strace $0x9FFFFFFF  }
0xc4: {  	(tm) =	ssettm $0x7FFFFFFF  }
0xc5: {  	_ =	shalt  }
tec
execute0_lowered:
.L_overlay_start_1:
0x0: {  	(tag) =	ssettag $0x1  }
0x1: {  	v0 =	vimm.s32 $0x4780;
	vm0 =	vcmask $0x300  }
0x2: {  	vm14 =	vcmask $0x704;
	v0 =	vsel vm0, $0x0, v0  }
0x3: {  	vm15 =	vcmask $0xB08;
	v0 =	vsel vm14, $0x80, v0  }
0x4: {  	vm4 =	vcmask $0xF0C;
	v0 =	vsel vm15, $0x100, v0  }
0x5: {  	vm5 =	vcmask $0x1310;
	v0 =	vsel vm4, $0x180, v0  }
0x6: {  	s4 =	rddreg [dreg:$0x0];
	vm6 =	vcmask $0x1714;
	v0 =	vsel vm5, $0x200, v0  }
0x7: {  	s1 =	rddreg [dreg:$0x1];
	vm7 =	vcmask $0x1B18;
	v0 =	vsel vm6, $0x280, v0  }
0x8: {  	s2 =	srdreg.scid;
	s0 =	stileid.u32;
	vm8 =	vcmask $0x1F1C;
	v0 =	vsel vm7, $0x300, v0  }
0x9: {  	s5 =	rddreg [dreg:$0x2];
	vm9 =	vcmask $0x2320;
	s3 =	simm.s32 $0x0;
	s10 =	simm.s32 $0x1;
	v0 =	vsel vm8, $0x380, v0  }
0xa: {  	vm10 =	vcmask $0x2724;
	s11 =	simm.s32 $0x11000;
	s12 =	simm.s32 $0x3;
	s13 =	simm.s32 $0x0;
	v0 =	vsel vm9, $0x4400, v0  }
0xb: {  	vm11 =	vcmask $0x2B28;
	s6 =	sand.u32 $0x1, s2;
	s7 =	sshll.u32 s0, $0x1;
	s2 =	rddreg [dreg:$0x3];
	v0 =	vsel vm10, $0x4480, v0  }
0xc: {  	vm12 =	vcmask $0x2F2C;
	[smem:$0x7FF] =	sst s3;
	s7 =	sor.u32 s6, s7;
	s6 =	ssub.s32 $0x2, s6;
	v0 =	vsel vm11, $0x4500, v0  }
0xd: {  	vm13 =	vcmask $0x3330;
	_ =	strace $0x80000047;
	s8 =	sshll.u32 s7, $0xC;
	s9 =	sshrl.u32 s6, $0x1;
	v0 =	vsel vm12, $0x4580, v0  }
0xe: {  	vm14 =	vcmask $0x3734;
	s7 =	sshll.u32 s7, $0x8;
	s4 =	sadd.s32 s8, s4;
	s6 =	ssub.s32 s6, s9;
	v0 =	vsel vm13, $0x4600, v0  }
0xf: {  	v1 =	vlaneseq.u32;
	vm15 =	vcmask $0x3B38;
	s5 =	sadd.s32 s5, s7;
	s7 =	simm.s32 $0x11800;
	s4 =	sadd.s32 $0x5BC000, s4;
	v0 =	vsel vm14, $0x4680, v0  }
0x10: {  	v1 =	vmul.u32 $0x80, v1;
	s9 =	simm.s32 $0x4400;
	s6 =	smax.u32 s6, $0x1;
	s8 =	sadd.s32 $0x800, s4;
	v0 =	vsel vm15, $0x4700, v0  }
.LBB2_1:
0x11: {  	[tilespmem:s7], [sflag:$0x3] =	stream.linear.gather [hbm4b:s1+s3], $0x800, $0x38;
	[tilespmem:$0x12000] =	vst v63  }
0x12: {  	_ =	swait.ge [sflag:s12], $0x800  }
0x13: {  	[sflag:s12] =	ssyncset.done $0x0  }
0x14: {  	[sflag:s12] =	ssyncadd.s32 $0xFFFFF800  }
0x15: {  	[tilespmem:s3], [sflag:$0x1] =	stream.linear.gather [hbm4b:s4+s3], $0x4000, $0x38;
	[tilespmem:$0x12000] =	vst v63  }
0x16: {  	_ = 	snop  }
0x17: {  	[tilespmem:s9], [sflag:$0x1] =	stream.linear.gather [hbm4b:s8+s3], $0x4000, $0x38;
	[tilespmem:$0x12000] =	vst v63  }
0x18: {  	_ =	swait.ge [sflag:s10], $0x8000  }
0x19: {  	[sflag:s10] =	ssyncset.done $0x0  }
0x1a: {  	s14 =	simm.s32 $0x3;
	s15 =	simm.s32 $0x0;
	[sflag:s10] =	ssyncadd.s32 $0xFFFF8000  }
.LBB2_2:
0x1b: {  	v2 =	vmov s15;
	s16 =	sadd.s32 $0x1, s15  }
0x1c: {  	s22 =	sadd.s32 $0x2, s15;
	s23 =	sadd.s32 $0x3, s15;
	v3 =	vshll.u32 v2, $0x3;
	v4 =	vmov s16  }
0x1d: {  	s24 =	sadd.s32 $0x4, s15;
	s25 =	sadd.s32 $0x5, s15;
	s26 =	sadd.s32 $0x6, s15;
	v5 =	vand.u32 $0x40, v2;
	v39 =	vmov s22;
	v8 =	vmov s23  }
0x1e: {  	s28 =	sadd.s32 $0x7, s15;
	s29 =	sadd.s32 $0x8, s15;
	s30 =	sadd.s32 $0x9, s15;
	v41 =	vmov s24;
	v12 =	vmov s25;
	v43 =	vmov s26  }
0x1f: {  	s31 =	sadd.s32 $0xA, s15;
	s17 =	sadd.s32 $0xB, s15;
	s18 =	sadd.s32 $0xC, s15;
	v16 =	vmov s28;
	v45 =	vmov s29;
	v20 =	vmov s30  }
0x20: {  	s19 =	sadd.s32 $0xD, s15;
	s20 =	sadd.s32 $0xE, s15;
	s21 =	sadd.s32 $0xF, s15;
	v47 =	vmov s31;
	v24 =	vmov s17;
	v49 =	vmov s18  }
0x21: {  	v28 =	vmov s19;
	v51 =	vmov s20;
	v33 =	vmov s21  }
0x22: {  	v3 =	vand.u32 $0x3C00, v3;
	v6 =	vshll.u32 v4, $0x3;
	v38 =	vand.u32 $0x41, v4  }
0x23: {  	v7 =	vshll.u32 v39, $0x3;
	v9 =	vand.u32 $0x42, v39;
	v10 =	vshll.u32 v8, $0x3  }
0x24: {  	v40 =	vand.u32 $0x43, v8;
	v11 =	vshll.u32 v41, $0x3;
	v13 =	vand.u32 $0x44, v41  }
0x25: {  	v14 =	vshll.u32 v12, $0x3;
	v42 =	vand.u32 $0x45, v12;
	v15 =	vshll.u32 v43, $0x3;
	v2 =	vld.idx.msk [tilespmem:v2+s7+$0x0], $0xffff  }
0x26: {  	v17 =	vand.u32 $0x46, v43;
	v18 =	vshll.u32 v16, $0x3;
	v6 =	vand.u32 $0x3C00, v6;
	v4 =	vld.idx.msk [tilespmem:v4+s7+$0x0], $0xffff  }
0x27: {  	v44 =	vand.u32 $0x47, v16;
	v3 =	vor.u32 v5, v3;
	v5 =	vor.u32 v38, v6;
	v6 =	vld.idx.msk [tilespmem:v39+s7+$0x0], $0xffff  }
0x28: {  	v19 =	vshll.u32 v45, $0x3;
	v7 =	vand.u32 $0x3C00, v7;
	v10 =	vand.u32 $0x3C00, v10;
	v8 =	vld.idx.msk [tilespmem:v8+s7+$0x0], $0xffff  }
0x29: {  	v21 =	vand.u32 $0x48, v45;
	v7 =	vor.u32 v9, v7;
	v9 =	vor.u32 v40, v10;
	v10 =	vld.idx.msk [tilespmem:v41+s7+$0x0], $0xffff  }
0x2a: {  	v22 =	vshll.u32 v20, $0x3;
	v11 =	vand.u32 $0x3C00, v11;
	v14 =	vand.u32 $0x3C00, v14;
	v12 =	vld.idx.msk [tilespmem:v12+s7+$0x0], $0xffff  }
0x2b: {  	v46 =	vand.u32 $0x49, v20;
	v11 =	vor.u32 v13, v11;
	v13 =	vor.u32 v42, v14;
	v14 =	vld.idx.msk [tilespmem:v43+s7+$0x0], $0xffff  }
0x2c: {  	v23 =	vshll.u32 v47, $0x3;
	v15 =	vand.u32 $0x3C00, v15;
	v18 =	vand.u32 $0x3C00, v18;
	v16 =	vld.idx.msk [tilespmem:v16+s7+$0x0], $0xffff  }
0x2d: {  	v25 =	vand.u32 $0x4A, v47;
	v15 =	vor.u32 v17, v15;
	v17 =	vor.u32 v44, v18;
	v18 =	vld.idx.msk [tilespmem:v45+s7+$0x0], $0xffff  }
0x2e: {  	v26 =	vshll.u32 v24, $0x3;
	v19 =	vand.u32 $0x3C00, v19;
	v22 =	vand.u32 $0x3C00, v22;
	v20 =	vld.idx.msk [tilespmem:v20+s7+$0x0], $0xffff  }
0x2f: {  	v48 =	vand.u32 $0x4B, v24;
	v19 =	vor.u32 v21, v19;
	v21 =	vor.u32 v46, v22;
	v22 =	vld.idx.msk [tilespmem:v47+s7+$0x0], $0xffff  }
0x30: {  	v23 =	vand.u32 $0x3C00, v23;
	v26 =	vand.u32 $0x3C00, v26;
	v3 =	vadd.s32 v0, v3;
	v24 =	vld.idx.msk [tilespmem:v24+s7+$0x0], $0xffff  }
0x31: {  	v23 =	vor.u32 v25, v23;
	v25 =	vor.u32 v48, v26;
	v5 =	vadd.s32 v0, v5;
	v26 =	vld.idx.msk [tilespmem:v49+s7+$0x0], $0xffff  }
0x32: {  	v30 =	vshll.u32 v28, $0x3;
	v50 =	vand.u32 $0x4D, v28;
	v7 =	vadd.s32 v0, v7;
	v28 =	vld.idx.msk [tilespmem:v28+s7+$0x0], $0xffff  }
0x33: {  	v9 =	vadd.s32 v0, v9;
	v56 =	vld.idx.msk [tilespmem:v51+s7+$0x0], $0xffff  }
0x34: {  	v11 =	vadd.s32 v0, v11;
	v62 =	vld.idx.msk [tilespmem:v33+s7+$0x0], $0xffff  }
0x35: {  	v13 =	vadd.s32 v0, v13;
	v3 =	vld.idx.msk [tilespmem:v3+s3+$0x0], $0xffff  }
0x36: {  	v15 =	vadd.s32 v0, v15;
	v5 =	vld.idx.msk [tilespmem:v5+s3+$0x0], $0xffff  }
0x37: {  	v27 =	vshll.u32 v49, $0x3;
	v17 =	vadd.s32 v0, v17;
	v7 =	vld.idx.msk [tilespmem:v7+s3+$0x0], $0xffff  }
0x38: {  	v29 =	vand.u32 $0x4C, v49;
	v31 =	vshll.u32 v51, $0x3;
	v19 =	vadd.s32 v0, v19;
	v9 =	vld.idx.msk [tilespmem:v9+s3+$0x0], $0xffff  }
0x39: {  	v32 =	vand.u32 $0x4E, v51;
	v52 =	vshll.u32 v33, $0x3;
	v21 =	vadd.s32 v0, v21;
	v11 =	vld.idx.msk [tilespmem:v11+s3+$0x0], $0xffff  }
0x3a: {  	v34 =	vand.u32 $0x4F, v33;
	v27 =	vand.u32 $0x3C00, v27;
	v23 =	vadd.s32 v0, v23;
	v13 =	vld.idx.msk [tilespmem:v13+s3+$0x0], $0xffff  }
0x3b: {  	v30 =	vand.u32 $0x3C00, v30;
	v27 =	vor.u32 v29, v27;
	v25 =	vadd.s32 v0, v25;
	v15 =	vld.idx.msk [tilespmem:v15+s3+$0x0], $0xffff  }
0x3c: {  	v31 =	vand.u32 $0x3C00, v31;
	v29 =	vor.u32 v50, v30;
	v27 =	vadd.s32 v0, v27;
	v17 =	vld.idx.msk [tilespmem:v17+s3+$0x0], $0xffff  }
0x3d: {  	v31 =	vor.u32 v32, v31;
	v32 =	vand.u32 $0x3C00, v52;
	v29 =	vadd.s32 v0, v29;
	v19 =	vld.idx.msk [tilespmem:v19+s3+$0x0], $0xffff  }
0x3e: {  	v31 =	vadd.s32 v0, v31;
	v32 =	vor.u32 v34, v32;
	v21 =	vld.idx.msk [tilespmem:v21+s3+$0x0], $0xffff  }
0x3f: {  	v32 =	vadd.s32 v0, v32;
	v23 =	vld.idx.msk [tilespmem:v23+s3+$0x0], $0xffff  }
0x40: {  	v25 =	vld.idx.msk [tilespmem:v25+s3+$0x0], $0xffff  }
0x41: {  	v27 =	vld.idx.msk [tilespmem:v27+s3+$0x0], $0xffff;
	v2 =	vmul.f32 v2, v3;
	v3 =	vmul.f32 v4, v5  }
0x42: {  	v29 =	vld.idx.msk [tilespmem:v29+s3+$0x0], $0xffff;
	v54 =	vmul.f32 v6, v7;
	v55 =	vmul.f32 v8, v9  }
0x43: {  	v53 =	vld.idx.msk [tilespmem:v31+s3+$0x0], $0xffff;
	v57 =	vmul.f32 v10, v11;
	v58 =	vmul.f32 v12, v13  }
0x44: {  	s22 =	sadd.s32 $0xFFFFFFFD, s14;
	v59 =	vld.idx.msk [tilespmem:v32+s3+$0x0], $0xffff;
	v60 =	vmul.f32 v14, v15;
	v61 =	vmul.f32 v16, v17  }
0x45: {  	v35 =	vmov s22;
	v63 =	vmul.f32 v18, v19;
	v21 =	vmul.f32 v20, v21  }
0x46: {  	s24 =	sadd.s32 $0x11, s15;
	v36 =	vand.u32 $0x7C, v35;
	v23 =	vmul.f32 v22, v23;
	v26 =	vmul.f32 v26, v27  }
0x47: {  	v38 =	vmov s24;
	v27 =	vmul.f32 v24, v25;
	v30 =	vmul.f32 v28, v29  }
0x48: {  	v4 =	vmul.f32 v56, v53;
	v2 =	vadd.f32 v57, v2;
	v31 =	vadd.f32 v26, v63  }
0x49: {  	s25 =	sadd.s32 $0x12, s15;
	v32 =	vmul.f32 v62, v59;
	v3 =	vadd.f32 v58, v3;
	v33 =	vadd.f32 v30, v21  }
0x4a: {  	s26 =	sadd.s32 $0x13, s15;
	v42 =	vmov s25;
	v5 =	vadd.f32 v60, v54;
	v4 =	vadd.f32 v4, v23  }
0x4b: {  	v44 =	vmov s26;
	v6 =	vadd.f32 v61, v55;
	v8 =	vadd.f32 v32, v27  }
0x4c: {  	v40 =	vshll.u32 v38, $0x3;
	v2 =	vadd.f32 v31, v2;
	v3 =	vadd.f32 v33, v3  }
0x4d: {  	v46 =	vshll.u32 v44, $0x3;
	v4 =	vadd.f32 v4, v5;
	v34 =	vadd.f32 v8, v6  }
0x4e: {  	v41 =	vand.u32 $0x51, v38;
	v43 =	vshll.u32 v42, $0x3;
	v45 =	vand.u32 $0x52, v42  }
0x4f: {  	s28 =	sadd.s32 $0x14, s15;
	s29 =	sadd.s32 $0x15, s15;
	v2 =	vadd.f32 v3, v2;
	v3 =	vadd.f32 v34, v4;
	v4 =	vbroadcast v36, $0x0  }
0x50: {  	v47 =	vand.u32 $0x53, v44;
	v49 =	vmov s28;
	v51 =	vmov s29  }
0x51: {  	s23 =	sadd.s32 $0x10, s15;
	v50 =	vshll.u32 v49, $0x3;
	v8 =	vand.u32 $0x7FFFFC00, v40;
	v4 =	vor.u32 v1, v4  }
0x52: {  	v7 =	vor.u32 v41, v8;
	v2 =	vadd.f32 v3, v2;
	v3 =	vmov s23  }
0x53: {  	v52 =	vand.u32 $0x54, v49;
	v9 =	vand.u32 $0x7FFFFC00, v43;
	v7 =	vadd.s32 v0, v7  }
0x54: {  	v12 =	vand.u32 $0x7FFFFC00, v46;
	v11 =	vand.u32 $0x7FFFFC00, v50;
	v53 =	vshll.u32 v51, $0x3  }
0x55: {  	s30 =	sadd.s32 $0x16, s15;
	v9 =	vor.u32 v45, v9;
	v11 =	vor.u32 v52, v11;
	v14 =	vand.u32 $0x7FFFFC00, v53  }
0x56: {  	s31 =	sadd.s32 $0x17, s15;
	v54 =	vand.u32 $0x55, v51;
	v11 =	vadd.s32 v0, v11;
	v55 =	vmov s30;
	[tilespmem:v4+s11+$0x0] =	vst.idx.msk $0xffff, v2  }
0x57: {  	s17 =	sadd.s32 $0x18, s15;
	v57 =	vmov s31;
	v37 =	vshll.u32 v3, $0x3;
	v39 =	vand.u32 $0x50, v3;
	v3 =	vld.idx.msk [tilespmem:v3+s7+$0x0], $0xffff  }
0x58: {  	v61 =	vmov s17;
	v13 =	vor.u32 v54, v14;
	v56 =	vshll.u32 v55, $0x3;
	v7 =	vld.idx.msk [tilespmem:v7+s3+$0x0], $0xffff  }
0x59: {  	s18 =	sadd.s32 $0x19, s15;
	v58 =	vand.u32 $0x56, v55;
	v13 =	vadd.s32 v0, v13;
	v15 =	vand.u32 $0x7FFFFC00, v56;
	v6 =	vld.idx.msk [tilespmem:v38+s7+$0x0], $0xffff  }
0x5a: {  	v63 =	vmov s18;
	v59 =	vshll.u32 v57, $0x3;
	v15 =	vor.u32 v58, v15;
	v8 =	vld.idx.msk [tilespmem:v42+s7+$0x0], $0xffff  }
0x5b: {  	v60 =	vand.u32 $0x57, v57;
	v18 =	vand.u32 $0x7FFFFC00, v59;
	v15 =	vadd.s32 v0, v15;
	v10 =	vld.idx.msk [tilespmem:v44+s7+$0x0], $0xffff  }
0x5c: {  	v62 =	vshll.u32 v61, $0x3;
	v33 =	vand.u32 $0x58, v61;
	v17 =	vor.u32 v60, v18;
	v11 =	vld.idx.msk [tilespmem:v11+s3+$0x0], $0xffff  }
0x5d: {  	v19 =	vand.u32 $0x7FFFFC00, v62;
	v17 =	vadd.s32 v0, v17;
	v2 =	vadd.s32 v0, v9;
	v9 =	vld.idx.msk [tilespmem:v49+s7+$0x0], $0xffff  }
0x5e: {  	v48 =	vor.u32 v47, v12;
	v19 =	vor.u32 v33, v19;
	v34 =	vshll.u32 v63, $0x3;
	v13 =	vld.idx.msk [tilespmem:v13+s3+$0x0], $0xffff  }
0x5f: {  	v35 =	vand.u32 $0x59, v63;
	v19 =	vadd.s32 v0, v19;
	v22 =	vand.u32 $0x7FFFFC00, v34;
	v12 =	vld.idx.msk [tilespmem:v51+s7+$0x0], $0xffff  }
0x60: {  	v21 =	vor.u32 v35, v22;
	v15 =	vld.idx.msk [tilespmem:v15+s3+$0x0], $0xffff  }
0x61: {  	s19 =	sadd.s32 $0x1A, s15;
	v21 =	vadd.s32 v0, v21;
	v14 =	vld.idx.msk [tilespmem:v55+s7+$0x0], $0xffff  }
0x62: {  	v36 =	vmov s19;
	v5 =	vand.u32 $0x7FFFFC00, v37;
	v17 =	vld.idx.msk [tilespmem:v17+s3+$0x0], $0xffff  }
0x63: {  	v37 =	vshll.u32 v36, $0x3;
	v5 =	vor.u32 v39, v5;
	v16 =	vld.idx.msk [tilespmem:v57+s7+$0x0], $0xffff  }
0x64: {  	v39 =	vand.u32 $0x5A, v36;
	v23 =	vand.u32 $0x7FFFFC00, v37;
	v5 =	vadd.s32 v0, v5;
	v19 =	vld.idx.msk [tilespmem:v19+s3+$0x0], $0xffff  }
0x65: {  	v23 =	vor.u32 v39, v23;
	v18 =	vld.idx.msk [tilespmem:v61+s7+$0x0], $0xffff  }
0x66: {  	s20 =	sadd.s32 $0x1B, s15;
	s21 =	sadd.s32 $0x1C, s15;
	s23 =	sadd.s32 $0x1E, s15;
	v4 =	vadd.s32 v0, v48;
	v23 =	vadd.s32 v0, v23;
	v21 =	vld.idx.msk [tilespmem:v21+s3+$0x0], $0xffff  }
0x67: {  	s22 =	sadd.s32 $0x1D, s15;
	v48 =	vmov s23;
	v38 =	vmov s20;
	v42 =	vmov s21;
	v20 =	vld.idx.msk [tilespmem:v63+s7+$0x0], $0xffff  }
0x68: {  	s24 =	sadd.s32 $0x1F, s15;
	v44 =	vmov s22;
	v49 =	vshll.u32 v48, $0x3;
	v22 =	vld.idx.msk [tilespmem:v36+s7+$0x0], $0xffff;
	v50 =	vand.u32 $0x5E, v48  }
0x69: {  	v51 =	vmov s24;
	v40 =	vshll.u32 v38, $0x3;
	v41 =	vand.u32 $0x5B, v38;
	v5 =	vld.idx.msk [tilespmem:v5+s3+$0x0], $0xffff  }
0x6a: {  	v43 =	vshll.u32 v42, $0x3;
	v45 =	vand.u32 $0x5C, v42;
	v46 =	vshll.u32 v44, $0x3;
	v2 =	vld.idx.msk [tilespmem:v2+s3+$0x0], $0xffff  }
0x6b: {  	v47 =	vand.u32 $0x5D, v44;
	v31 =	vand.u32 $0x7FFFFC00, v49;
	v52 =	vshll.u32 v51, $0x3;
	v4 =	vld.idx.msk [tilespmem:v4+s3+$0x0], $0xffff  }
0x6c: {  	v53 =	vand.u32 $0x5F, v51;
	v26 =	vand.u32 $0x7FFFFC00, v40;
	v31 =	vor.u32 v50, v31;
	v23 =	vld.idx.msk [tilespmem:v23+s3+$0x0], $0xffff  }
0x6d: {  	v27 =	vand.u32 $0x7FFFFC00, v43;
	v25 =	vor.u32 v41, v26;
	v31 =	vadd.s32 v0, v31;
	v56 =	vld.idx.msk [tilespmem:v48+s7+$0x0], $0xffff  }
0x6e: {  	v32 =	vand.u32 $0x7FFFFC00, v52;
	v27 =	vor.u32 v45, v27;
	v25 =	vadd.s32 v0, v25;
	v24 =	vld.idx.msk [tilespmem:v38+s7+$0x0], $0xffff  }
0x6f: {  	v30 =	vand.u32 $0x7FFFFC00, v46;
	v32 =	vor.u32 v53, v32;
	v27 =	vadd.s32 v0, v27;
	v26 =	vld.idx.msk [tilespmem:v42+s7+$0x0], $0xffff  }
0x70: {  	v29 =	vor.u32 v47, v30;
	v32 =	vadd.s32 v0, v32;
	v28 =	vld.idx.msk [tilespmem:v44+s7+$0x0], $0xffff  }
0x71: {  	s29 =	sadd.s32 $0x22, s15;
	v29 =	vadd.s32 v0, v29;
	v62 =	vld.idx.msk [tilespmem:v51+s7+$0x0], $0xffff  }
0x72: {  	v36 =	vmov s29;
	v55 =	vld.idx.msk [tilespmem:v31+s3+$0x0], $0xffff  }
0x73: {  	v37 =	vshll.u32 v36, $0x3;
	v54 =	vmul.f32 v6, v7;
	v25 =	vld.idx.msk [tilespmem:v25+s3+$0x0], $0xffff  }
0x74: {  	s18 =	sadd.s32 $0x26, s15;
	v39 =	vand.u32 $0x62, v36;
	v57 =	vmul.f32 v9, v11;
	v58 =	vmul.f32 v12, v13;
	v27 =	vld.idx.msk [tilespmem:v27+s3+$0x0], $0xffff  }
0x75: {  	s31 =	sadd.s32 $0x24, s15;
	v49 =	vmov s18;
	v60 =	vmul.f32 v14, v15;
	v61 =	vmul.f32 v16, v17;
	v59 =	vld.idx.msk [tilespmem:v32+s3+$0x0], $0xffff  }
0x76: {  	v43 =	vmov s31;
	v63 =	vmul.f32 v18, v19;
	v21 =	vmul.f32 v20, v21;
	v29 =	vld.idx.msk [tilespmem:v29+s3+$0x0], $0xffff  }
0x77: {  	v50 =	vshll.u32 v49, $0x3;
	v3 =	vmul.f32 v3, v5;
	v2 =	vmul.f32 v8, v2  }
0x78: {  	v52 =	vand.u32 $0x66, v49;
	v4 =	vmul.f32 v10, v4;
	v22 =	vmul.f32 v22, v23  }
0x79: {  	v5 =	vadd.f32 v58, v54;
	v6 =	vmul.f32 v56, v55;
	v23 =	vmul.f32 v26, v27  }
0x7a: {  	v3 =	vadd.f32 v57, v3;
	v24 =	vmul.f32 v24, v25;
	v27 =	vmul.f32 v62, v59  }
0x7b: {  	s17 =	sadd.s32 $0x25, s15;
	v2 =	vadd.f32 v60, v2;
	v4 =	vadd.f32 v61, v4;
	v25 =	vmul.f32 v28, v29  }
0x7c: {  	v45 =	vmov s17;
	v6 =	vadd.f32 v6, v22;
	v8 =	vadd.f32 v27, v24  }
0x7d: {  	s25 =	sadd.s32 $0xFFFFFFFE, s14;
	v46 =	vand.u32 $0x64, v43;
	v26 =	vadd.f32 v23, v63;
	v28 =	vadd.f32 v25, v21  }
0x7e: {  	v29 =	vmov s25;
	v2 =	vadd.f32 v6, v2;
	v4 =	vadd.f32 v8, v4  }
0x7f: {  	s28 =	sadd.s32 $0x21, s15;
	v30 =	vand.u32 $0x7D, v29;
	v3 =	vadd.f32 v26, v3;
	v5 =	vadd.f32 v28, v5  }
0x80: {  	v32 =	vmov s28;
	v2 =	vadd.f32 v4, v2;
	v4 =	vbroadcast v30, $0x0  }
0x81: {  	v47 =	vshll.u32 v45, $0x3;
	v34 =	vshll.u32 v32, $0x3;
	v3 =	vadd.f32 v5, v3  }
0x82: {  	s26 =	sadd.s32 $0x20, s15;
	v35 =	vand.u32 $0x61, v32;
	v8 =	vand.u32 $0x7FFFFC00, v34;
	v4 =	vor.u32 v1, v4  }
0x83: {  	s30 =	sadd.s32 $0x23, s15;
	v7 =	vor.u32 v35, v8;
	v2 =	vadd.f32 v2, v3;
	v3 =	vmov s26  }
0x84: {  	v48 =	vand.u32 $0x65, v45;
	v38 =	vmov s30;
	v7 =	vadd.s32 v0, v7  }
0x85: {  	s19 =	sadd.s32 $0x27, s15;
	v9 =	vand.u32 $0x7FFFFC00, v37;
	v44 =	vshll.u32 v43, $0x3;
	v14 =	vand.u32 $0x7FFFFC00, v47  }
0x86: {  	v51 =	vmov s19;
	v15 =	vand.u32 $0x7FFFFC00, v50;
	v11 =	vand.u32 $0x7FFFFC00, v44  }
0x87: {  	v40 =	vshll.u32 v38, $0x3;
	v9 =	vor.u32 v39, v9;
	v11 =	vor.u32 v46, v11;
	[tilespmem:v4+s11+$0x0] =	vst.idx.msk $0xffff, v2  }
0x88: {  	v11 =	vadd.s32 v0, v11;
	v31 =	vshll.u32 v3, $0x3;
	v33 =	vand.u32 $0x60, v3;
	v3 =	vld.idx.msk [tilespmem:v3+s7+$0x0], $0xffff  }
0x89: {  	v41 =	vand.u32 $0x63, v38;
	v13 =	vor.u32 v48, v14;
	v53 =	vshll.u32 v51, $0x3;
	v7 =	vld.idx.msk [tilespmem:v7+s3+$0x0], $0xffff  }
0x8a: {  	v15 =	vor.u32 v52, v15;
	v12 =	vand.u32 $0x7FFFFC00, v40;
	v13 =	vadd.s32 v0, v13;
	v6 =	vld.idx.msk [tilespmem:v32+s7+$0x0], $0xffff  }
0x8b: {  	s20 =	sadd.s32 $0x28, s15;
	v18 =	vand.u32 $0x7FFFFC00, v53;
	v15 =	vadd.s32 v0, v15;
	v54 =	vand.u32 $0x67, v51;
	v8 =	vld.idx.msk [tilespmem:v36+s7+$0x0], $0xffff  }
0x8c: {  	s21 =	sadd.s32 $0x29, s15;
	v42 =	vor.u32 v41, v12;
	v17 =	vor.u32 v54, v18;
	v55 =	vmov s20;
	v10 =	vld.idx.msk [tilespmem:v38+s7+$0x0], $0xffff  }
0x8d: {  	v17 =	vadd.s32 v0, v17;
	v57 =	vmov s21;
	v56 =	vshll.u32 v55, $0x3;
	v11 =	vld.idx.msk [tilespmem:v11+s3+$0x0], $0xffff  }
0x8e: {  	v58 =	vand.u32 $0x68, v55;
	v19 =	vand.u32 $0x7FFFFC00, v56;
	v2 =	vadd.s32 v0, v9;
	v9 =	vld.idx.msk [tilespmem:v43+s7+$0x0], $0xffff  }
0x8f: {  	s22 =	sadd.s32 $0x2A, s15;
	v60 =	vand.u32 $0x69, v57;
	v59 =	vshll.u32 v57, $0x3;
	v19 =	vor.u32 v58, v19;
	v13 =	vld.idx.msk [tilespmem:v13+s3+$0x0], $0xffff  }
0x90: {  	v61 =	vmov s22;
	v22 =	vand.u32 $0x7FFFFC00, v59;
	v19 =	vadd.s32 v0, v19;
	v12 =	vld.idx.msk [tilespmem:v45+s7+$0x0], $0xffff  }
0x91: {  	v62 =	vshll.u32 v61, $0x3;
	v21 =	vor.u32 v60, v22;
	v15 =	vld.idx.msk [tilespmem:v15+s3+$0x0], $0xffff  }
0x92: {  	v23 =	vand.u32 $0x7FFFFC00, v62;
	v21 =	vadd.s32 v0, v21;
	v34 =	vand.u32 $0x6A, v61;
	v14 =	vld.idx.msk [tilespmem:v49+s7+$0x0], $0xffff  }
0x93: {  	v23 =	vor.u32 v34, v23;
	v17 =	vld.idx.msk [tilespmem:v17+s3+$0x0], $0xffff  }
0x94: {  	v23 =	vadd.s32 v0, v23;
	v16 =	vld.idx.msk [tilespmem:v51+s7+$0x0], $0xffff  }
0x95: {  	s23 =	sadd.s32 $0x2B, s15;
	v19 =	vld.idx.msk [tilespmem:v19+s3+$0x0], $0xffff  }
0x96: {  	s24 =	sadd.s32 $0x2C, s15;
	s28 =	sadd.s32 $0x2F, s15;
	s25 =	sadd.s32 $0x2D, s15;
	v63 =	vmov s23;
	v18 =	vld.idx.msk [tilespmem:v55+s7+$0x0], $0xffff  }
0x97: {  	v37 =	vmov s24;
	v46 =	vmov s28;
	v39 =	vmov s25;
	v21 =	vld.idx.msk [tilespmem:v21+s3+$0x0], $0xffff  }
0x98: {  	v40 =	vand.u32 $0x6C, v37;
	v47 =	vshll.u32 v46, $0x3;
	v5 =	vand.u32 $0x7FFFFC00, v31;
	v20 =	vld.idx.msk [tilespmem:v57+s7+$0x0], $0xffff  }
0x99: {  	v48 =	vand.u32 $0x6F, v46;
	v35 =	vshll.u32 v63, $0x3;
	v5 =	vor.u32 v33, v5;
	v23 =	vld.idx.msk [tilespmem:v23+s3+$0x0], $0xffff  }
0x9a: {  	v41 =	vshll.u32 v39, $0x3;
	v26 =	vand.u32 $0x7FFFFC00, v35;
	v5 =	vadd.s32 v0, v5;
	v22 =	vld.idx.msk [tilespmem:v61+s7+$0x0], $0xffff  }
0x9b: {  	v30 =	vand.u32 $0x7FFFFC00, v41;
	v4 =	vadd.s32 v0, v42;
	v42 =	vand.u32 $0x6D, v39;
	v24 =	vld.idx.msk [tilespmem:v63+s7+$0x0], $0xffff  }
0x9c: {  	s26 =	sadd.s32 $0x2E, s15;
	v36 =	vand.u32 $0x6B, v63;
	v38 =	vshll.u32 v37, $0x3;
	v29 =	vor.u32 v42, v30;
	v28 =	vld.idx.msk [tilespmem:v39+s7+$0x0], $0xffff  }
0x9d: {  	v43 =	vmov s26;
	v32 =	vand.u32 $0x7FFFFC00, v47;
	v57 =	vld.idx.msk [tilespmem:v46+s7+$0x0], $0xffff;
	v25 =	vor.u32 v36, v26  }
0x9e: {  	v29 =	vadd.s32 v0, v29;
	v44 =	vshll.u32 v43, $0x3;
	v45 =	vand.u32 $0x6E, v43;
	v26 =	vld.idx.msk [tilespmem:v37+s7+$0x0], $0xffff  }
0x9f: {  	v32 =	vor.u32 v48, v32;
	v25 =	vadd.s32 v0, v25;
	v31 =	vand.u32 $0x7FFFFC00, v44;
	v5 =	vld.idx.msk [tilespmem:v5+s3+$0x0], $0xffff  }
0xa0: {  	v27 =	vand.u32 $0x7FFFFC00, v38;
	v32 =	vadd.s32 v0, v32;
	v31 =	vor.u32 v45, v31;
	v2 =	vld.idx.msk [tilespmem:v2+s3+$0x0], $0xffff  }
0xa1: {  	v27 =	vor.u32 v40, v27;
	v4 =	vld.idx.msk [tilespmem:v4+s3+$0x0], $0xffff;
	v31 =	vadd.s32 v0, v31  }
0xa2: {  	v27 =	vadd.s32 v0, v27;
	v51 =	vld.idx.msk [tilespmem:v43+s7+$0x0], $0xffff  }
0xa3: {  	s17 =	sadd.s32 $0x32, s15;
	s20 =	sadd.s32 $0x35, s15;
	v29 =	vld.idx.msk [tilespmem:v29+s3+$0x0], $0xffff  }
0xa4: {  	v30 =	vmov s17;
	v39 =	vmov s20;
	v49 =	vmul.f32 v6, v7;
	v25 =	vld.idx.msk [tilespmem:v25+s3+$0x0], $0xffff  }
0xa5: {  	s19 =	sadd.s32 $0x34, s15;
	v33 =	vand.u32 $0x72, v30;
	v52 =	vmul.f32 v9, v11;
	v53 =	vmul.f32 v12, v13;
	v54 =	vld.idx.msk [tilespmem:v32+s3+$0x0], $0xffff  }
0xa6: {  	v37 =	vmov s19;
	v55 =	vmul.f32 v14, v15;
	v56 =	vmul.f32 v16, v17;
	v50 =	vld.idx.msk [tilespmem:v31+s3+$0x0], $0xffff  }
0xa7: {  	v41 =	vshll.u32 v39, $0x3;
	v58 =	vmul.f32 v18, v19;
	v59 =	vmul.f32 v20, v21;
	v27 =	vld.idx.msk [tilespmem:v27+s3+$0x0], $0xffff  }
0xa8: {  	v42 =	vand.u32 $0x75, v39;
	v60 =	vmul.f32 v22, v23;
	v3 =	vmul.f32 v3, v5  }
0xa9: {  	v38 =	vshll.u32 v37, $0x3;
	v2 =	vmul.f32 v8, v2;
	v4 =	vmul.f32 v10, v4  }
0xaa: {  	v5 =	vadd.f32 v53, v49;
	v63 =	vmul.f32 v28, v29;
	v62 =	vmul.f32 v24, v25  }
0xab: {  	v3 =	vadd.f32 v52, v3;
	v21 =	vmul.f32 v57, v54;
	v6 =	vmul.f32 v51, v50  }
0xac: {  	v2 =	vadd.f32 v55, v2;
	v4 =	vadd.f32 v56, v4;
	v61 =	vmul.f32 v26, v27  }
0xad: {  	s22 =	sadd.s32 $0x37, s15;
	v40 =	vand.u32 $0x74, v37;
	v8 =	vadd.f32 v21, v62;
	v6 =	vadd.f32 v6, v60  }
0xae: {  	s29 =	sadd.s32 $0xFFFFFFFF, s14;
	v45 =	vmov s22;
	v22 =	vadd.f32 v63, v59;
	v20 =	vadd.f32 v61, v58  }
0xaf: {  	v23 =	vmov s29;
	v4 =	vadd.f32 v8, v4;
	v2 =	vadd.f32 v6, v2  }
0xb0: {  	s31 =	sadd.s32 $0x31, s15;
	v24 =	vand.u32 $0x7E, v23;
	v5 =	vadd.f32 v22, v5;
	v3 =	vadd.f32 v20, v3  }
0xb1: {  	v26 =	vmov s31;
	v2 =	vadd.f32 v4, v2;
	v4 =	vbroadcast v24, $0x0  }
0xb2: {  	v47 =	vshll.u32 v45, $0x3;
	v28 =	vshll.u32 v26, $0x3;
	v3 =	vadd.f32 v5, v3  }
0xb3: {  	s30 =	sadd.s32 $0x30, s15;
	v29 =	vand.u32 $0x71, v26;
	v8 =	vand.u32 $0x7FFFFC00, v28;
	v4 =	vor.u32 v1, v4  }
0xb4: {  	v7 =	vor.u32 v29, v8;
	v2 =	vadd.f32 v2, v3;
	v3 =	vmov s30  }
0xb5: {  	s21 =	sadd.s32 $0x36, s15;
	v48 =	vand.u32 $0x77, v45;
	v11 =	vand.u32 $0x7FFFFC00, v38;
	v7 =	vadd.s32 v0, v7  }
0xb6: {  	v14 =	vand.u32 $0x7FFFFC00, v41;
	v43 =	vmov s21;
	v18 =	vand.u32 $0x7FFFFC00, v47  }
0xb7: {  	s18 =	sadd.s32 $0x33, s15;
	v11 =	vor.u32 v40, v11;
	v13 =	vor.u32 v42, v14;
	v44 =	vshll.u32 v43, $0x3  }
0xb8: {  	v46 =	vand.u32 $0x76, v43;
	v17 =	vor.u32 v48, v18;
	v32 =	vmov s18;
	[tilespmem:v4+s11+$0x0] =	vst.idx.msk $0xffff, v2  }
0xb9: {  	v11 =	vadd.s32 v0, v11;
	v25 =	vshll.u32 v3, $0x3;
	v27 =	vand.u32 $0x70, v3;
	v3 =	vld.idx.msk [tilespmem:v3+s7+$0x0], $0xffff  }
0xba: {  	v13 =	vadd.s32 v0, v13;
	v15 =	vand.u32 $0x7FFFFC00, v44;
	v17 =	vadd.s32 v0, v17;
	v7 =	vld.idx.msk [tilespmem:v7+s3+$0x0], $0xffff  }
0xbb: {  	s23 =	sadd.s32 $0x38, s15;
	v34 =	vshll.u32 v32, $0x3;
	v35 =	vand.u32 $0x73, v32;
	v15 =	vor.u32 v46, v15;
	v6 =	vld.idx.msk [tilespmem:v26+s7+$0x0], $0xffff  }
0xbc: {  	v49 =	vmov s23;
	v31 =	vshll.u32 v30, $0x3;
	v12 =	vand.u32 $0x7FFFFC00, v34;
	v8 =	vld.idx.msk [tilespmem:v30+s7+$0x0], $0xffff  }
0xbd: {  	v15 =	vadd.s32 v0, v15;
	v9 =	vand.u32 $0x7FFFFC00, v31;
	v36 =	vor.u32 v35, v12;
	v10 =	vld.idx.msk [tilespmem:v32+s7+$0x0], $0xffff  }
0xbe: {  	s24 =	sadd.s32 $0x39, s15;
	v52 =	vand.u32 $0x78, v49;
	v9 =	vor.u32 v33, v9;
	v50 =	vshll.u32 v49, $0x3;
	v11 =	vld.idx.msk [tilespmem:v11+s3+$0x0], $0xffff  }
0xbf: {  	s25 =	sadd.s32 $0x3A, s15;
	v51 =	vmov s24;
	v19 =	vand.u32 $0x7FFFFC00, v50;
	v2 =	vadd.s32 v0, v9;
	v9 =	vld.idx.msk [tilespmem:v37+s7+$0x0], $0xffff  }
0xc0: {  	v55 =	vmov s25;
	v53 =	vshll.u32 v51, $0x3;
	v19 =	vor.u32 v52, v19;
	v13 =	vld.idx.msk [tilespmem:v13+s3+$0x0], $0xffff  }
0xc1: {  	v54 =	vand.u32 $0x79, v51;
	v22 =	vand.u32 $0x7FFFFC00, v53;
	v19 =	vadd.s32 v0, v19;
	v12 =	vld.idx.msk [tilespmem:v39+s7+$0x0], $0xffff  }
0xc2: {  	v56 =	vshll.u32 v55, $0x3;
	v21 =	vor.u32 v54, v22;
	v15 =	vld.idx.msk [tilespmem:v15+s3+$0x0], $0xffff  }
0xc3: {  	v23 =	vand.u32 $0x7FFFFC00, v56;
	v58 =	vand.u32 $0x7A, v55;
	v21 =	vadd.s32 v0, v21;
	v14 =	vld.idx.msk [tilespmem:v43+s7+$0x0], $0xffff  }
0xc4: {  	v23 =	vor.u32 v58, v23;
	v17 =	vld.idx.msk [tilespmem:v17+s3+$0x0], $0xffff  }
0xc5: {  	v23 =	vadd.s32 v0, v23;
	v16 =	vld.idx.msk [tilespmem:v45+s7+$0x0], $0xffff  }
0xc6: {  	s26 =	sadd.s32 $0x3B, s15;
	s29 =	sadd.s32 $0x3D, s15;
	v19 =	vld.idx.msk [tilespmem:v19+s3+$0x0], $0xffff  }
0xc7: {  	v57 =	vmov s26;
	v63 =	vmov s29;
	v18 =	vld.idx.msk [tilespmem:v49+s7+$0x0], $0xffff  }
0xc8: {  	s28 =	sadd.s32 $0x3C, s15;
	v59 =	vshll.u32 v57, $0x3;
	s31 =	sadd.s32 $0x3F, s15;
	v38 =	vand.u32 $0x7D, v63;
	v21 =	vld.idx.msk [tilespmem:v21+s3+$0x0], $0xffff  }
0xc9: {  	v42 =	vmov s31;
	v61 =	vmov s28;
	v5 =	vand.u32 $0x7FFFFC00, v25;
	v20 =	vld.idx.msk [tilespmem:v51+s7+$0x0], $0xffff  }
0xca: {  	v44 =	vand.u32 $0x7F, v42;
	v62 =	vshll.u32 v61, $0x3;
	v5 =	vor.u32 v27, v5;
	v23 =	vld.idx.msk [tilespmem:v23+s3+$0x0], $0xffff  }
0xcb: {  	v60 =	vand.u32 $0x7B, v57;
	v27 =	vand.u32 $0x7FFFFC00, v62;
	v5 =	vadd.s32 v0, v5;
	v22 =	vld.idx.msk [tilespmem:v55+s7+$0x0], $0xffff  }
0xcc: {  	s30 =	sadd.s32 $0x3E, s15;
	v4 =	vadd.s32 v0, v36;
	v36 =	vand.u32 $0x7C, v61;
	v26 =	vand.u32 $0x7FFFFC00, v59;
	v24 =	vld.idx.msk [tilespmem:v57+s7+$0x0], $0xffff  }
0xcd: {  	v37 =	vshll.u32 v63, $0x3;
	v27 =	vor.u32 v36, v27;
	v39 =	vmov s30;
	v28 =	vld.idx.msk [tilespmem:v63+s7+$0x0], $0xffff  }
0xce: {  	v43 =	vshll.u32 v42, $0x3;
	v53 =	vld.idx.msk [tilespmem:v42+s7+$0x0], $0xffff;
	v25 =	vor.u32 v60, v26;
	v30 =	vand.u32 $0x7FFFFC00, v37  }
0xcf: {  	v27 =	vadd.s32 v0, v27;
	v40 =	vshll.u32 v39, $0x3;
	v41 =	vand.u32 $0x7E, v39;
	v26 =	vld.idx.msk [tilespmem:v61+s7+$0x0], $0xffff  }
0xd0: {  	v32 =	vand.u32 $0x7FFFFC00, v43;
	v25 =	vadd.s32 v0, v25;
	v29 =	vor.u32 v38, v30;
	v5 =	vld.idx.msk [tilespmem:v5+s3+$0x0], $0xffff  }
0xd1: {  	v31 =	vand.u32 $0x7FFFFC00, v40;
	v32 =	vor.u32 v44, v32;
	v29 =	vadd.s32 v0, v29;
	v2 =	vld.idx.msk [tilespmem:v2+s3+$0x0], $0xffff  }
0xd2: {  	v31 =	vor.u32 v41, v31;
	v32 =	vadd.s32 v0, v32;
	v4 =	vld.idx.msk [tilespmem:v4+s3+$0x0], $0xffff  }
0xd3: {  	v31 =	vadd.s32 v0, v31;
	v47 =	vld.idx.msk [tilespmem:v39+s7+$0x0], $0xffff  }
0xd4: {  	v27 =	vld.idx.msk [tilespmem:v27+s3+$0x0], $0xffff  }
0xd5: {  	v25 =	vld.idx.msk [tilespmem:v25+s3+$0x0], $0xffff  }
0xd6: {  	v45 =	vmul.f32 v6, v7;
	v48 =	vmul.f32 v9, v11;
	v29 =	vld.idx.msk [tilespmem:v29+s3+$0x0], $0xffff  }
0xd7: {  	v49 =	vmul.f32 v12, v13;
	v51 =	vmul.f32 v14, v15;
	v50 =	vld.idx.msk [tilespmem:v32+s3+$0x0], $0xffff  }
0xd8: {  	v52 =	vmul.f32 v16, v17;
	v54 =	vmul.f32 v18, v19;
	v46 =	vld.idx.msk [tilespmem:v31+s3+$0x0], $0xffff  }
0xd9: {  	v55 =	vmul.f32 v20, v21;
	v3 =	vmul.f32 v3, v5  }
0xda: {  	v56 =	vmul.f32 v22, v23;
	v5 =	vadd.f32 v49, v45;
	v2 =	vmul.f32 v8, v2  }
0xdb: {  	v4 =	vmul.f32 v10, v4;
	v3 =	vadd.f32 v48, v3;
	v57 =	vmul.f32 v26, v27  }
0xdc: {  	v2 =	vadd.f32 v51, v2;
	v58 =	vmul.f32 v24, v25;
	v59 =	vmul.f32 v28, v29  }
0xdd: {  	v4 =	vadd.f32 v52, v4;
	v61 =	vmul.f32 v53, v50;
	v6 =	vmul.f32 v47, v46  }
0xde: {  	v60 =	vadd.f32 v57, v54;
	v62 =	vadd.f32 v59, v55  }
0xdf: {  	v8 =	vadd.f32 v61, v58;
	v6 =	vadd.f32 v6, v56  }
0xe0: {  	v3 =	vadd.f32 v60, v3;
	v5 =	vadd.f32 v62, v5  }
0xe1: {  	v4 =	vadd.f32 v8, v4;
	v2 =	vadd.f32 v6, v2  }
0xe2: {  	p0 =	sne.s32 s15, $0x7C0;
	v63 =	vor.u32 s14, v1  }
.Ltmp0:
0xe3: {  	v3 =	vadd.f32 v5, v3;
	v2 =	vadd.f32 v4, v2;
	(pc) =	sbr.rel @p0 .LBB2_2-.Ltmp0, $3  }
0xe4: {  	_ = 	snop  }
0xe5: {  	v2 =	vadd.f32 v2, v3;
	_ =	sdelay $0x1  }
0xe6: {  	s15 =	sadd.s32 $0x40, s15;
	s14 =	sadd.s32 $0x4, s14;
	[tilespmem:v63+s11+$0x0] =	vst.idx.msk $0xffff, v2  }
0xe7: {  	s13 =	sadd.s32 $0x1, s13  }
0xe8: {  	p0 =	sne.s32 s13, s6  }
.Ltmp1:
0xe9: {  	_ = 	snop;
	(pc) =	sbr.rel @p0 .LBB2_1-.Ltmp1, $4  }
0xea: {  	[hbm4b:s5+s3] =	stream.linear.scatter [tilespmem:s11], [sflag:$0x3], $0x800, $0x38;
	[tilespmem:$0x12000] =	vst v63  }
0xeb: {  	_ =	swait.ge [sflag:s12], $0x800  }
0xec: {  	[sflag:s12] =	ssyncset.done $0x0  }
0xed: {  	[sflag:s12] =	ssyncadd.s32 $0xFFFFF800  }
0xee: {  	_ =	sfence.sel $0x180000  }
0xef: {  	[bflag:$0x0] =	sbarrier.arrive $0xFFFF  }
0xf0: {  	p0 =	sne.s32 s0, $0x0;
	_ =	strace $0x90000047  }
0xf1: {  	s0 =	sadd.s32 @!p0 $0x100000, s2;
	[bflag:$0x2] =	sbarrier.arrive $0xFFFF  }
0xf2: {  	[sflag:s0] =	ssyncadd.tile.s32 @!p0 $0x1;
	_ =	shalt  }
.Lfunc_end2:
_tile_overlayer_lowered:
.L_overlay_start_2:
0xf3: {  	(tag) =	ssettag $0x2  }
0xf4: {  	s0 =	rddreg [dreg:$0x0];
	s2 =	stileid.u32  }
0xf5: {  	s1 =	rddreg [dreg:$0x1];
	p0 =	sne.s32 s2, $0x0  }
0xf6: {  	s3 =	rddreg [dreg:$0x2];
	[bflag:$0x3] =	sbarrier.arrive $0xFFFF;
	s2 =	simm.s32 @!p0 $0x1C03  }
0xf7: {  	[timem:s3], [sflag:s2] =	dma.local @!p0 [hbm:s0], s1  }
0xf8: {  	s0 =	simm.s32 @!p0 $0x3  }
0xf9: {  	_ =	swait.ge @!p0 [sflag:s0], s1  }
0xfa: {  	s1 =	ssub.s32 @!p0 $0x0, s1;
	[sflag:s0] =	ssyncset.done @!p0 $0x0  }
0xfb: {  	[sflag:s0] =	ssyncadd.s32 @!p0 s1  }
0xfc: {  	[bflag:$0x3] =	sbarrier.arrive $0xFFFF  }
0xfd: {  	_ =	shalt  }

</sc_bundles>
